<compile_context>
chip_gen: v7x
topology: tpu7x:2x2x1
jax: 0.10.2.dev20260603
libtpu: 0.0.44.dev20260713+nightly
codegen_flags: <defaults>
</compile_context>

<pallas_src>
import dataclasses
import functools

import jax
import jax.numpy as jnp
from jax import lax
from jax.experimental import pallas as pl
from jax.experimental.pallas import tpu as pltpu
from jax.experimental.pallas import tpu_sc as plsc

EMB = 64
SEQ = 200
BATCH = 4096
NUM_CORES = 2
NUM_SUBCORES = 16
NW = NUM_CORES * NUM_SUBCORES
LANES = 16
BTILE = 128


def _compiler_params():
    cp = pltpu.CompilerParams(use_tc_tiling_on_sc=False)
    if "needs_layout_passes" in pltpu.CompilerParams.__dataclass_fields__:
        cp = dataclasses.replace(cp, needs_layout_passes=False)
    return cp


def _emb_kernel():
    mesh = plsc.VectorSubcoreMesh(core_axis_name="c", subcore_axis_name="s")
    out_shape = (SEQ, EMB // 8, BATCH // BTILE, 8 * BTILE)

    @functools.partial(
        pl.kernel,
        out_type=jax.ShapeDtypeStruct(out_shape, jnp.float32),
        mesh=mesh,
        compiler_params=_compiler_params(),
        scratch_types=[
            pltpu.VMEM((SEQ, BTILE), jnp.int32),
            pltpu.VMEM((BTILE, EMB), jnp.float32),
            pltpu.VMEM((BTILE, EMB), jnp.float32),
            pltpu.VMEM((EMB // 8, 8 * BTILE), jnp.float32),
            pltpu.VMEM((EMB // 8, 8 * BTILE), jnp.float32),
            pltpu.VMEM((SEQ, EMB), jnp.float32),
            pltpu.SemaphoreType.DMA,
            pltpu.SemaphoreType.DMA,
            pltpu.SemaphoreType.DMA,
            pltpu.SemaphoreType.DMA,
        ],
    )
    def k(xr_hbm, tok_hbm, pos_hbm, out_hbm,
          idx_v, rows0, rows1, tr0, tr1, pos_v, g0, g1, o0, o1):
        wid = lax.axis_index("s") * NUM_CORES + lax.axis_index("c")
        pltpu.sync_copy(pos_hbm, pos_v)
        pltpu.sync_copy(xr_hbm.at[wid], idx_v)

        lane = lax.iota(jnp.int32, LANES)
        rbs = [lane + jnp.int32(rb * LANES) for rb in range(BTILE // LANES)]

        def transpose_add(s, rows_v, tr_v):
            s_vec = jnp.full((LANES,), 0, jnp.int32) + s
            for j in range(EMB // LANES):
                @plsc.parallel_loop(0, LANES, unroll=2)
                def _k(kk):
                    e = jnp.int32(16 * j) + lax.bitwise_and(lane + kk, jnp.int32(15))
                    e_hi = lax.shift_right_logical(e, jnp.int32(3))
                    e_lo7 = lax.shift_left(lax.bitwise_and(e, jnp.int32(7)),
                                           jnp.int32(7))
                    pp = plsc.load_gather(pos_v, [s_vec, e])
                    for rb in range(BTILE // LANES):
                        v = plsc.load_gather(rows_v, [rbs[rb], e]) + pp
                        plsc.store_scatter(tr_v, [e_hi, e_lo7 + rbs[rb]], v)

        def fire_gather(s, rows_v, sem):
            pltpu.async_copy(tok_hbm.at[idx_v.at[s]], rows_v, sem)

        def wait_gather(s, rows_v, sem):
            pltpu.make_async_copy(tok_hbm.at[idx_v.at[s]], rows_v, sem).wait()

        def fire_out(s, tr_v, sem):
            pltpu.async_copy(tr_v, out_hbm.at[s, pl.ds(0, EMB // 8), wid], sem)

        def wait_out(tr_v, sem):
            pltpu.make_async_copy(
                tr_v, out_hbm.at[0, pl.ds(0, EMB // 8), 0], sem).wait()

        fire_gather(0, rows0, g0)

        @pl.loop(0, SEQ // 2)
        def _pair(p):
            s_a = 2 * p

            @pl.when(p > 0)
            def _():
                wait_out(tr1, o1)
            fire_gather(s_a + 1, rows1, g1)
            wait_gather(s_a, rows0, g0)
            transpose_add(s_a, rows0, tr0)
            fire_out(s_a, tr0, o0)

            @pl.when(p < SEQ // 2 - 1)
            def _():
                wait_out(tr0, o0)
                fire_gather(s_a + 2, rows0, g0)
            wait_gather(s_a + 1, rows1, g1)
            transpose_add(s_a + 1, rows1, tr1)
            fire_out(s_a + 1, tr1, o1)

        wait_out(tr0, o0)
        wait_out(tr1, o1)

    return k


def kernel(x, token_table, pos_table):
    b, seq = x.shape
    xr = x.reshape(b // BTILE, BTILE, seq).transpose(0, 2, 1)
    out = _emb_kernel()(xr, token_table, pos_table)
    out = out.reshape(seq, EMB // 8, b // BTILE, 8, BTILE)
    out = out.transpose(2, 4, 0, 1, 3).reshape(b, seq, EMB)
    return out

# --- scband reference (transcript-rebuilt; emitter-appended) ---
"""Pipeline reference for scband-token-and-position-embedding-30047591203237 (READ-ONLY COPY).

The authoritative reference and input builder live on the scoring server;
editing this copy changes nothing except your own understanding.
"""

import jax, jax.numpy as jnp
import numpy as np

VOCAB = 1000000
MAX_LEN = 200
EMB = 64
BATCH = 4096


def setup_inputs(seed: int = 0) -> dict:
    key = jax.random.key(seed)
    k1, k2, k3 = jax.random.split(key, 3)
    x = jax.random.randint(k1, (BATCH, MAX_LEN), 0, VOCAB, dtype=jnp.int64 if jax.config.jax_enable_x64 else jnp.int32)
    token_table = jax.random.normal(k2, (VOCAB, EMB), dtype=jnp.float32) * 0.02
    pos_table = jax.random.normal(k3, (MAX_LEN, EMB), dtype=jnp.float32) * 0.02
    return {"x": x, "token_table": token_table, "pos_table": pos_table}


def reference(x, token_table, pos_table):
    seq_len = x.shape[-1]
    positions = jnp.arange(seq_len)
    pos = jnp.take(pos_table, positions, axis=0)  # [seq_len, EMB]
    tok = jnp.take(token_table, x, axis=0)        # [BATCH, seq_len, EMB]
    return tok + pos

if __name__ == "__main__":
    import jax
    _d = setup_inputs()
    print(jax.jit(kernel)(*tuple(_d.values())))

</pallas_src>

<mosaic_0001>
#map = affine_map<(d0, d1) -> (0, 0, 0)>
#map1 = affine_map<(d0, d1) -> (0, 0)>
#map2 = affine_map<(d0, d1) -> (0, 0, 0, 0)>
module attributes {stable_mosaic.version = 14 : i64} {
  func.func @k(%arg0: i32, %arg1: i32, %arg2: memref<32x200x128xi32, #tpu.memory_space<hbm>>, %arg3: memref<1000000x64xf32, #tpu.memory_space<hbm>>, %arg4: memref<200x64xf32, #tpu.memory_space<hbm>>, %arg5: memref<200x8x32x1024xf32, #tpu.memory_space<hbm>>, %arg6: memref<200x128xi32, #tpu.memory_space<vmem>>, %arg7: memref<128x64xf32, #tpu.memory_space<vmem>>, %arg8: memref<128x64xf32, #tpu.memory_space<vmem>>, %arg9: memref<8x1024xf32, #tpu.memory_space<vmem>>, %arg10: memref<8x1024xf32, #tpu.memory_space<vmem>>, %arg11: memref<200x64xf32, #tpu.memory_space<vmem>>, %arg12: memref<!tpu.dma_semaphore, #tpu.memory_space<semaphore_mem>>, %arg13: memref<!tpu.dma_semaphore, #tpu.memory_space<semaphore_mem>>, %arg14: memref<!tpu.dma_semaphore, #tpu.memory_space<semaphore_mem>>, %arg15: memref<!tpu.dma_semaphore, #tpu.memory_space<semaphore_mem>>) attributes {dimension_semantics = [#tpu.dimension_semantics<core_parallel>, #tpu.dimension_semantics<subcore_parallel>], iteration_bounds = array<i64: 2, 16>, scalar_prefetch = 0 : i64, scratch_operands = 10 : i64, tpu.core_type = #tpu.core_type<sc_vector_subcore>, window_params = [{transform_indices = #map}, {transform_indices = #map1}, {transform_indices = #map1}, {transform_indices = #map2}]} {
    %mul3A = arith.constant 2 : i32
    %mul3A_0 = arith.muli %arg1, %mul3A : i32
    %add3A = arith.addi %mul3A_0, %arg0 : i32
    "tpu.region"() ({
      %run_scoped3A = tpu.sem_alloc : memref<!tpu.dma_semaphore, #tpu.memory_space<semaphore_mem>>
      tpu.enqueue_dma source(%arg4 : memref<200x64xf32, #tpu.memory_space<hbm>>) target(%arg11 : memref<200x64xf32, #tpu.memory_space<vmem>>) target_semaphore(%run_scoped3A : memref<!tpu.dma_semaphore, #tpu.memory_space<semaphore_mem>>)
      tpu.wait_dma2 semaphore(%run_scoped3A : memref<!tpu.dma_semaphore, #tpu.memory_space<semaphore_mem>>) src(%arg4 : memref<200x64xf32, #tpu.memory_space<hbm>>) dst(%arg11 : memref<200x64xf32, #tpu.memory_space<vmem>>)
      tpu.yield
    }) : () -> ()
    "tpu.region"() ({
      %run_scoped3A = tpu.sem_alloc : memref<!tpu.dma_semaphore, #tpu.memory_space<semaphore_mem>>
      %dma_start3A_54 = arith.constant 0 : i32
      %dma_start3A_55 = arith.constant 0 : i32
      %dma_start3A_56 = tpu.memref_slice %arg2[%add3A, %dma_start3A_54, %dma_start3A_55] : memref<32x200x128xi32, #tpu.memory_space<hbm>> -> memref<1x200x128xi32, #tpu.memory_space<hbm>>
      %dma_start3A_57 = tpu.memref_squeeze %dma_start3A_56 : memref<1x200x128xi32, #tpu.memory_space<hbm>> -> memref<200x128xi32, #tpu.memory_space<hbm>>
      %dma_start3A_58 = arith.constant 0 : i32
      %dma_start3A_59 = arith.constant 0 : i32
      %dma_start3A_60 = tpu.memref_slice %arg2[%add3A, %dma_start3A_58, %dma_start3A_59] : memref<32x200x128xi32, #tpu.memory_space<hbm>> -> memref<1x200x128xi32, #tpu.memory_space<hbm>>
      %dma_start3A_61 = tpu.memref_squeeze %dma_start3A_60 : memref<1x200x128xi32, #tpu.memory_space<hbm>> -> memref<200x128xi32, #tpu.memory_space<hbm>>
      tpu.enqueue_dma source(%dma_start3A_61 : memref<200x128xi32, #tpu.memory_space<hbm>>) target(%arg6 : memref<200x128xi32, #tpu.memory_space<vmem>>) target_semaphore(%run_scoped3A : memref<!tpu.dma_semaphore, #tpu.memory_space<semaphore_mem>>)
      %dma_wait3A_62 = arith.constant 0 : i32
      %dma_wait3A_63 = arith.constant 0 : i32
      %dma_wait3A_64 = tpu.memref_slice %arg2[%add3A, %dma_wait3A_62, %dma_wait3A_63] : memref<32x200x128xi32, #tpu.memory_space<hbm>> -> memref<1x200x128xi32, #tpu.memory_space<hbm>>
      %dma_wait3A_65 = tpu.memref_squeeze %dma_wait3A_64 : memref<1x200x128xi32, #tpu.memory_space<hbm>> -> memref<200x128xi32, #tpu.memory_space<hbm>>
      %dma_wait3A_66 = arith.constant 0 : i32
      %dma_wait3A_67 = arith.constant 0 : i32
      %dma_wait3A_68 = tpu.memref_slice %arg2[%add3A, %dma_wait3A_66, %dma_wait3A_67] : memref<32x200x128xi32, #tpu.memory_space<hbm>> -> memref<1x200x128xi32, #tpu.memory_space<hbm>>
      %dma_wait3A_69 = tpu.memref_squeeze %dma_wait3A_68 : memref<1x200x128xi32, #tpu.memory_space<hbm>> -> memref<200x128xi32, #tpu.memory_space<hbm>>
      tpu.wait_dma2 semaphore(%run_scoped3A : memref<!tpu.dma_semaphore, #tpu.memory_space<semaphore_mem>>) src(%dma_wait3A_69 : memref<200x128xi32, #tpu.memory_space<hbm>>) dst(%arg6 : memref<200x128xi32, #tpu.memory_space<vmem>>)
      tpu.yield
    }) : () -> ()
    %iota3A = tpu.iota {dimensions = array<i32: 0>} : vector<16xi32>
    %add3A_1 = arith.constant 0 : i32
    %add3A_2 = vector.broadcast %add3A_1 : i32 to vector<16xi32>
    %add3A_3 = arith.addi %iota3A, %add3A_2 : vector<16xi32>
    %add3A_4 = arith.constant 16 : i32
    %add3A_5 = vector.broadcast %add3A_4 : i32 to vector<16xi32>
    %add3A_6 = arith.addi %iota3A, %add3A_5 : vector<16xi32>
    %add3A_7 = arith.constant 32 : i32
    %add3A_8 = vector.broadcast %add3A_7 : i32 to vector<16xi32>
    %add3A_9 = arith.addi %iota3A, %add3A_8 : vector<16xi32>
    %add3A_10 = arith.constant 48 : i32
    %add3A_11 = vector.broadcast %add3A_10 : i32 to vector<16xi32>
    %add3A_12 = arith.addi %iota3A, %add3A_11 : vector<16xi32>
    %add3A_13 = arith.constant 64 : i32
    %add3A_14 = vector.broadcast %add3A_13 : i32 to vector<16xi32>
    %add3A_15 = arith.addi %iota3A, %add3A_14 : vector<16xi32>
    %add3A_16 = arith.constant 80 : i32
    %add3A_17 = vector.broadcast %add3A_16 : i32 to vector<16xi32>
    %add3A_18 = arith.addi %iota3A, %add3A_17 : vector<16xi32>
    %add3A_19 = arith.constant 96 : i32
    %add3A_20 = vector.broadcast %add3A_19 : i32 to vector<16xi32>
    %add3A_21 = arith.addi %iota3A, %add3A_20 : vector<16xi32>
    %add3A_22 = arith.constant 112 : i32
    %add3A_23 = vector.broadcast %add3A_22 : i32 to vector<16xi32>
    %add3A_24 = arith.addi %iota3A, %add3A_23 : vector<16xi32>
    %dma_start3A = arith.constant 0 : i32
    %dma_start3A_25 = arith.constant 0 : i32
    %dma_start3A_26 = tpu.memref_slice %arg6[%dma_start3A, %dma_start3A_25] : memref<200x128xi32, #tpu.memory_space<vmem>> -> memref<1x128xi32, #tpu.memory_space<vmem>>
    %dma_start3A_27 = tpu.memref_squeeze %dma_start3A_26 : memref<1x128xi32, #tpu.memory_space<vmem>> -> memref<128xi32, #tpu.memory_space<vmem>>
    %dma_start3A_28 = arith.constant 0 : i32
    %dma_start3A_29 = arith.constant 0 : i32
    %dma_start3A_30 = tpu.memref_slice %arg3[%dma_start3A_28, %dma_start3A_29] : memref<1000000x64xf32, #tpu.memory_space<hbm>> -> memref<1000000x64xf32, #tpu.memory_space<hbm>>
    tpu.enqueue_indirect_dma source(%dma_start3A_30 : memref<1000000x64xf32, #tpu.memory_space<hbm>>) target(%arg7 : memref<128x64xf32, #tpu.memory_space<vmem>>) offsets(%dma_start3A_27 : memref<128xi32, #tpu.memory_space<vmem>>) semaphore(%arg12 : memref<!tpu.dma_semaphore, #tpu.memory_space<semaphore_mem>>)
    %scan3A = arith.constant 0 : i32
    %scan3A_31 = arith.constant 100 : i32
    %scan3A_32 = arith.addi %scan3A, %scan3A_31 : i32
    %scan3A_33 = arith.constant 1 : i32
    scf.for %scan3A_54 = %scan3A to %scan3A_32 step %scan3A_33  : i32 {
      %mul3A_55 = arith.constant 1 : i32
      %mul3A_56 = arith.muli %scan3A_54, %mul3A_55 : i32
      %add3A_57 = arith.constant 0 : i32
      %add3A_58 = arith.addi %add3A_57, %mul3A_56 : i32
      %mul3A_59 = arith.constant 2 : i32
      %mul3A_60 = arith.muli %mul3A_59, %add3A_58 : i32
      %gt3A = arith.constant 0 : i32
      %gt3A_61 = arith.cmpi sgt, %add3A_58, %gt3A : i32
      %convert_element_type3A = arith.extui %gt3A_61 : i1 to i32
      %cond3A = arith.constant 0 : i32
      %cond3A_62 = arith.cmpi ne, %convert_element_type3A, %cond3A : i32
      scf.if %cond3A_62 {
        %dma_wait3A_139 = arith.constant 0 : i32
        %dma_wait3A_140 = arith.constant 0 : i32
        %dma_wait3A_141 = arith.constant 0 : i32
        %dma_wait3A_142 = arith.constant 0 : i32
        %dma_wait3A_143 = tpu.memref_slice %arg5[%dma_wait3A_139, %dma_wait3A_141, %dma_wait3A_140, %dma_wait3A_142] : memref<200x8x32x1024xf32, #tpu.memory_space<hbm>> -> memref<1x8x1x1024xf32, #tpu.memory_space<hbm>>
        %dma_wait3A_144 = tpu.memref_squeeze %dma_wait3A_143 : memref<1x8x1x1024xf32, #tpu.memory_space<hbm>> -> memref<8x1024xf32, #tpu.memory_space<hbm>>
        %dma_wait3A_145 = arith.constant 0 : i32
        %dma_wait3A_146 = arith.constant 0 : i32
        %dma_wait3A_147 = tpu.memref_slice %arg5[%dma_wait3A_139, %dma_wait3A_145, %dma_wait3A_140, %dma_wait3A_146] : memref<200x8x32x1024xf32, #tpu.memory_space<hbm>> -> memref<1x8x1x1024xf32, #tpu.memory_space<hbm>>
        %dma_wait3A_148 = tpu.memref_squeeze %dma_wait3A_147 : memref<1x8x1x1024xf32, #tpu.memory_space<hbm>> -> memref<8x1024xf32, #tpu.memory_space<hbm>>
        tpu.wait_dma2 semaphore(%arg15 : memref<!tpu.dma_semaphore, #tpu.memory_space<semaphore_mem>>) src(%arg10 : memref<8x1024xf32, #tpu.memory_space<vmem>>) dst(%dma_wait3A_148 : memref<8x1024xf32, #tpu.memory_space<hbm>>)
      } else {
      }
      %add3A_63 = arith.constant 1 : i32
      %add3A_64 = arith.addi %mul3A_60, %add3A_63 : i32
      %dma_start3A_65 = arith.constant 0 : i32
      %dma_start3A_66 = tpu.memref_slice %arg6[%add3A_64, %dma_start3A_65] : memref<200x128xi32, #tpu.memory_space<vmem>> -> memref<1x128xi32, #tpu.memory_space<vmem>>
      %dma_start3A_67 = tpu.memref_squeeze %dma_start3A_66 : memref<1x128xi32, #tpu.memory_space<vmem>> -> memref<128xi32, #tpu.memory_space<vmem>>
      %dma_start3A_68 = arith.constant 0 : i32
      %dma_start3A_69 = arith.constant 0 : i32
      %dma_start3A_70 = tpu.memref_slice %arg3[%dma_start3A_68, %dma_start3A_69] : memref<1000000x64xf32, #tpu.memory_space<hbm>> -> memref<1000000x64xf32, #tpu.memory_space<hbm>>
      tpu.enqueue_indirect_dma source(%dma_start3A_70 : memref<1000000x64xf32, #tpu.memory_space<hbm>>) target(%arg8 : memref<128x64xf32, #tpu.memory_space<vmem>>) offsets(%dma_start3A_67 : memref<128xi32, #tpu.memory_space<vmem>>) semaphore(%arg13 : memref<!tpu.dma_semaphore, #tpu.memory_space<semaphore_mem>>)
      %dma_wait3A_71 = arith.constant 0 : i32
      %dma_wait3A_72 = tpu.memref_slice %arg6[%mul3A_60, %dma_wait3A_71] : memref<200x128xi32, #tpu.memory_space<vmem>> -> memref<1x128xi32, #tpu.memory_space<vmem>>
      %dma_wait3A_73 = tpu.memref_squeeze %dma_wait3A_72 : memref<1x128xi32, #tpu.memory_space<vmem>> -> memref<128xi32, #tpu.memory_space<vmem>>
      %dma_wait3A_74 = arith.constant 0 : i32
      %dma_wait3A_75 = arith.constant 0 : i32
      %dma_wait3A_76 = tpu.memref_slice %arg3[%dma_wait3A_74, %dma_wait3A_75] : memref<1000000x64xf32, #tpu.memory_space<hbm>> -> memref<1000000x64xf32, #tpu.memory_space<hbm>>
      tpu.wait_indirect_dma semaphore(%arg12 : memref<!tpu.dma_semaphore, #tpu.memory_space<semaphore_mem>>) src(%dma_wait3A_76 : memref<1000000x64xf32, #tpu.memory_space<hbm>>) dst(%arg7 : memref<128x64xf32, #tpu.memory_space<vmem>>)
      %broadcast_in_dim3A = arith.constant 0 : i32
      %broadcast_in_dim3A_77 = vector.broadcast %broadcast_in_dim3A : i32 to vector<16xi32>
      %add3A_78 = vector.broadcast %mul3A_60 : i32 to vector<16xi32>
      %add3A_79 = arith.addi %broadcast_in_dim3A_77, %add3A_78 : vector<16xi32>
      %parallel_loop3A = arith.constant 0 : i32
      %parallel_loop3A_80 = arith.constant 16 : i32
      %parallel_loop3A_81 = arith.constant 1 : i32
      scf.for %parallel_loop3A_139 = %parallel_loop3A to %parallel_loop3A_80 step %parallel_loop3A_81  : i32 {
        %parallel_loop3A_140 = vector.broadcast %parallel_loop3A_139 : i32 to vector<16xi32>
        %parallel_loop3A_141 = arith.addi %iota3A, %parallel_loop3A_140 : vector<16xi32>
        %parallel_loop3A_142 = arith.constant 15 : i32
        %parallel_loop3A_143 = vector.broadcast %parallel_loop3A_142 : i32 to vector<16xi32>
        %parallel_loop3A_144 = arith.andi %parallel_loop3A_141, %parallel_loop3A_143 : vector<16xi32>
        %parallel_loop3A_145 = arith.constant 0 : i32
        %parallel_loop3A_146 = vector.broadcast %parallel_loop3A_145 : i32 to vector<16xi32>
        %parallel_loop3A_147 = arith.addi %parallel_loop3A_146, %parallel_loop3A_144 : vector<16xi32>
        %parallel_loop3A_148 = arith.constant 3 : i32
        %parallel_loop3A_149 = vector.broadcast %parallel_loop3A_148 : i32 to vector<16xi32>
        %parallel_loop3A_150 = arith.shrui %parallel_loop3A_147, %parallel_loop3A_149 : vector<16xi32>
        %parallel_loop3A_151 = arith.constant 7 : i32
        %parallel_loop3A_152 = vector.broadcast %parallel_loop3A_151 : i32 to vector<16xi32>
        %parallel_loop3A_153 = arith.andi %parallel_loop3A_147, %parallel_loop3A_152 : vector<16xi32>
        %parallel_loop3A_154 = arith.constant 7 : i32
        %parallel_loop3A_155 = vector.broadcast %parallel_loop3A_154 : i32 to vector<16xi32>
        %parallel_loop3A_156 = arith.shli %parallel_loop3A_153, %parallel_loop3A_155 : vector<16xi32>
        %parallel_loop3A_157 = tpu.vector_load_idx %arg11[%add3A_79, %parallel_loop3A_147] : memref<200x64xf32, #tpu.memory_space<vmem>>[vector<16xi32>, vector<16xi32>], vector<16xf32>,
        %parallel_loop3A_158 = tpu.vector_load_idx %arg7[%add3A_3, %parallel_loop3A_147] : memref<128x64xf32, #tpu.memory_space<vmem>>[vector<16xi32>, vector<16xi32>], vector<16xf32>,
        %parallel_loop3A_159 = arith.addf %parallel_loop3A_158, %parallel_loop3A_157 : vector<16xf32>
        %parallel_loop3A_160 = arith.addi %parallel_loop3A_156, %add3A_3 : vector<16xi32>
        tpu.vector_store_idx %arg9[%parallel_loop3A_150, %parallel_loop3A_160], %parallel_loop3A_159 : memref<8x1024xf32, #tpu.memory_space<vmem>>[vector<16xi32>, vector<16xi32>], vector<16xf32>,
        %parallel_loop3A_161 = tpu.vector_load_idx %arg7[%add3A_6, %parallel_loop3A_147] : memref<128x64xf32, #tpu.memory_space<vmem>>[vector<16xi32>, vector<16xi32>], vector<16xf32>,
        %parallel_loop3A_162 = arith.addf %parallel_loop3A_161, %parallel_loop3A_157 : vector<16xf32>
        %parallel_loop3A_163 = arith.addi %parallel_loop3A_156, %add3A_6 : vector<16xi32>
        tpu.vector_store_idx %arg9[%parallel_loop3A_150, %parallel_loop3A_163], %parallel_loop3A_162 : memref<8x1024xf32, #tpu.memory_space<vmem>>[vector<16xi32>, vector<16xi32>], vector<16xf32>,
        %parallel_loop3A_164 = tpu.vector_load_idx %arg7[%add3A_9, %parallel_loop3A_147] : memref<128x64xf32, #tpu.memory_space<vmem>>[vector<16xi32>, vector<16xi32>], vector<16xf32>,
        %parallel_loop3A_165 = arith.addf %parallel_loop3A_164, %parallel_loop3A_157 : vector<16xf32>
        %parallel_loop3A_166 = arith.addi %parallel_loop3A_156, %add3A_9 : vector<16xi32>
        tpu.vector_store_idx %arg9[%parallel_loop3A_150, %parallel_loop3A_166], %parallel_loop3A_165 : memref<8x1024xf32, #tpu.memory_space<vmem>>[vector<16xi32>, vector<16xi32>], vector<16xf32>,
        %parallel_loop3A_167 = tpu.vector_load_idx %arg7[%add3A_12, %parallel_loop3A_147] : memref<128x64xf32, #tpu.memory_space<vmem>>[vector<16xi32>, vector<16xi32>], vector<16xf32>,
        %parallel_loop3A_168 = arith.addf %parallel_loop3A_167, %parallel_loop3A_157 : vector<16xf32>
        %parallel_loop3A_169 = arith.addi %parallel_loop3A_156, %add3A_12 : vector<16xi32>
        tpu.vector_store_idx %arg9[%parallel_loop3A_150, %parallel_loop3A_169], %parallel_loop3A_168 : memref<8x1024xf32, #tpu.memory_space<vmem>>[vector<16xi32>, vector<16xi32>], vector<16xf32>,
        %parallel_loop3A_170 = tpu.vector_load_idx %arg7[%add3A_15, %parallel_loop3A_147] : memref<128x64xf32, #tpu.memory_space<vmem>>[vector<16xi32>, vector<16xi32>], vector<16xf32>,
        %parallel_loop3A_171 = arith.addf %parallel_loop3A_170, %parallel_loop3A_157 : vector<16xf32>
        %parallel_loop3A_172 = arith.addi %parallel_loop3A_156, %add3A_15 : vector<16xi32>
        tpu.vector_store_idx %arg9[%parallel_loop3A_150, %parallel_loop3A_172], %parallel_loop3A_171 : memref<8x1024xf32, #tpu.memory_space<vmem>>[vector<16xi32>, vector<16xi32>], vector<16xf32>,
        %parallel_loop3A_173 = tpu.vector_load_idx %arg7[%add3A_18, %parallel_loop3A_147] : memref<128x64xf32, #tpu.memory_space<vmem>>[vector<16xi32>, vector<16xi32>], vector<16xf32>,
        %parallel_loop3A_174 = arith.addf %parallel_loop3A_173, %parallel_loop3A_157 : vector<16xf32>
        %parallel_loop3A_175 = arith.addi %parallel_loop3A_156, %add3A_18 : vector<16xi32>
        tpu.vector_store_idx %arg9[%parallel_loop3A_150, %parallel_loop3A_175], %parallel_loop3A_174 : memref<8x1024xf32, #tpu.memory_space<vmem>>[vector<16xi32>, vector<16xi32>], vector<16xf32>,
        %parallel_loop3A_176 = tpu.vector_load_idx %arg7[%add3A_21, %parallel_loop3A_147] : memref<128x64xf32, #tpu.memory_space<vmem>>[vector<16xi32>, vector<16xi32>], vector<16xf32>,
        %parallel_loop3A_177 = arith.addf %parallel_loop3A_176, %parallel_loop3A_157 : vector<16xf32>
        %parallel_loop3A_178 = arith.addi %parallel_loop3A_156, %add3A_21 : vector<16xi32>
        tpu.vector_store_idx %arg9[%parallel_loop3A_150, %parallel_loop3A_178], %parallel_loop3A_177 : memref<8x1024xf32, #tpu.memory_space<vmem>>[vector<16xi32>, vector<16xi32>], vector<16xf32>,
        %parallel_loop3A_179 = tpu.vector_load_idx %arg7[%add3A_24, %parallel_loop3A_147] : memref<128x64xf32, #tpu.memory_space<vmem>>[vector<16xi32>, vector<16xi32>], vector<16xf32>,
        %parallel_loop3A_180 = arith.addf %parallel_loop3A_179, %parallel_loop3A_157 : vector<16xf32>
        %parallel_loop3A_181 = arith.addi %parallel_loop3A_156, %add3A_24 : vector<16xi32>
        tpu.vector_store_idx %arg9[%parallel_loop3A_150, %parallel_loop3A_181], %parallel_loop3A_180 : memref<8x1024xf32, #tpu.memory_space<vmem>>[vector<16xi32>, vector<16xi32>], vector<16xf32>,
      } {sc.loop_unroll_factor = 2 : i64, sc.parallel_access}
      %parallel_loop3A_82 = arith.constant 0 : i32
      %parallel_loop3A_83 = arith.constant 16 : i32
      %parallel_loop3A_84 = arith.constant 1 : i32
      scf.for %parallel_loop3A_139 = %parallel_loop3A_82 to %parallel_loop3A_83 step %parallel_loop3A_84  : i32 {
        %parallel_loop3A_140 = vector.broadcast %parallel_loop3A_139 : i32 to vector<16xi32>
        %parallel_loop3A_141 = arith.addi %iota3A, %parallel_loop3A_140 : vector<16xi32>
        %parallel_loop3A_142 = arith.constant 15 : i32
        %parallel_loop3A_143 = vector.broadcast %parallel_loop3A_142 : i32 to vector<16xi32>
        %parallel_loop3A_144 = arith.andi %parallel_loop3A_141, %parallel_loop3A_143 : vector<16xi32>
        %parallel_loop3A_145 = arith.constant 16 : i32
        %parallel_loop3A_146 = vector.broadcast %parallel_loop3A_145 : i32 to vector<16xi32>
        %parallel_loop3A_147 = arith.addi %parallel_loop3A_146, %parallel_loop3A_144 : vector<16xi32>
        %parallel_loop3A_148 = arith.constant 3 : i32
        %parallel_loop3A_149 = vector.broadcast %parallel_loop3A_148 : i32 to vector<16xi32>
        %parallel_loop3A_150 = arith.shrui %parallel_loop3A_147, %parallel_loop3A_149 : vector<16xi32>
        %parallel_loop3A_151 = arith.constant 7 : i32
        %parallel_loop3A_152 = vector.broadcast %parallel_loop3A_151 : i32 to vector<16xi32>
        %parallel_loop3A_153 = arith.andi %parallel_loop3A_147, %parallel_loop3A_152 : vector<16xi32>
        %parallel_loop3A_154 = arith.constant 7 : i32
        %parallel_loop3A_155 = vector.broadcast %parallel_loop3A_154 : i32 to vector<16xi32>
        %parallel_loop3A_156 = arith.shli %parallel_loop3A_153, %parallel_loop3A_155 : vector<16xi32>
        %parallel_loop3A_157 = tpu.vector_load_idx %arg11[%add3A_79, %parallel_loop3A_147] : memref<200x64xf32, #tpu.memory_space<vmem>>[vector<16xi32>, vector<16xi32>], vector<16xf32>,
        %parallel_loop3A_158 = tpu.vector_load_idx %arg7[%add3A_3, %parallel_loop3A_147] : memref<128x64xf32, #tpu.memory_space<vmem>>[vector<16xi32>, vector<16xi32>], vector<16xf32>,
        %parallel_loop3A_159 = arith.addf %parallel_loop3A_158, %parallel_loop3A_157 : vector<16xf32>
        %parallel_loop3A_160 = arith.addi %parallel_loop3A_156, %add3A_3 : vector<16xi32>
        tpu.vector_store_idx %arg9[%parallel_loop3A_150, %parallel_loop3A_160], %parallel_loop3A_159 : memref<8x1024xf32, #tpu.memory_space<vmem>>[vector<16xi32>, vector<16xi32>], vector<16xf32>,
        %parallel_loop3A_161 = tpu.vector_load_idx %arg7[%add3A_6, %parallel_loop3A_147] : memref<128x64xf32, #tpu.memory_space<vmem>>[vector<16xi32>, vector<16xi32>], vector<16xf32>,
        %parallel_loop3A_162 = arith.addf %parallel_loop3A_161, %parallel_loop3A_157 : vector<16xf32>
        %parallel_loop3A_163 = arith.addi %parallel_loop3A_156, %add3A_6 : vector<16xi32>
        tpu.vector_store_idx %arg9[%parallel_loop3A_150, %parallel_loop3A_163], %parallel_loop3A_162 : memref<8x1024xf32, #tpu.memory_space<vmem>>[vector<16xi32>, vector<16xi32>], vector<16xf32>,
        %parallel_loop3A_164 = tpu.vector_load_idx %arg7[%add3A_9, %parallel_loop3A_147] : memref<128x64xf32, #tpu.memory_space<vmem>>[vector<16xi32>, vector<16xi32>], vector<16xf32>,
        %parallel_loop3A_165 = arith.addf %parallel_loop3A_164, %parallel_loop3A_157 : vector<16xf32>
        %parallel_loop3A_166 = arith.addi %parallel_loop3A_156, %add3A_9 : vector<16xi32>
        tpu.vector_store_idx %arg9[%parallel_loop3A_150, %parallel_loop3A_166], %parallel_loop3A_165 : memref<8x1024xf32, #tpu.memory_space<vmem>>[vector<16xi32>, vector<16xi32>], vector<16xf32>,
        %parallel_loop3A_167 = tpu.vector_load_idx %arg7[%add3A_12, %parallel_loop3A_147] : memref<128x64xf32, #tpu.memory_space<vmem>>[vector<16xi32>, vector<16xi32>], vector<16xf32>,
        %parallel_loop3A_168 = arith.addf %parallel_loop3A_167, %parallel_loop3A_157 : vector<16xf32>
        %parallel_loop3A_169 = arith.addi %parallel_loop3A_156, %add3A_12 : vector<16xi32>
        tpu.vector_store_idx %arg9[%parallel_loop3A_150, %parallel_loop3A_169], %parallel_loop3A_168 : memref<8x1024xf32, #tpu.memory_space<vmem>>[vector<16xi32>, vector<16xi32>], vector<16xf32>,
        %parallel_loop3A_170 = tpu.vector_load_idx %arg7[%add3A_15, %parallel_loop3A_147] : memref<128x64xf32, #tpu.memory_space<vmem>>[vector<16xi32>, vector<16xi32>], vector<16xf32>,
        %parallel_loop3A_171 = arith.addf %parallel_loop3A_170, %parallel_loop3A_157 : vector<16xf32>
        %parallel_loop3A_172 = arith.addi %parallel_loop3A_156, %add3A_15 : vector<16xi32>
        tpu.vector_store_idx %arg9[%parallel_loop3A_150, %parallel_loop3A_172], %parallel_loop3A_171 : memref<8x1024xf32, #tpu.memory_space<vmem>>[vector<16xi32>, vector<16xi32>], vector<16xf32>,
        %parallel_loop3A_173 = tpu.vector_load_idx %arg7[%add3A_18, %parallel_loop3A_147] : memref<128x64xf32, #tpu.memory_space<vmem>>[vector<16xi32>, vector<16xi32>], vector<16xf32>,
        %parallel_loop3A_174 = arith.addf %parallel_loop3A_173, %parallel_loop3A_157 : vector<16xf32>
        %parallel_loop3A_175 = arith.addi %parallel_loop3A_156, %add3A_18 : vector<16xi32>
        tpu.vector_store_idx %arg9[%parallel_loop3A_150, %parallel_loop3A_175], %parallel_loop3A_174 : memref<8x1024xf32, #tpu.memory_space<vmem>>[vector<16xi32>, vector<16xi32>], vector<16xf32>,
        %parallel_loop3A_176 = tpu.vector_load_idx %arg7[%add3A_21, %parallel_loop3A_147] : memref<128x64xf32, #tpu.memory_space<vmem>>[vector<16xi32>, vector<16xi32>], vector<16xf32>,
        %parallel_loop3A_177 = arith.addf %parallel_loop3A_176, %parallel_loop3A_157 : vector<16xf32>
        %parallel_loop3A_178 = arith.addi %parallel_loop3A_156, %add3A_21 : vector<16xi32>
        tpu.vector_store_idx %arg9[%parallel_loop3A_150, %parallel_loop3A_178], %parallel_loop3A_177 : memref<8x1024xf32, #tpu.memory_space<vmem>>[vector<16xi32>, vector<16xi32>], vector<16xf32>,
        %parallel_loop3A_179 = tpu.vector_load_idx %arg7[%add3A_24, %parallel_loop3A_147] : memref<128x64xf32, #tpu.memory_space<vmem>>[vector<16xi32>, vector<16xi32>], vector<16xf32>,
        %parallel_loop3A_180 = arith.addf %parallel_loop3A_179, %parallel_loop3A_157 : vector<16xf32>
        %parallel_loop3A_181 = arith.addi %parallel_loop3A_156, %add3A_24 : vector<16xi32>
        tpu.vector_store_idx %arg9[%parallel_loop3A_150, %parallel_loop3A_181], %parallel_loop3A_180 : memref<8x1024xf32, #tpu.memory_space<vmem>>[vector<16xi32>, vector<16xi32>], vector<16xf32>,
      } {sc.loop_unroll_factor = 2 : i64, sc.parallel_access}
      %parallel_loop3A_85 = arith.constant 0 : i32
      %parallel_loop3A_86 = arith.constant 16 : i32
      %parallel_loop3A_87 = arith.constant 1 : i32
      scf.for %parallel_loop3A_139 = %parallel_loop3A_85 to %parallel_loop3A_86 step %parallel_loop3A_87  : i32 {
        %parallel_loop3A_140 = vector.broadcast %parallel_loop3A_139 : i32 to vector<16xi32>
        %parallel_loop3A_141 = arith.addi %iota3A, %parallel_loop3A_140 : vector<16xi32>
        %parallel_loop3A_142 = arith.constant 15 : i32
        %parallel_loop3A_143 = vector.broadcast %parallel_loop3A_142 : i32 to vector<16xi32>
        %parallel_loop3A_144 = arith.andi %parallel_loop3A_141, %parallel_loop3A_143 : vector<16xi32>
        %parallel_loop3A_145 = arith.constant 32 : i32
        %parallel_loop3A_146 = vector.broadcast %parallel_loop3A_145 : i32 to vector<16xi32>
        %parallel_loop3A_147 = arith.addi %parallel_loop3A_146, %parallel_loop3A_144 : vector<16xi32>
        %parallel_loop3A_148 = arith.constant 3 : i32
        %parallel_loop3A_149 = vector.broadcast %parallel_loop3A_148 : i32 to vector<16xi32>
        %parallel_loop3A_150 = arith.shrui %parallel_loop3A_147, %parallel_loop3A_149 : vector<16xi32>
        %parallel_loop3A_151 = arith.constant 7 : i32
        %parallel_loop3A_152 = vector.broadcast %parallel_loop3A_151 : i32 to vector<16xi32>
        %parallel_loop3A_153 = arith.andi %parallel_loop3A_147, %parallel_loop3A_152 : vector<16xi32>
        %parallel_loop3A_154 = arith.constant 7 : i32
        %parallel_loop3A_155 = vector.broadcast %parallel_loop3A_154 : i32 to vector<16xi32>
        %parallel_loop3A_156 = arith.shli %parallel_loop3A_153, %parallel_loop3A_155 : vector<16xi32>
        %parallel_loop3A_157 = tpu.vector_load_idx %arg11[%add3A_79, %parallel_loop3A_147] : memref<200x64xf32, #tpu.memory_space<vmem>>[vector<16xi32>, vector<16xi32>], vector<16xf32>,
        %parallel_loop3A_158 = tpu.vector_load_idx %arg7[%add3A_3, %parallel_loop3A_147] : memref<128x64xf32, #tpu.memory_space<vmem>>[vector<16xi32>, vector<16xi32>], vector<16xf32>,
        %parallel_loop3A_159 = arith.addf %parallel_loop3A_158, %parallel_loop3A_157 : vector<16xf32>
        %parallel_loop3A_160 = arith.addi %parallel_loop3A_156, %add3A_3 : vector<16xi32>
        tpu.vector_store_idx %arg9[%parallel_loop3A_150, %parallel_loop3A_160], %parallel_loop3A_159 : memref<8x1024xf32, #tpu.memory_space<vmem>>[vector<16xi32>, vector<16xi32>], vector<16xf32>,
        %parallel_loop3A_161 = tpu.vector_load_idx %arg7[%add3A_6, %parallel_loop3A_147] : memref<128x64xf32, #tpu.memory_space<vmem>>[vector<16xi32>, vector<16xi32>], vector<16xf32>,
        %parallel_loop3A_162 = arith.addf %parallel_loop3A_161, %parallel_loop3A_157 : vector<16xf32>
        %parallel_loop3A_163 = arith.addi %parallel_loop3A_156, %add3A_6 : vector<16xi32>
        tpu.vector_store_idx %arg9[%parallel_loop3A_150, %parallel_loop3A_163], %parallel_loop3A_162 : memref<8x1024xf32, #tpu.memory_space<vmem>>[vector<16xi32>, vector<16xi32>], vector<16xf32>,
        %parallel_loop3A_164 = tpu.vector_load_idx %arg7[%add3A_9, %parallel_loop3A_147] : memref<128x64xf32, #tpu.memory_space<vmem>>[vector<16xi32>, vector<16xi32>], vector<16xf32>,
        %parallel_loop3A_165 = arith.addf %parallel_loop3A_164, %parallel_loop3A_157 : vector<16xf32>
        %parallel_loop3A_166 = arith.addi %parallel_loop3A_156, %add3A_9 : vector<16xi32>
        tpu.vector_store_idx %arg9[%parallel_loop3A_150, %parallel_loop3A_166], %parallel_loop3A_165 : memref<8x1024xf32, #tpu.memory_space<vmem>>[vector<16xi32>, vector<16xi32>], vector<16xf32>,
        %parallel_loop3A_167 = tpu.vector_load_idx %arg7[%add3A_12, %parallel_loop3A_147] : memref<128x64xf32, #tpu.memory_space<vmem>>[vector<16xi32>, vector<16xi32>], vector<16xf32>,
        %parallel_loop3A_168 = arith.addf %parallel_loop3A_167, %parallel_loop3A_157 : vector<16xf32>
        %parallel_loop3A_169 = arith.addi %parallel_loop3A_156, %add3A_12 : vector<16xi32>
        tpu.vector_store_idx %arg9[%parallel_loop3A_150, %parallel_loop3A_169], %parallel_loop3A_168 : memref<8x1024xf32, #tpu.memory_space<vmem>>[vector<16xi32>, vector<16xi32>], vector<16xf32>,
        %parallel_loop3A_170 = tpu.vector_load_idx %arg7[%add3A_15, %parallel_loop3A_147] : memref<128x64xf32, #tpu.memory_space<vmem>>[vector<16xi32>, vector<16xi32>], vector<16xf32>,
        %parallel_loop3A_171 = arith.addf %parallel_loop3A_170, %parallel_loop3A_157 : vector<16xf32>
        %parallel_loop3A_172 = arith.addi %parallel_loop3A_156, %add3A_15 : vector<16xi32>
        tpu.vector_store_idx %arg9[%parallel_loop3A_150, %parallel_loop3A_172], %parallel_loop3A_171 : memref<8x1024xf32, #tpu.memory_space<vmem>>[vector<16xi32>, vector<16xi32>], vector<16xf32>,
        %parallel_loop3A_173 = tpu.vector_load_idx %arg7[%add3A_18, %parallel_loop3A_147] : memref<128x64xf32, #tpu.memory_space<vmem>>[vector<16xi32>, vector<16xi32>], vector<16xf32>,
        %parallel_loop3A_174 = arith.addf %parallel_loop3A_173, %parallel_loop3A_157 : vector<16xf32>
        %parallel_loop3A_175 = arith.addi %parallel_loop3A_156, %add3A_18 : vector<16xi32>
        tpu.vector_store_idx %arg9[%parallel_loop3A_150, %parallel_loop3A_175], %parallel_loop3A_174 : memref<8x1024xf32, #tpu.memory_space<vmem>>[vector<16xi32>, vector<16xi32>], vector<16xf32>,
        %parallel_loop3A_176 = tpu.vector_load_idx %arg7[%add3A_21, %parallel_loop3A_147] : memref<128x64xf32, #tpu.memory_space<vmem>>[vector<16xi32>, vector<16xi32>], vector<16xf32>,
        %parallel_loop3A_177 = arith.addf %parallel_loop3A_176, %parallel_loop3A_157 : vector<16xf32>
        %parallel_loop3A_178 = arith.addi %parallel_loop3A_156, %add3A_21 : vector<16xi32>
        tpu.vector_store_idx %arg9[%parallel_loop3A_150, %parallel_loop3A_178], %parallel_loop3A_177 : memref<8x1024xf32, #tpu.memory_space<vmem>>[vector<16xi32>, vector<16xi32>], vector<16xf32>,
        %parallel_loop3A_179 = tpu.vector_load_idx %arg7[%add3A_24, %parallel_loop3A_147] : memref<128x64xf32, #tpu.memory_space<vmem>>[vector<16xi32>, vector<16xi32>], vector<16xf32>,
        %parallel_loop3A_180 = arith.addf %parallel_loop3A_179, %parallel_loop3A_157 : vector<16xf32>
        %parallel_loop3A_181 = arith.addi %parallel_loop3A_156, %add3A_24 : vector<16xi32>
        tpu.vector_store_idx %arg9[%parallel_loop3A_150, %parallel_loop3A_181], %parallel_loop3A_180 : memref<8x1024xf32, #tpu.memory_space<vmem>>[vector<16xi32>, vector<16xi32>], vector<16xf32>,
      } {sc.loop_unroll_factor = 2 : i64, sc.parallel_access}
      %parallel_loop3A_88 = arith.constant 0 : i32
      %parallel_loop3A_89 = arith.constant 16 : i32
      %parallel_loop3A_90 = arith.constant 1 : i32
      scf.for %parallel_loop3A_139 = %parallel_loop3A_88 to %parallel_loop3A_89 step %parallel_loop3A_90  : i32 {
        %parallel_loop3A_140 = vector.broadcast %parallel_loop3A_139 : i32 to vector<16xi32>
        %parallel_loop3A_141 = arith.addi %iota3A, %parallel_loop3A_140 : vector<16xi32>
        %parallel_loop3A_142 = arith.constant 15 : i32
        %parallel_loop3A_143 = vector.broadcast %parallel_loop3A_142 : i32 to vector<16xi32>
        %parallel_loop3A_144 = arith.andi %parallel_loop3A_141, %parallel_loop3A_143 : vector<16xi32>
        %parallel_loop3A_145 = arith.constant 48 : i32
        %parallel_loop3A_146 = vector.broadcast %parallel_loop3A_145 : i32 to vector<16xi32>
        %parallel_loop3A_147 = arith.addi %parallel_loop3A_146, %parallel_loop3A_144 : vector<16xi32>
        %parallel_loop3A_148 = arith.constant 3 : i32
        %parallel_loop3A_149 = vector.broadcast %parallel_loop3A_148 : i32 to vector<16xi32>
        %parallel_loop3A_150 = arith.shrui %parallel_loop3A_147, %parallel_loop3A_149 : vector<16xi32>
        %parallel_loop3A_151 = arith.constant 7 : i32
        %parallel_loop3A_152 = vector.broadcast %parallel_loop3A_151 : i32 to vector<16xi32>
        %parallel_loop3A_153 = arith.andi %parallel_loop3A_147, %parallel_loop3A_152 : vector<16xi32>
        %parallel_loop3A_154 = arith.constant 7 : i32
        %parallel_loop3A_155 = vector.broadcast %parallel_loop3A_154 : i32 to vector<16xi32>
        %parallel_loop3A_156 = arith.shli %parallel_loop3A_153, %parallel_loop3A_155 : vector<16xi32>
        %parallel_loop3A_157 = tpu.vector_load_idx %arg11[%add3A_79, %parallel_loop3A_147] : memref<200x64xf32, #tpu.memory_space<vmem>>[vector<16xi32>, vector<16xi32>], vector<16xf32>,
        %parallel_loop3A_158 = tpu.vector_load_idx %arg7[%add3A_3, %parallel_loop3A_147] : memref<128x64xf32, #tpu.memory_space<vmem>>[vector<16xi32>, vector<16xi32>], vector<16xf32>,
        %parallel_loop3A_159 = arith.addf %parallel_loop3A_158, %parallel_loop3A_157 : vector<16xf32>
        %parallel_loop3A_160 = arith.addi %parallel_loop3A_156, %add3A_3 : vector<16xi32>
        tpu.vector_store_idx %arg9[%parallel_loop3A_150, %parallel_loop3A_160], %parallel_loop3A_159 : memref<8x1024xf32, #tpu.memory_space<vmem>>[vector<16xi32>, vector<16xi32>], vector<16xf32>,
        %parallel_loop3A_161 = tpu.vector_load_idx %arg7[%add3A_6, %parallel_loop3A_147] : memref<128x64xf32, #tpu.memory_space<vmem>>[vector<16xi32>, vector<16xi32>], vector<16xf32>,
        %parallel_loop3A_162 = arith.addf %parallel_loop3A_161, %parallel_loop3A_157 : vector<16xf32>
        %parallel_loop3A_163 = arith.addi %parallel_loop3A_156, %add3A_6 : vector<16xi32>
        tpu.vector_store_idx %arg9[%parallel_loop3A_150, %parallel_loop3A_163], %parallel_loop3A_162 : memref<8x1024xf32, #tpu.memory_space<vmem>>[vector<16xi32>, vector<16xi32>], vector<16xf32>,
        %parallel_loop3A_164 = tpu.vector_load_idx %arg7[%add3A_9, %parallel_loop3A_147] : memref<128x64xf32, #tpu.memory_space<vmem>>[vector<16xi32>, vector<16xi32>], vector<16xf32>,
        %parallel_loop3A_165 = arith.addf %parallel_loop3A_164, %parallel_loop3A_157 : vector<16xf32>
        %parallel_loop3A_166 = arith.addi %parallel_loop3A_156, %add3A_9 : vector<16xi32>
        tpu.vector_store_idx %arg9[%parallel_loop3A_150, %parallel_loop3A_166], %parallel_loop3A_165 : memref<8x1024xf32, #tpu.memory_space<vmem>>[vector<16xi32>, vector<16xi32>], vector<16xf32>,
        %parallel_loop3A_167 = tpu.vector_load_idx %arg7[%add3A_12, %parallel_loop3A_147] : memref<128x64xf32, #tpu.memory_space<vmem>>[vector<16xi32>, vector<16xi32>], vector<16xf32>,
        %parallel_loop3A_168 = arith.addf %parallel_loop3A_167, %parallel_loop3A_157 : vector<16xf32>
        %parallel_loop3A_169 = arith.addi %parallel_loop3A_156, %add3A_12 : vector<16xi32>
        tpu.vector_store_idx %arg9[%parallel_loop3A_150, %parallel_loop3A_169], %parallel_loop3A_168 : memref<8x1024xf32, #tpu.memory_space<vmem>>[vector<16xi32>, vector<16xi32>], vector<16xf32>,
        %parallel_loop3A_170 = tpu.vector_load_idx %arg7[%add3A_15, %parallel_loop3A_147] : memref<128x64xf32, #tpu.memory_space<vmem>>[vector<16xi32>, vector<16xi32>], vector<16xf32>,
        %parallel_loop3A_171 = arith.addf %parallel_loop3A_170, %parallel_loop3A_157 : vector<16xf32>
        %parallel_loop3A_172 = arith.addi %parallel_loop3A_156, %add3A_15 : vector<16xi32>
        tpu.vector_store_idx %arg9[%parallel_loop3A_150, %parallel_loop3A_172], %parallel_loop3A_171 : memref<8x1024xf32, #tpu.memory_space<vmem>>[vector<16xi32>, vector<16xi32>], vector<16xf32>,
        %parallel_loop3A_173 = tpu.vector_load_idx %arg7[%add3A_18, %parallel_loop3A_147] : memref<128x64xf32, #tpu.memory_space<vmem>>[vector<16xi32>, vector<16xi32>], vector<16xf32>,
        %parallel_loop3A_174 = arith.addf %parallel_loop3A_173, %parallel_loop3A_157 : vector<16xf32>
        %parallel_loop3A_175 = arith.addi %parallel_loop3A_156, %add3A_18 : vector<16xi32>
        tpu.vector_store_idx %arg9[%parallel_loop3A_150, %parallel_loop3A_175], %parallel_loop3A_174 : memref<8x1024xf32, #tpu.memory_space<vmem>>[vector<16xi32>, vector<16xi32>], vector<16xf32>,
        %parallel_loop3A_176 = tpu.vector_load_idx %arg7[%add3A_21, %parallel_loop3A_147] : memref<128x64xf32, #tpu.memory_space<vmem>>[vector<16xi32>, vector<16xi32>], vector<16xf32>,
        %parallel_loop3A_177 = arith.addf %parallel_loop3A_176, %parallel_loop3A_157 : vector<16xf32>
        %parallel_loop3A_178 = arith.addi %parallel_loop3A_156, %add3A_21 : vector<16xi32>
        tpu.vector_store_idx %arg9[%parallel_loop3A_150, %parallel_loop3A_178], %parallel_loop3A_177 : memref<8x1024xf32, #tpu.memory_space<vmem>>[vector<16xi32>, vector<16xi32>], vector<16xf32>,
        %parallel_loop3A_179 = tpu.vector_load_idx %arg7[%add3A_24, %parallel_loop3A_147] : memref<128x64xf32, #tpu.memory_space<vmem>>[vector<16xi32>, vector<16xi32>], vector<16xf32>,
        %parallel_loop3A_180 = arith.addf %parallel_loop3A_179, %parallel_loop3A_157 : vector<16xf32>
        %parallel_loop3A_181 = arith.addi %parallel_loop3A_156, %add3A_24 : vector<16xi32>
        tpu.vector_store_idx %arg9[%parallel_loop3A_150, %parallel_loop3A_181], %parallel_loop3A_180 : memref<8x1024xf32, #tpu.memory_space<vmem>>[vector<16xi32>, vector<16xi32>], vector<16xf32>,
      } {sc.loop_unroll_factor = 2 : i64, sc.parallel_access}
      %dma_start3A_91 = arith.constant 0 : i32
      %dma_start3A_92 = arith.constant 0 : i32
      %dma_start3A_93 = tpu.memref_slice %arg5[%mul3A_60, %dma_start3A_91, %add3A, %dma_start3A_92] : memref<200x8x32x1024xf32, #tpu.memory_space<hbm>> -> memref<1x8x1x1024xf32, #tpu.memory_space<hbm>>
      %dma_start3A_94 = tpu.memref_squeeze %dma_start3A_93 : memref<1x8x1x1024xf32, #tpu.memory_space<hbm>> -> memref<8x1024xf32, #tpu.memory_space<hbm>>
      %dma_start3A_95 = arith.constant 0 : i32
      %dma_start3A_96 = arith.constant 0 : i32
      %dma_start3A_97 = tpu.memref_slice %arg5[%mul3A_60, %dma_start3A_95, %add3A, %dma_start3A_96] : memref<200x8x32x1024xf32, #tpu.memory_space<hbm>> -> memref<1x8x1x1024xf32, #tpu.memory_space<hbm>>
      %dma_start3A_98 = tpu.memref_squeeze %dma_start3A_97 : memref<1x8x1x1024xf32, #tpu.memory_space<hbm>> -> memref<8x1024xf32, #tpu.memory_space<hbm>>
      tpu.enqueue_dma source(%arg9 : memref<8x1024xf32, #tpu.memory_space<vmem>>) target(%dma_start3A_98 : memref<8x1024xf32, #tpu.memory_space<hbm>>) target_semaphore(%arg14 : memref<!tpu.dma_semaphore, #tpu.memory_space<semaphore_mem>>)
      %lt3A = arith.constant 99 : i32
      %lt3A_99 = arith.cmpi slt, %add3A_58, %lt3A : i32
      %convert_element_type3A_100 = arith.extui %lt3A_99 : i1 to i32
      %cond3A_101 = arith.constant 0 : i32
      %cond3A_102 = arith.cmpi ne, %convert_element_type3A_100, %cond3A_101 : i32
      scf.if %cond3A_102 {
        %dma_wait3A_139 = arith.constant 0 : i32
        %dma_wait3A_140 = arith.constant 0 : i32
        %dma_wait3A_141 = arith.constant 0 : i32
        %dma_wait3A_142 = arith.constant 0 : i32
        %dma_wait3A_143 = tpu.memref_slice %arg5[%dma_wait3A_139, %dma_wait3A_141, %dma_wait3A_140, %dma_wait3A_142] : memref<200x8x32x1024xf32, #tpu.memory_space<hbm>> -> memref<1x8x1x1024xf32, #tpu.memory_space<hbm>>
        %dma_wait3A_144 = tpu.memref_squeeze %dma_wait3A_143 : memref<1x8x1x1024xf32, #tpu.memory_space<hbm>> -> memref<8x1024xf32, #tpu.memory_space<hbm>>
        %dma_wait3A_145 = arith.constant 0 : i32
        %dma_wait3A_146 = arith.constant 0 : i32
        %dma_wait3A_147 = tpu.memref_slice %arg5[%dma_wait3A_139, %dma_wait3A_145, %dma_wait3A_140, %dma_wait3A_146] : memref<200x8x32x1024xf32, #tpu.memory_space<hbm>> -> memref<1x8x1x1024xf32, #tpu.memory_space<hbm>>
        %dma_wait3A_148 = tpu.memref_squeeze %dma_wait3A_147 : memref<1x8x1x1024xf32, #tpu.memory_space<hbm>> -> memref<8x1024xf32, #tpu.memory_space<hbm>>
        tpu.wait_dma2 semaphore(%arg14 : memref<!tpu.dma_semaphore, #tpu.memory_space<semaphore_mem>>) src(%arg9 : memref<8x1024xf32, #tpu.memory_space<vmem>>) dst(%dma_wait3A_148 : memref<8x1024xf32, #tpu.memory_space<hbm>>)
        %add3A_149 = arith.constant 2 : i32
        %add3A_150 = arith.addi %mul3A_60, %add3A_149 : i32
        %dma_start3A_151 = arith.constant 0 : i32
        %dma_start3A_152 = tpu.memref_slice %arg6[%add3A_150, %dma_start3A_151] : memref<200x128xi32, #tpu.memory_space<vmem>> -> memref<1x128xi32, #tpu.memory_space<vmem>>
        %dma_start3A_153 = tpu.memref_squeeze %dma_start3A_152 : memref<1x128xi32, #tpu.memory_space<vmem>> -> memref<128xi32, #tpu.memory_space<vmem>>
        %dma_start3A_154 = arith.constant 0 : i32
        %dma_start3A_155 = arith.constant 0 : i32
        %dma_start3A_156 = tpu.memref_slice %arg3[%dma_start3A_154, %dma_start3A_155] : memref<1000000x64xf32, #tpu.memory_space<hbm>> -> memref<1000000x64xf32, #tpu.memory_space<hbm>>
        tpu.enqueue_indirect_dma source(%dma_start3A_156 : memref<1000000x64xf32, #tpu.memory_space<hbm>>) target(%arg7 : memref<128x64xf32, #tpu.memory_space<vmem>>) offsets(%dma_start3A_153 : memref<128xi32, #tpu.memory_space<vmem>>) semaphore(%arg12 : memref<!tpu.dma_semaphore, #tpu.memory_space<semaphore_mem>>)
      } else {
      }
      %add3A_103 = arith.constant 1 : i32
      %add3A_104 = arith.addi %mul3A_60, %add3A_103 : i32
      %dma_wait3A_105 = arith.constant 0 : i32
      %dma_wait3A_106 = tpu.memref_slice %arg6[%add3A_104, %dma_wait3A_105] : memref<200x128xi32, #tpu.memory_space<vmem>> -> memref<1x128xi32, #tpu.memory_space<vmem>>
      %dma_wait3A_107 = tpu.memref_squeeze %dma_wait3A_106 : memref<1x128xi32, #tpu.memory_space<vmem>> -> memref<128xi32, #tpu.memory_space<vmem>>
      %dma_wait3A_108 = arith.constant 0 : i32
      %dma_wait3A_109 = arith.constant 0 : i32
      %dma_wait3A_110 = tpu.memref_slice %arg3[%dma_wait3A_108, %dma_wait3A_109] : memref<1000000x64xf32, #tpu.memory_space<hbm>> -> memref<1000000x64xf32, #tpu.memory_space<hbm>>
      tpu.wait_indirect_dma semaphore(%arg13 : memref<!tpu.dma_semaphore, #tpu.memory_space<semaphore_mem>>) src(%dma_wait3A_110 : memref<1000000x64xf32, #tpu.memory_space<hbm>>) dst(%arg8 : memref<128x64xf32, #tpu.memory_space<vmem>>)
      %add3A_111 = arith.constant 1 : i32
      %add3A_112 = arith.addi %mul3A_60, %add3A_111 : i32
      %broadcast_in_dim3A_113 = arith.constant 0 : i32
      %broadcast_in_dim3A_114 = vector.broadcast %broadcast_in_dim3A_113 : i32 to vector<16xi32>
      %add3A_115 = vector.broadcast %add3A_112 : i32 to vector<16xi32>
      %add3A_116 = arith.addi %broadcast_in_dim3A_114, %add3A_115 : vector<16xi32>
      %parallel_loop3A_117 = arith.constant 0 : i32
      %parallel_loop3A_118 = arith.constant 16 : i32
      %parallel_loop3A_119 = arith.constant 1 : i32
      scf.for %parallel_loop3A_139 = %parallel_loop3A_117 to %parallel_loop3A_118 step %parallel_loop3A_119  : i32 {
        %parallel_loop3A_140 = vector.broadcast %parallel_loop3A_139 : i32 to vector<16xi32>
        %parallel_loop3A_141 = arith.addi %iota3A, %parallel_loop3A_140 : vector<16xi32>
        %parallel_loop3A_142 = arith.constant 15 : i32
        %parallel_loop3A_143 = vector.broadcast %parallel_loop3A_142 : i32 to vector<16xi32>
        %parallel_loop3A_144 = arith.andi %parallel_loop3A_141, %parallel_loop3A_143 : vector<16xi32>
        %parallel_loop3A_145 = arith.constant 0 : i32
        %parallel_loop3A_146 = vector.broadcast %parallel_loop3A_145 : i32 to vector<16xi32>
        %parallel_loop3A_147 = arith.addi %parallel_loop3A_146, %parallel_loop3A_144 : vector<16xi32>
        %parallel_loop3A_148 = arith.constant 3 : i32
        %parallel_loop3A_149 = vector.broadcast %parallel_loop3A_148 : i32 to vector<16xi32>
        %parallel_loop3A_150 = arith.shrui %parallel_loop3A_147, %parallel_loop3A_149 : vector<16xi32>
        %parallel_loop3A_151 = arith.constant 7 : i32
        %parallel_loop3A_152 = vector.broadcast %parallel_loop3A_151 : i32 to vector<16xi32>
        %parallel_loop3A_153 = arith.andi %parallel_loop3A_147, %parallel_loop3A_152 : vector<16xi32>
        %parallel_loop3A_154 = arith.constant 7 : i32
        %parallel_loop3A_155 = vector.broadcast %parallel_loop3A_154 : i32 to vector<16xi32>
        %parallel_loop3A_156 = arith.shli %parallel_loop3A_153, %parallel_loop3A_155 : vector<16xi32>
        %parallel_loop3A_157 = tpu.vector_load_idx %arg11[%add3A_116, %parallel_loop3A_147] : memref<200x64xf32, #tpu.memory_space<vmem>>[vector<16xi32>, vector<16xi32>], vector<16xf32>,
        %parallel_loop3A_158 = tpu.vector_load_idx %arg8[%add3A_3, %parallel_loop3A_147] : memref<128x64xf32, #tpu.memory_space<vmem>>[vector<16xi32>, vector<16xi32>], vector<16xf32>,
        %parallel_loop3A_159 = arith.addf %parallel_loop3A_158, %parallel_loop3A_157 : vector<16xf32>
        %parallel_loop3A_160 = arith.addi %parallel_loop3A_156, %add3A_3 : vector<16xi32>
        tpu.vector_store_idx %arg10[%parallel_loop3A_150, %parallel_loop3A_160], %parallel_loop3A_159 : memref<8x1024xf32, #tpu.memory_space<vmem>>[vector<16xi32>, vector<16xi32>], vector<16xf32>,
        %parallel_loop3A_161 = tpu.vector_load_idx %arg8[%add3A_6, %parallel_loop3A_147] : memref<128x64xf32, #tpu.memory_space<vmem>>[vector<16xi32>, vector<16xi32>], vector<16xf32>,
        %parallel_loop3A_162 = arith.addf %parallel_loop3A_161, %parallel_loop3A_157 : vector<16xf32>
        %parallel_loop3A_163 = arith.addi %parallel_loop3A_156, %add3A_6 : vector<16xi32>
        tpu.vector_store_idx %arg10[%parallel_loop3A_150, %parallel_loop3A_163], %parallel_loop3A_162 : memref<8x1024xf32, #tpu.memory_space<vmem>>[vector<16xi32>, vector<16xi32>], vector<16xf32>,
        %parallel_loop3A_164 = tpu.vector_load_idx %arg8[%add3A_9, %parallel_loop3A_147] : memref<128x64xf32, #tpu.memory_space<vmem>>[vector<16xi32>, vector<16xi32>], vector<16xf32>,
        %parallel_loop3A_165 = arith.addf %parallel_loop3A_164, %parallel_loop3A_157 : vector<16xf32>
        %parallel_loop3A_166 = arith.addi %parallel_loop3A_156, %add3A_9 : vector<16xi32>
        tpu.vector_store_idx %arg10[%parallel_loop3A_150, %parallel_loop3A_166], %parallel_loop3A_165 : memref<8x1024xf32, #tpu.memory_space<vmem>>[vector<16xi32>, vector<16xi32>], vector<16xf32>,
        %parallel_loop3A_167 = tpu.vector_load_idx %arg8[%add3A_12, %parallel_loop3A_147] : memref<128x64xf32, #tpu.memory_space<vmem>>[vector<16xi32>, vector<16xi32>], vector<16xf32>,
        %parallel_loop3A_168 = arith.addf %parallel_loop3A_167, %parallel_loop3A_157 : vector<16xf32>
        %parallel_loop3A_169 = arith.addi %parallel_loop3A_156, %add3A_12 : vector<16xi32>
        tpu.vector_store_idx %arg10[%parallel_loop3A_150, %parallel_loop3A_169], %parallel_loop3A_168 : memref<8x1024xf32, #tpu.memory_space<vmem>>[vector<16xi32>, vector<16xi32>], vector<16xf32>,
        %parallel_loop3A_170 = tpu.vector_load_idx %arg8[%add3A_15, %parallel_loop3A_147] : memref<128x64xf32, #tpu.memory_space<vmem>>[vector<16xi32>, vector<16xi32>], vector<16xf32>,
        %parallel_loop3A_171 = arith.addf %parallel_loop3A_170, %parallel_loop3A_157 : vector<16xf32>
        %parallel_loop3A_172 = arith.addi %parallel_loop3A_156, %add3A_15 : vector<16xi32>
        tpu.vector_store_idx %arg10[%parallel_loop3A_150, %parallel_loop3A_172], %parallel_loop3A_171 : memref<8x1024xf32, #tpu.memory_space<vmem>>[vector<16xi32>, vector<16xi32>], vector<16xf32>,
        %parallel_loop3A_173 = tpu.vector_load_idx %arg8[%add3A_18, %parallel_loop3A_147] : memref<128x64xf32, #tpu.memory_space<vmem>>[vector<16xi32>, vector<16xi32>], vector<16xf32>,
        %parallel_loop3A_174 = arith.addf %parallel_loop3A_173, %parallel_loop3A_157 : vector<16xf32>
        %parallel_loop3A_175 = arith.addi %parallel_loop3A_156, %add3A_18 : vector<16xi32>
        tpu.vector_store_idx %arg10[%parallel_loop3A_150, %parallel_loop3A_175], %parallel_loop3A_174 : memref<8x1024xf32, #tpu.memory_space<vmem>>[vector<16xi32>, vector<16xi32>], vector<16xf32>,
        %parallel_loop3A_176 = tpu.vector_load_idx %arg8[%add3A_21, %parallel_loop3A_147] : memref<128x64xf32, #tpu.memory_space<vmem>>[vector<16xi32>, vector<16xi32>], vector<16xf32>,
        %parallel_loop3A_177 = arith.addf %parallel_loop3A_176, %parallel_loop3A_157 : vector<16xf32>
        %parallel_loop3A_178 = arith.addi %parallel_loop3A_156, %add3A_21 : vector<16xi32>
        tpu.vector_store_idx %arg10[%parallel_loop3A_150, %parallel_loop3A_178], %parallel_loop3A_177 : memref<8x1024xf32, #tpu.memory_space<vmem>>[vector<16xi32>, vector<16xi32>], vector<16xf32>,
        %parallel_loop3A_179 = tpu.vector_load_idx %arg8[%add3A_24, %parallel_loop3A_147] : memref<128x64xf32, #tpu.memory_space<vmem>>[vector<16xi32>, vector<16xi32>], vector<16xf32>,
        %parallel_loop3A_180 = arith.addf %parallel_loop3A_179, %parallel_loop3A_157 : vector<16xf32>
        %parallel_loop3A_181 = arith.addi %parallel_loop3A_156, %add3A_24 : vector<16xi32>
        tpu.vector_store_idx %arg10[%parallel_loop3A_150, %parallel_loop3A_181], %parallel_loop3A_180 : memref<8x1024xf32, #tpu.memory_space<vmem>>[vector<16xi32>, vector<16xi32>], vector<16xf32>,
      } {sc.loop_unroll_factor = 2 : i64, sc.parallel_access}
      %parallel_loop3A_120 = arith.constant 0 : i32
      %parallel_loop3A_121 = arith.constant 16 : i32
      %parallel_loop3A_122 = arith.constant 1 : i32
      scf.for %parallel_loop3A_139 = %parallel_loop3A_120 to %parallel_loop3A_121 step %parallel_loop3A_122  : i32 {
        %parallel_loop3A_140 = vector.broadcast %parallel_loop3A_139 : i32 to vector<16xi32>
        %parallel_loop3A_141 = arith.addi %iota3A, %parallel_loop3A_140 : vector<16xi32>
        %parallel_loop3A_142 = arith.constant 15 : i32
        %parallel_loop3A_143 = vector.broadcast %parallel_loop3A_142 : i32 to vector<16xi32>
        %parallel_loop3A_144 = arith.andi %parallel_loop3A_141, %parallel_loop3A_143 : vector<16xi32>
        %parallel_loop3A_145 = arith.constant 16 : i32
        %parallel_loop3A_146 = vector.broadcast %parallel_loop3A_145 : i32 to vector<16xi32>
        %parallel_loop3A_147 = arith.addi %parallel_loop3A_146, %parallel_loop3A_144 : vector<16xi32>
        %parallel_loop3A_148 = arith.constant 3 : i32
        %parallel_loop3A_149 = vector.broadcast %parallel_loop3A_148 : i32 to vector<16xi32>
        %parallel_loop3A_150 = arith.shrui %parallel_loop3A_147, %parallel_loop3A_149 : vector<16xi32>
        %parallel_loop3A_151 = arith.constant 7 : i32
        %parallel_loop3A_152 = vector.broadcast %parallel_loop3A_151 : i32 to vector<16xi32>
        %parallel_loop3A_153 = arith.andi %parallel_loop3A_147, %parallel_loop3A_152 : vector<16xi32>
        %parallel_loop3A_154 = arith.constant 7 : i32
        %parallel_loop3A_155 = vector.broadcast %parallel_loop3A_154 : i32 to vector<16xi32>
        %parallel_loop3A_156 = arith.shli %parallel_loop3A_153, %parallel_loop3A_155 : vector<16xi32>
        %parallel_loop3A_157 = tpu.vector_load_idx %arg11[%add3A_116, %parallel_loop3A_147] : memref<200x64xf32, #tpu.memory_space<vmem>>[vector<16xi32>, vector<16xi32>], vector<16xf32>,
        %parallel_loop3A_158 = tpu.vector_load_idx %arg8[%add3A_3, %parallel_loop3A_147] : memref<128x64xf32, #tpu.memory_space<vmem>>[vector<16xi32>, vector<16xi32>], vector<16xf32>,
        %parallel_loop3A_159 = arith.addf %parallel_loop3A_158, %parallel_loop3A_157 : vector<16xf32>
        %parallel_loop3A_160 = arith.addi %parallel_loop3A_156, %add3A_3 : vector<16xi32>
        tpu.vector_store_idx %arg10[%parallel_loop3A_150, %parallel_loop3A_160], %parallel_loop3A_159 : memref<8x1024xf32, #tpu.memory_space<vmem>>[vector<16xi32>, vector<16xi32>], vector<16xf32>,
        %parallel_loop3A_161 = tpu.vector_load_idx %arg8[%add3A_6, %parallel_loop3A_147] : memref<128x64xf32, #tpu.memory_space<vmem>>[vector<16xi32>, vector<16xi32>], vector<16xf32>,
        %parallel_loop3A_162 = arith.addf %parallel_loop3A_161, %parallel_loop3A_157 : vector<16xf32>
        %parallel_loop3A_163 = arith.addi %parallel_loop3A_156, %add3A_6 : vector<16xi32>
        tpu.vector_store_idx %arg10[%parallel_loop3A_150, %parallel_loop3A_163], %parallel_loop3A_162 : memref<8x1024xf32, #tpu.memory_space<vmem>>[vector<16xi32>, vector<16xi32>], vector<16xf32>,
        %parallel_loop3A_164 = tpu.vector_load_idx %arg8[%add3A_9, %parallel_loop3A_147] : memref<128x64xf32, #tpu.memory_space<vmem>>[vector<16xi32>, vector<16xi32>], vector<16xf32>,
        %parallel_loop3A_165 = arith.addf %parallel_loop3A_164, %parallel_loop3A_157 : vector<16xf32>
        %parallel_loop3A_166 = arith.addi %parallel_loop3A_156, %add3A_9 : vector<16xi32>
        tpu.vector_store_idx %arg10[%parallel_loop3A_150, %parallel_loop3A_166], %parallel_loop3A_165 : memref<8x1024xf32, #tpu.memory_space<vmem>>[vector<16xi32>, vector<16xi32>], vector<16xf32>,
        %parallel_loop3A_167 = tpu.vector_load_idx %arg8[%add3A_12, %parallel_loop3A_147] : memref<128x64xf32, #tpu.memory_space<vmem>>[vector<16xi32>, vector<16xi32>], vector<16xf32>,
        %parallel_loop3A_168 = arith.addf %parallel_loop3A_167, %parallel_loop3A_157 : vector<16xf32>
        %parallel_loop3A_169 = arith.addi %parallel_loop3A_156, %add3A_12 : vector<16xi32>
        tpu.vector_store_idx %arg10[%parallel_loop3A_150, %parallel_loop3A_169], %parallel_loop3A_168 : memref<8x1024xf32, #tpu.memory_space<vmem>>[vector<16xi32>, vector<16xi32>], vector<16xf32>,
        %parallel_loop3A_170 = tpu.vector_load_idx %arg8[%add3A_15, %parallel_loop3A_147] : memref<128x64xf32, #tpu.memory_space<vmem>>[vector<16xi32>, vector<16xi32>], vector<16xf32>,
        %parallel_loop3A_171 = arith.addf %parallel_loop3A_170, %parallel_loop3A_157 : vector<16xf32>
        %parallel_loop3A_172 = arith.addi %parallel_loop3A_156, %add3A_15 : vector<16xi32>
        tpu.vector_store_idx %arg10[%parallel_loop3A_150, %parallel_loop3A_172], %parallel_loop3A_171 : memref<8x1024xf32, #tpu.memory_space<vmem>>[vector<16xi32>, vector<16xi32>], vector<16xf32>,
        %parallel_loop3A_173 = tpu.vector_load_idx %arg8[%add3A_18, %parallel_loop3A_147] : memref<128x64xf32, #tpu.memory_space<vmem>>[vector<16xi32>, vector<16xi32>], vector<16xf32>,
        %parallel_loop3A_174 = arith.addf %parallel_loop3A_173, %parallel_loop3A_157 : vector<16xf32>
        %parallel_loop3A_175 = arith.addi %parallel_loop3A_156, %add3A_18 : vector<16xi32>
        tpu.vector_store_idx %arg10[%parallel_loop3A_150, %parallel_loop3A_175], %parallel_loop3A_174 : memref<8x1024xf32, #tpu.memory_space<vmem>>[vector<16xi32>, vector<16xi32>], vector<16xf32>,
        %parallel_loop3A_176 = tpu.vector_load_idx %arg8[%add3A_21, %parallel_loop3A_147] : memref<128x64xf32, #tpu.memory_space<vmem>>[vector<16xi32>, vector<16xi32>], vector<16xf32>,
        %parallel_loop3A_177 = arith.addf %parallel_loop3A_176, %parallel_loop3A_157 : vector<16xf32>
        %parallel_loop3A_178 = arith.addi %parallel_loop3A_156, %add3A_21 : vector<16xi32>
        tpu.vector_store_idx %arg10[%parallel_loop3A_150, %parallel_loop3A_178], %parallel_loop3A_177 : memref<8x1024xf32, #tpu.memory_space<vmem>>[vector<16xi32>, vector<16xi32>], vector<16xf32>,
        %parallel_loop3A_179 = tpu.vector_load_idx %arg8[%add3A_24, %parallel_loop3A_147] : memref<128x64xf32, #tpu.memory_space<vmem>>[vector<16xi32>, vector<16xi32>], vector<16xf32>,
        %parallel_loop3A_180 = arith.addf %parallel_loop3A_179, %parallel_loop3A_157 : vector<16xf32>
        %parallel_loop3A_181 = arith.addi %parallel_loop3A_156, %add3A_24 : vector<16xi32>
        tpu.vector_store_idx %arg10[%parallel_loop3A_150, %parallel_loop3A_181], %parallel_loop3A_180 : memref<8x1024xf32, #tpu.memory_space<vmem>>[vector<16xi32>, vector<16xi32>], vector<16xf32>,
      } {sc.loop_unroll_factor = 2 : i64, sc.parallel_access}
      %parallel_loop3A_123 = arith.constant 0 : i32
      %parallel_loop3A_124 = arith.constant 16 : i32
      %parallel_loop3A_125 = arith.constant 1 : i32
      scf.for %parallel_loop3A_139 = %parallel_loop3A_123 to %parallel_loop3A_124 step %parallel_loop3A_125  : i32 {
        %parallel_loop3A_140 = vector.broadcast %parallel_loop3A_139 : i32 to vector<16xi32>
        %parallel_loop3A_141 = arith.addi %iota3A, %parallel_loop3A_140 : vector<16xi32>
        %parallel_loop3A_142 = arith.constant 15 : i32
        %parallel_loop3A_143 = vector.broadcast %parallel_loop3A_142 : i32 to vector<16xi32>
        %parallel_loop3A_144 = arith.andi %parallel_loop3A_141, %parallel_loop3A_143 : vector<16xi32>
        %parallel_loop3A_145 = arith.constant 32 : i32
        %parallel_loop3A_146 = vector.broadcast %parallel_loop3A_145 : i32 to vector<16xi32>
        %parallel_loop3A_147 = arith.addi %parallel_loop3A_146, %parallel_loop3A_144 : vector<16xi32>
        %parallel_loop3A_148 = arith.constant 3 : i32
        %parallel_loop3A_149 = vector.broadcast %parallel_loop3A_148 : i32 to vector<16xi32>
        %parallel_loop3A_150 = arith.shrui %parallel_loop3A_147, %parallel_loop3A_149 : vector<16xi32>
        %parallel_loop3A_151 = arith.constant 7 : i32
        %parallel_loop3A_152 = vector.broadcast %parallel_loop3A_151 : i32 to vector<16xi32>
        %parallel_loop3A_153 = arith.andi %parallel_loop3A_147, %parallel_loop3A_152 : vector<16xi32>
        %parallel_loop3A_154 = arith.constant 7 : i32
        %parallel_loop3A_155 = vector.broadcast %parallel_loop3A_154 : i32 to vector<16xi32>
        %parallel_loop3A_156 = arith.shli %parallel_loop3A_153, %parallel_loop3A_155 : vector<16xi32>
        %parallel_loop3A_157 = tpu.vector_load_idx %arg11[%add3A_116, %parallel_loop3A_147] : memref<200x64xf32, #tpu.memory_space<vmem>>[vector<16xi32>, vector<16xi32>], vector<16xf32>,
        %parallel_loop3A_158 = tpu.vector_load_idx %arg8[%add3A_3, %parallel_loop3A_147] : memref<128x64xf32, #tpu.memory_space<vmem>>[vector<16xi32>, vector<16xi32>], vector<16xf32>,
        %parallel_loop3A_159 = arith.addf %parallel_loop3A_158, %parallel_loop3A_157 : vector<16xf32>
        %parallel_loop3A_160 = arith.addi %parallel_loop3A_156, %add3A_3 : vector<16xi32>
        tpu.vector_store_idx %arg10[%parallel_loop3A_150, %parallel_loop3A_160], %parallel_loop3A_159 : memref<8x1024xf32, #tpu.memory_space<vmem>>[vector<16xi32>, vector<16xi32>], vector<16xf32>,
        %parallel_loop3A_161 = tpu.vector_load_idx %arg8[%add3A_6, %parallel_loop3A_147] : memref<128x64xf32, #tpu.memory_space<vmem>>[vector<16xi32>, vector<16xi32>], vector<16xf32>,
        %parallel_loop3A_162 = arith.addf %parallel_loop3A_161, %parallel_loop3A_157 : vector<16xf32>
        %parallel_loop3A_163 = arith.addi %parallel_loop3A_156, %add3A_6 : vector<16xi32>
        tpu.vector_store_idx %arg10[%parallel_loop3A_150, %parallel_loop3A_163], %parallel_loop3A_162 : memref<8x1024xf32, #tpu.memory_space<vmem>>[vector<16xi32>, vector<16xi32>], vector<16xf32>,
        %parallel_loop3A_164 = tpu.vector_load_idx %arg8[%add3A_9, %parallel_loop3A_147] : memref<128x64xf32, #tpu.memory_space<vmem>>[vector<16xi32>, vector<16xi32>], vector<16xf32>,
        %parallel_loop3A_165 = arith.addf %parallel_loop3A_164, %parallel_loop3A_157 : vector<16xf32>
        %parallel_loop3A_166 = arith.addi %parallel_loop3A_156, %add3A_9 : vector<16xi32>
        tpu.vector_store_idx %arg10[%parallel_loop3A_150, %parallel_loop3A_166], %parallel_loop3A_165 : memref<8x1024xf32, #tpu.memory_space<vmem>>[vector<16xi32>, vector<16xi32>], vector<16xf32>,
        %parallel_loop3A_167 = tpu.vector_load_idx %arg8[%add3A_12, %parallel_loop3A_147] : memref<128x64xf32, #tpu.memory_space<vmem>>[vector<16xi32>, vector<16xi32>], vector<16xf32>,
        %parallel_loop3A_168 = arith.addf %parallel_loop3A_167, %parallel_loop3A_157 : vector<16xf32>
        %parallel_loop3A_169 = arith.addi %parallel_loop3A_156, %add3A_12 : vector<16xi32>
        tpu.vector_store_idx %arg10[%parallel_loop3A_150, %parallel_loop3A_169], %parallel_loop3A_168 : memref<8x1024xf32, #tpu.memory_space<vmem>>[vector<16xi32>, vector<16xi32>], vector<16xf32>,
        %parallel_loop3A_170 = tpu.vector_load_idx %arg8[%add3A_15, %parallel_loop3A_147] : memref<128x64xf32, #tpu.memory_space<vmem>>[vector<16xi32>, vector<16xi32>], vector<16xf32>,
        %parallel_loop3A_171 = arith.addf %parallel_loop3A_170, %parallel_loop3A_157 : vector<16xf32>
        %parallel_loop3A_172 = arith.addi %parallel_loop3A_156, %add3A_15 : vector<16xi32>
        tpu.vector_store_idx %arg10[%parallel_loop3A_150, %parallel_loop3A_172], %parallel_loop3A_171 : memref<8x1024xf32, #tpu.memory_space<vmem>>[vector<16xi32>, vector<16xi32>], vector<16xf32>,
        %parallel_loop3A_173 = tpu.vector_load_idx %arg8[%add3A_18, %parallel_loop3A_147] : memref<128x64xf32, #tpu.memory_space<vmem>>[vector<16xi32>, vector<16xi32>], vector<16xf32>,
        %parallel_loop3A_174 = arith.addf %parallel_loop3A_173, %parallel_loop3A_157 : vector<16xf32>
        %parallel_loop3A_175 = arith.addi %parallel_loop3A_156, %add3A_18 : vector<16xi32>
        tpu.vector_store_idx %arg10[%parallel_loop3A_150, %parallel_loop3A_175], %parallel_loop3A_174 : memref<8x1024xf32, #tpu.memory_space<vmem>>[vector<16xi32>, vector<16xi32>], vector<16xf32>,
        %parallel_loop3A_176 = tpu.vector_load_idx %arg8[%add3A_21, %parallel_loop3A_147] : memref<128x64xf32, #tpu.memory_space<vmem>>[vector<16xi32>, vector<16xi32>], vector<16xf32>,
        %parallel_loop3A_177 = arith.addf %parallel_loop3A_176, %parallel_loop3A_157 : vector<16xf32>
        %parallel_loop3A_178 = arith.addi %parallel_loop3A_156, %add3A_21 : vector<16xi32>
        tpu.vector_store_idx %arg10[%parallel_loop3A_150, %parallel_loop3A_178], %parallel_loop3A_177 : memref<8x1024xf32, #tpu.memory_space<vmem>>[vector<16xi32>, vector<16xi32>], vector<16xf32>,
        %parallel_loop3A_179 = tpu.vector_load_idx %arg8[%add3A_24, %parallel_loop3A_147] : memref<128x64xf32, #tpu.memory_space<vmem>>[vector<16xi32>, vector<16xi32>], vector<16xf32>,
        %parallel_loop3A_180 = arith.addf %parallel_loop3A_179, %parallel_loop3A_157 : vector<16xf32>
        %parallel_loop3A_181 = arith.addi %parallel_loop3A_156, %add3A_24 : vector<16xi32>
        tpu.vector_store_idx %arg10[%parallel_loop3A_150, %parallel_loop3A_181], %parallel_loop3A_180 : memref<8x1024xf32, #tpu.memory_space<vmem>>[vector<16xi32>, vector<16xi32>], vector<16xf32>,
      } {sc.loop_unroll_factor = 2 : i64, sc.parallel_access}
      %parallel_loop3A_126 = arith.constant 0 : i32
      %parallel_loop3A_127 = arith.constant 16 : i32
      %parallel_loop3A_128 = arith.constant 1 : i32
      scf.for %parallel_loop3A_139 = %parallel_loop3A_126 to %parallel_loop3A_127 step %parallel_loop3A_128  : i32 {
        %parallel_loop3A_140 = vector.broadcast %parallel_loop3A_139 : i32 to vector<16xi32>
        %parallel_loop3A_141 = arith.addi %iota3A, %parallel_loop3A_140 : vector<16xi32>
        %parallel_loop3A_142 = arith.constant 15 : i32
        %parallel_loop3A_143 = vector.broadcast %parallel_loop3A_142 : i32 to vector<16xi32>
        %parallel_loop3A_144 = arith.andi %parallel_loop3A_141, %parallel_loop3A_143 : vector<16xi32>
        %parallel_loop3A_145 = arith.constant 48 : i32
        %parallel_loop3A_146 = vector.broadcast %parallel_loop3A_145 : i32 to vector<16xi32>
        %parallel_loop3A_147 = arith.addi %parallel_loop3A_146, %parallel_loop3A_144 : vector<16xi32>
        %parallel_loop3A_148 = arith.constant 3 : i32
        %parallel_loop3A_149 = vector.broadcast %parallel_loop3A_148 : i32 to vector<16xi32>
        %parallel_loop3A_150 = arith.shrui %parallel_loop3A_147, %parallel_loop3A_149 : vector<16xi32>
        %parallel_loop3A_151 = arith.constant 7 : i32
        %parallel_loop3A_152 = vector.broadcast %parallel_loop3A_151 : i32 to vector<16xi32>
        %parallel_loop3A_153 = arith.andi %parallel_loop3A_147, %parallel_loop3A_152 : vector<16xi32>
        %parallel_loop3A_154 = arith.constant 7 : i32
        %parallel_loop3A_155 = vector.broadcast %parallel_loop3A_154 : i32 to vector<16xi32>
        %parallel_loop3A_156 = arith.shli %parallel_loop3A_153, %parallel_loop3A_155 : vector<16xi32>
        %parallel_loop3A_157 = tpu.vector_load_idx %arg11[%add3A_116, %parallel_loop3A_147] : memref<200x64xf32, #tpu.memory_space<vmem>>[vector<16xi32>, vector<16xi32>], vector<16xf32>,
        %parallel_loop3A_158 = tpu.vector_load_idx %arg8[%add3A_3, %parallel_loop3A_147] : memref<128x64xf32, #tpu.memory_space<vmem>>[vector<16xi32>, vector<16xi32>], vector<16xf32>,
        %parallel_loop3A_159 = arith.addf %parallel_loop3A_158, %parallel_loop3A_157 : vector<16xf32>
        %parallel_loop3A_160 = arith.addi %parallel_loop3A_156, %add3A_3 : vector<16xi32>
        tpu.vector_store_idx %arg10[%parallel_loop3A_150, %parallel_loop3A_160], %parallel_loop3A_159 : memref<8x1024xf32, #tpu.memory_space<vmem>>[vector<16xi32>, vector<16xi32>], vector<16xf32>,
        %parallel_loop3A_161 = tpu.vector_load_idx %arg8[%add3A_6, %parallel_loop3A_147] : memref<128x64xf32, #tpu.memory_space<vmem>>[vector<16xi32>, vector<16xi32>], vector<16xf32>,
        %parallel_loop3A_162 = arith.addf %parallel_loop3A_161, %parallel_loop3A_157 : vector<16xf32>
        %parallel_loop3A_163 = arith.addi %parallel_loop3A_156, %add3A_6 : vector<16xi32>
        tpu.vector_store_idx %arg10[%parallel_loop3A_150, %parallel_loop3A_163], %parallel_loop3A_162 : memref<8x1024xf32, #tpu.memory_space<vmem>>[vector<16xi32>, vector<16xi32>], vector<16xf32>,
        %parallel_loop3A_164 = tpu.vector_load_idx %arg8[%add3A_9, %parallel_loop3A_147] : memref<128x64xf32, #tpu.memory_space<vmem>>[vector<16xi32>, vector<16xi32>], vector<16xf32>,
        %parallel_loop3A_165 = arith.addf %parallel_loop3A_164, %parallel_loop3A_157 : vector<16xf32>
        %parallel_loop3A_166 = arith.addi %parallel_loop3A_156, %add3A_9 : vector<16xi32>
        tpu.vector_store_idx %arg10[%parallel_loop3A_150, %parallel_loop3A_166], %parallel_loop3A_165 : memref<8x1024xf32, #tpu.memory_space<vmem>>[vector<16xi32>, vector<16xi32>], vector<16xf32>,
        %parallel_loop3A_167 = tpu.vector_load_idx %arg8[%add3A_12, %parallel_loop3A_147] : memref<128x64xf32, #tpu.memory_space<vmem>>[vector<16xi32>, vector<16xi32>], vector<16xf32>,
        %parallel_loop3A_168 = arith.addf %parallel_loop3A_167, %parallel_loop3A_157 : vector<16xf32>
        %parallel_loop3A_169 = arith.addi %parallel_loop3A_156, %add3A_12 : vector<16xi32>
        tpu.vector_store_idx %arg10[%parallel_loop3A_150, %parallel_loop3A_169], %parallel_loop3A_168 : memref<8x1024xf32, #tpu.memory_space<vmem>>[vector<16xi32>, vector<16xi32>], vector<16xf32>,
        %parallel_loop3A_170 = tpu.vector_load_idx %arg8[%add3A_15, %parallel_loop3A_147] : memref<128x64xf32, #tpu.memory_space<vmem>>[vector<16xi32>, vector<16xi32>], vector<16xf32>,
        %parallel_loop3A_171 = arith.addf %parallel_loop3A_170, %parallel_loop3A_157 : vector<16xf32>
        %parallel_loop3A_172 = arith.addi %parallel_loop3A_156, %add3A_15 : vector<16xi32>
        tpu.vector_store_idx %arg10[%parallel_loop3A_150, %parallel_loop3A_172], %parallel_loop3A_171 : memref<8x1024xf32, #tpu.memory_space<vmem>>[vector<16xi32>, vector<16xi32>], vector<16xf32>,
        %parallel_loop3A_173 = tpu.vector_load_idx %arg8[%add3A_18, %parallel_loop3A_147] : memref<128x64xf32, #tpu.memory_space<vmem>>[vector<16xi32>, vector<16xi32>], vector<16xf32>,
        %parallel_loop3A_174 = arith.addf %parallel_loop3A_173, %parallel_loop3A_157 : vector<16xf32>
        %parallel_loop3A_175 = arith.addi %parallel_loop3A_156, %add3A_18 : vector<16xi32>
        tpu.vector_store_idx %arg10[%parallel_loop3A_150, %parallel_loop3A_175], %parallel_loop3A_174 : memref<8x1024xf32, #tpu.memory_space<vmem>>[vector<16xi32>, vector<16xi32>], vector<16xf32>,
        %parallel_loop3A_176 = tpu.vector_load_idx %arg8[%add3A_21, %parallel_loop3A_147] : memref<128x64xf32, #tpu.memory_space<vmem>>[vector<16xi32>, vector<16xi32>], vector<16xf32>,
        %parallel_loop3A_177 = arith.addf %parallel_loop3A_176, %parallel_loop3A_157 : vector<16xf32>
        %parallel_loop3A_178 = arith.addi %parallel_loop3A_156, %add3A_21 : vector<16xi32>
        tpu.vector_store_idx %arg10[%parallel_loop3A_150, %parallel_loop3A_178], %parallel_loop3A_177 : memref<8x1024xf32, #tpu.memory_space<vmem>>[vector<16xi32>, vector<16xi32>], vector<16xf32>,
        %parallel_loop3A_179 = tpu.vector_load_idx %arg8[%add3A_24, %parallel_loop3A_147] : memref<128x64xf32, #tpu.memory_space<vmem>>[vector<16xi32>, vector<16xi32>], vector<16xf32>,
        %parallel_loop3A_180 = arith.addf %parallel_loop3A_179, %parallel_loop3A_157 : vector<16xf32>
        %parallel_loop3A_181 = arith.addi %parallel_loop3A_156, %add3A_24 : vector<16xi32>
        tpu.vector_store_idx %arg10[%parallel_loop3A_150, %parallel_loop3A_181], %parallel_loop3A_180 : memref<8x1024xf32, #tpu.memory_space<vmem>>[vector<16xi32>, vector<16xi32>], vector<16xf32>,
      } {sc.loop_unroll_factor = 2 : i64, sc.parallel_access}
      %add3A_129 = arith.constant 1 : i32
      %add3A_130 = arith.addi %mul3A_60, %add3A_129 : i32
      %dma_start3A_131 = arith.constant 0 : i32
      %dma_start3A_132 = arith.constant 0 : i32
      %dma_start3A_133 = tpu.memref_slice %arg5[%add3A_130, %dma_start3A_131, %add3A, %dma_start3A_132] : memref<200x8x32x1024xf32, #tpu.memory_space<hbm>> -> memref<1x8x1x1024xf32, #tpu.memory_space<hbm>>
      %dma_start3A_134 = tpu.memref_squeeze %dma_start3A_133 : memref<1x8x1x1024xf32, #tpu.memory_space<hbm>> -> memref<8x1024xf32, #tpu.memory_space<hbm>>
      %dma_start3A_135 = arith.constant 0 : i32
      %dma_start3A_136 = arith.constant 0 : i32
      %dma_start3A_137 = tpu.memref_slice %arg5[%add3A_130, %dma_start3A_135, %add3A, %dma_start3A_136] : memref<200x8x32x1024xf32, #tpu.memory_space<hbm>> -> memref<1x8x1x1024xf32, #tpu.memory_space<hbm>>
      %dma_start3A_138 = tpu.memref_squeeze %dma_start3A_137 : memref<1x8x1x1024xf32, #tpu.memory_space<hbm>> -> memref<8x1024xf32, #tpu.memory_space<hbm>>
      tpu.enqueue_dma source(%arg10 : memref<8x1024xf32, #tpu.memory_space<vmem>>) target(%dma_start3A_138 : memref<8x1024xf32, #tpu.memory_space<hbm>>) target_semaphore(%arg15 : memref<!tpu.dma_semaphore, #tpu.memory_space<semaphore_mem>>)
    }
    %scan3A_34 = arith.constant 100 : i32
    %dma_wait3A = arith.constant 0 : i32
    %dma_wait3A_35 = arith.constant 0 : i32
    %dma_wait3A_36 = arith.constant 0 : i32
    %dma_wait3A_37 = arith.constant 0 : i32
    %dma_wait3A_38 = tpu.memref_slice %arg5[%dma_wait3A, %dma_wait3A_36, %dma_wait3A_35, %dma_wait3A_37] : memref<200x8x32x1024xf32, #tpu.memory_space<hbm>> -> memref<1x8x1x1024xf32, #tpu.memory_space<hbm>>
    %dma_wait3A_39 = tpu.memref_squeeze %dma_wait3A_38 : memref<1x8x1x1024xf32, #tpu.memory_space<hbm>> -> memref<8x1024xf32, #tpu.memory_space<hbm>>
    %dma_wait3A_40 = arith.constant 0 : i32
    %dma_wait3A_41 = arith.constant 0 : i32
    %dma_wait3A_42 = tpu.memref_slice %arg5[%dma_wait3A, %dma_wait3A_40, %dma_wait3A_35, %dma_wait3A_41] : memref<200x8x32x1024xf32, #tpu.memory_space<hbm>> -> memref<1x8x1x1024xf32, #tpu.memory_space<hbm>>
    %dma_wait3A_43 = tpu.memref_squeeze %dma_wait3A_42 : memref<1x8x1x1024xf32, #tpu.memory_space<hbm>> -> memref<8x1024xf32, #tpu.memory_space<hbm>>
    tpu.wait_dma2 semaphore(%arg14 : memref<!tpu.dma_semaphore, #tpu.memory_space<semaphore_mem>>) src(%arg9 : memref<8x1024xf32, #tpu.memory_space<vmem>>) dst(%dma_wait3A_43 : memref<8x1024xf32, #tpu.memory_space<hbm>>)
    %dma_wait3A_44 = arith.constant 0 : i32
    %dma_wait3A_45 = arith.constant 0 : i32
    %dma_wait3A_46 = arith.constant 0 : i32
    %dma_wait3A_47 = arith.constant 0 : i32
    %dma_wait3A_48 = tpu.memref_slice %arg5[%dma_wait3A_44, %dma_wait3A_46, %dma_wait3A_45, %dma_wait3A_47] : memref<200x8x32x1024xf32, #tpu.memory_space<hbm>> -> memref<1x8x1x1024xf32, #tpu.memory_space<hbm>>
    %dma_wait3A_49 = tpu.memref_squeeze %dma_wait3A_48 : memref<1x8x1x1024xf32, #tpu.memory_space<hbm>> -> memref<8x1024xf32, #tpu.memory_space<hbm>>
    %dma_wait3A_50 = arith.constant 0 : i32
    %dma_wait3A_51 = arith.constant 0 : i32
    %dma_wait3A_52 = tpu.memref_slice %arg5[%dma_wait3A_44, %dma_wait3A_50, %dma_wait3A_45, %dma_wait3A_51] : memref<200x8x32x1024xf32, #tpu.memory_space<hbm>> -> memref<1x8x1x1024xf32, #tpu.memory_space<hbm>>
    %dma_wait3A_53 = tpu.memref_squeeze %dma_wait3A_52 : memref<1x8x1x1024xf32, #tpu.memory_space<hbm>> -> memref<8x1024xf32, #tpu.memory_space<hbm>>
    tpu.wait_dma2 semaphore(%arg15 : memref<!tpu.dma_semaphore, #tpu.memory_space<semaphore_mem>>) src(%arg10 : memref<8x1024xf32, #tpu.memory_space<vmem>>) dst(%dma_wait3A_53 : memref<8x1024xf32, #tpu.memory_space<hbm>>)
    return
  }
}

</mosaic_0001>

<sc_bundles>
// kernel: kernel.3.cloned.1.call-start
scs
__scs_entry_jumppad:
0x0: {  	(pc) =	sbr.rel $0x88, $3  }
0x1: {  	(tag) =	ssettag $0x0;
	lr =	simm.s32 $0x1  }
0x2: {  	[smem:$0x3F9E] =	sst lr;
	_ =	strace $0xD0000000  }
0x3: {  	_ = 	snop  }
0x4: {  	_ = 	snop  }
0x5: {  	_ = 	snop  }
0x6: {  	_ = 	snop  }
0x7: {  	_ = 	snop  }
__scs_overlays_trampoline_lowered:
0x8: {  	[smem:$0x3FAD] =	sst s0  }
0x9: {  	[smem:$0x3FAE] =	sst s1  }
0xa: {  	[smem:$0x3FAF] =	sst s2  }
0xb: {  	[smem:$0x3FB0] =	sst s3  }
0xc: {  	[smem:$0x3FB1] =	sst s4  }
0xd: {  	[smem:$0x3FB2] =	sst s5  }
0xe: {  	[smem:$0x3FB3] =	sst s6  }
0xf: {  	[smem:$0x3FB4] =	sst s7  }
0x10: {  	[smem:$0x3FB5] =	sst s8  }
0x11: {  	[smem:$0x3FB6] =	sst s9;
	s0 =	simm.s32 @!p0 $0x0  }
0x12: {  	s1 =	sld [smem:$0x3F9C];
	s0 =	simm.s32 @p0 $0x1  }
0x13: {  	[smem:$0x3FB7] =	sst s0;
	s0 =	simm.s32 @!p1 $0x0  }
0x14: {  	s2 =	sld [smem:$0x3F9B];
	s0 =	simm.s32 @p1 $0x1  }
0x15: {  	[smem:$0x3FB8] =	sst s0;
	s0 =	simm.s32 @!p2 $0x0  }
0x16: {  	s3 =	sld [smem:$0x3FDB];
	s0 =	simm.s32 @p2 $0x1  }
0x17: {  	s4 =	simm.s32 $0x1BF5;
	[smem:$0x3FBA] =	sst s0  }
0x18: {  	s0 =	sld [smem:$0x3F9D];
	_ =	swait.ge [sflag:s4], $0x0  }
0x19: {  	s7 =	sld [smem:$0x3F9E]  }
0x1a: {  	s8 =	sadd.s32 $0xFFFFE003, lr  }
0x1b: {  	s9 =	sadd.s32 $0xFFFFFEF7, lr;
	s5 =	simm.s32 $0xFFFFFFFF;
	p2 =	slt.u32 s8, $0xFFFFF086  }
0x1c: {  	p1 =	slt.u32 s9, $0xF7A;
	s5 =	simm.s32 @!p2 $0x0  }
0x1d: {  	s5 =	simm.s32 @p1 $0x1;
	p0 =	seq.s32 s7, s2  }
0x1e: {  	s7 =	smul.u32 @!p0 $0xF7A, s2;
	p2 =	seq.s32 @!p0 s5, $0x0  }
0x1f: {  	s9 =	smul.u32 $0xF7A, s1;
	s8 =	simm.s32 @!p0 $0x1BF5;
	p2 =	por !p2, p0  }
0x20: {  	[sflag:s8] =	ssyncset.s32 @!p0 $0xFFFFF086;
	s6 =	sadd.s32 @!p0 s3, s7;
	s7 =	simm.s32 @!p0 $0x108  }
0x21: {  	s3 =	sadd.s32 s3, s9;
	s6 =	sadd.s32 @!p0 $0x88, s6;
	s7 =	simm.s32 @p2 $0x1082  }
0x22: {  	[simem:s7], [sflag:s8] =	dma.local @!p0 [hbm:s6], $0xF7A  }
0x23: {  	s9 =	sor.u32 $0xD0000000, s2;
	s6 =	simm.s32 $0x108;
	_ =	swait.ge @!p0 [sflag:s8], $0x0  }
0x24: {  	s3 =	sadd.s32 $0x88, s3;
	s6 =	simm.s32 @!p1 $0x1082;
	[sflag:s4] =	ssyncset.s32 $0xFFFFF086  }
0x25: {  	[simem:s6], [sflag:s4] =	dma.local [hbm:s3], $0xF7A  }
0x26: {  	[smem:$0x3F9E] =	sst s1;
	(tag) =	ssettag s2;
	_ =	strace s9  }
0x27: {  	s1 =	sld [smem:$0x3FAE]  }
0x28: {  	s2 =	sld [smem:$0x3FAF]  }
0x29: {  	s4 =	sld [smem:$0x3FB1]  }
0x2a: {  	p0 =	seq.s32 s5, $0x0;
	s5 =	sld [smem:$0x3FB2]  }
0x2b: {  	s6 =	sld [smem:$0x3FB3]  }
0x2c: {  	s7 =	sld [smem:$0x3FB4]  }
0x2d: {  	s3 =	simm.s32 $0x108;
	s8 =	sld [smem:$0x3FB5]  }
0x2e: {  	s3 =	simm.s32 @!p0 $0x1082;
	s9 =	sld [smem:$0x3FB6]  }
0x2f: {  	lr =	sadd.s32 s0, s3;
	s0 =	sld [smem:$0x3FAD]  }
0x30: {  	s3 =	sld [smem:$0x3FB0]  }
0x31: {  	[smem:$0x3FB9] =	sst s10  }
0x32: {  	s10 =	sld [smem:$0x3FB7];
	_ =	sdelay $0x3  }
0x33: {  	p0 =	seq.s32 s10, $0x1;
	s10 =	sld [smem:$0x3FB9];
	_ =	sdelay $0x3  }
0x34: {  	[smem:$0x3FB9] =	sst s10  }
0x35: {  	s10 =	sld [smem:$0x3FB8];
	_ =	sdelay $0x3  }
0x36: {  	p1 =	seq.s32 s10, $0x1;
	s10 =	sld [smem:$0x3FB9];
	_ =	sdelay $0x3  }
0x37: {  	[smem:$0x3FB9] =	sst s10  }
0x38: {  	s10 =	sld [smem:$0x3FBA]  }
0x39: {  	_ = 	snop;
	(pc) =	sbr.ind lr, $3  }
0x3a: {  	_ = 	snop  }
0x3b: {  	_ = 	snop  }
0x3c: {  	p2 =	seq.s32 s10, $0x1;
	s10 =	sld [smem:$0x3FB9]  }
0x3d: {  	_ =	shalt  }
0x3e: {  	_ =	shalt  }
0x3f: {  	_ =	shalt  }
0x40: {  	_ =	shalt  }
0x41: {  	_ =	shalt  }
0x42: {  	_ =	shalt  }
0x43: {  	_ =	shalt  }
0x44: {  	_ =	shalt  }
0x45: {  	_ =	shalt  }
0x46: {  	_ =	shalt  }
0x47: {  	_ =	shalt  }
0x48: {  	_ =	shalt  }
0x49: {  	_ =	shalt  }
0x4a: {  	_ =	shalt  }
0x4b: {  	_ =	shalt  }
0x4c: {  	_ =	shalt  }
0x4d: {  	_ =	shalt  }
0x4e: {  	_ =	shalt  }
0x4f: {  	_ =	shalt  }
0x50: {  	_ =	shalt  }
0x51: {  	_ =	shalt  }
0x52: {  	_ =	shalt  }
0x53: {  	_ =	shalt  }
0x54: {  	_ =	shalt  }
0x55: {  	_ =	shalt  }
0x56: {  	_ =	shalt  }
0x57: {  	_ =	shalt  }
0x58: {  	_ =	shalt  }
0x59: {  	_ =	shalt  }
0x5a: {  	_ =	shalt  }
0x5b: {  	_ =	shalt  }
0x5c: {  	_ =	shalt  }
0x5d: {  	_ =	shalt  }
0x5e: {  	_ =	shalt  }
0x5f: {  	_ =	shalt  }
0x60: {  	_ =	shalt  }
0x61: {  	_ =	shalt  }
0x62: {  	_ =	shalt  }
0x63: {  	_ =	shalt  }
0x64: {  	_ =	shalt  }
0x65: {  	_ =	shalt  }
0x66: {  	_ =	shalt  }
0x67: {  	_ =	shalt  }
0x68: {  	_ =	shalt  }
0x69: {  	_ =	shalt  }
0x6a: {  	_ =	shalt  }
0x6b: {  	_ =	shalt  }
0x6c: {  	_ =	shalt  }
0x6d: {  	_ =	shalt  }
0x6e: {  	_ =	shalt  }
0x6f: {  	_ =	shalt  }
0x70: {  	_ =	shalt  }
0x71: {  	_ =	shalt  }
0x72: {  	_ =	shalt  }
0x73: {  	_ =	shalt  }
0x74: {  	_ =	shalt  }
0x75: {  	_ =	shalt  }
0x76: {  	_ =	shalt  }
0x77: {  	_ =	shalt  }
0x78: {  	_ =	shalt  }
0x79: {  	_ =	shalt  }
0x7a: {  	_ =	shalt  }
0x7b: {  	_ =	shalt  }
0x7c: {  	_ =	shalt  }
0x7d: {  	_ =	shalt  }
0x7e: {  	_ =	shalt  }
0x7f: {  	_ =	shalt  }
0x80: {  	_ =	shalt  }
0x81: {  	_ =	shalt  }
0x82: {  	_ =	shalt  }
0x83: {  	_ =	shalt  }
0x84: {  	_ =	shalt  }
0x85: {  	_ =	shalt  }
0x86: {  	_ =	shalt  }
0x87: {  	_ =	shalt  }
.Lfunc_end0:
.L_simem_size_0:
called_computation_lowered:
.L_overlay_start_0:
0x88: {  	s2 =	sld [smem:$0x3FD9]  }
0x89: {  	s3 =	sld [smem:$0x3FFE];
	_ =	sdelay $0x1  }
0x8a: {  	s1 =	srdreg.scid  }
0x8b: {  	s0 =	sand.u32 $0x1, s1  }
0x8c: {  	s17 =	sshll.u32 s0, $0xA;
	s2 =	sadd.s32 s3, s2  }
0x8d: {  	s2 =	sadd.s32 s2, s17  }
0x8e: {  	[smem:$0x3FC5] =	sst s2  }
0x8f: {  	_ = 	snop  }
0x90: {  	s2 =	sld [smem:$0x3FD0];
	(tm) =	ssettm $0x1  }
0x91: {  	s18 =	sld [smem:$0x3FFB];
	_ =	sdelay $0x3  }
0x92: {  	_ =	strace s18  }
0x93: {  	s3 =	sld [smem:$0x3FFC];
	_ =	sdelay $0x3  }
0x94: {  	_ =	strace s3  }
0x95: {  	s3 =	sld [smem:$0x3FFD];
	_ =	sdelay $0x3  }
0x96: {  	_ =	strace s3  }
0x97: {  	_ =	strace $0x8FFFFFFF  }
0x98: {  	s19 =	sld [smem:$0x3FDB];
	_ =	sdelay $0x1  }
0x99: {  	s4 =	simm.s32 $_scs_section_size  }
0x9a: {  	s5 =	simm.s32 $_size__tile_overlayer_lowered;
	s6 =	simm.s32 $_tile_overlayer_lowered  }
0x9b: {  	s22 =	simm.s32 $0x1BFF;
	s21 =	sshll.u32 s6, $0x1;
	s3 =	sadd.s32 s4, s19  }
0x9c: {  	s7 =	simm.s32 $0x0;
	s20 =	sshll.u32 s5, $0x1;
	s5 =	sadd.s32 s21, s3  }
0x9d: {  	[timem:s7], [sflag:s22] =	dma.local [hbm:s5], s20  }
0x9e: {  	_ =	swait.ge [sflag:s22], s20  }
0x9f: {  	s4 =	ssub.s32 $0x0, s20;
	[sflag:s22] =	ssyncset.done $0x0  }
0xa0: {  	[sflag:s22] =	ssyncadd.s32 s4;
	_ =	sdelay $0x1  }
0xa1: {  	s23 =	simm.s32 $0x1B8B  }
0xa2: {  	_ =	swait.ge [sflag:s23], $0x1  }
0xa3: {  	[sflag:s23] =	ssyncset.done $0x0  }
0xa4: {  	s25 =	simm.s32 $0x1B8E;
	s24 =	sld [smem:$0x3FFE];
	[sflag:s23] =	ssyncadd.s32 $0xFFFFFFFF  }
0xa5: {  	s26 =	simm.s32 $execute0_lowered;
	[smem:$0x3FD2] =	sst s25  }
0xa6: {  	s5 =	sshll.u32 s26, $0x1;
	_ =	strace $0x80000046;
	[dreg:$0x1] =	wrdreg $0xFFFFFFFF  }
0xa7: {  	s28 =	simm.s32 $_size_execute0_lowered;
	s3 =	sadd.s32 s3, s5;
	[dreg:$0x0] =	wrdreg $0x0  }
0xa8: {  	s5 =	sshll.u32 s28, $0x1;
	[dreg:$0x2] =	wrdreg s3  }
0xa9: {  	[dreg:$0x3] =	wrdreg s5  }
0xaa: {  	[dreg:$0x4] =	wrdreg $0xC0  }
0xab: {  	_ =	task [dreg:s7], $0x5FFFF  }
0xac: {  	[dreg:$0x1] =	wrdreg $0xFFFFFFFF  }
0xad: {  	[dreg:$0x0] =	wrdreg $0x60  }
0xae: {  	[dreg:$0x2] =	wrdreg s24  }
0xaf: {  	[dreg:$0x3] =	wrdreg s2  }
0xb0: {  	[dreg:$0x4] =	wrdreg $0x9  }
0xb1: {  	_ =	task.clear_ibuf [dreg:s7], $0x5FFFF;
	_ =	strace $0x90000046  }
0xb2: {  	s29 =	simm.s32 $0x9;
	_ =	strace $0x80000048  }
0xb3: {  	_ =	swait.ge [sflag:s29], $0x1  }
0xb4: {  	[sflag:s29] =	ssyncadd.s32 $0xFFFFFFFF  }
0xb5: {  	_ =	strace $0x90000048  }
0xb6: {  	_ =	sfence  }
0xb7: {  	s30 =	sld [smem:$0x0];
	_ =	sdelay $0x2  }
0xb8: {  	s31 =	sshll.u32 s1, $0xD;
	s1 =	sshrl.u32 s1, $0x2  }
0xb9: {  	s3 =	sand.u32 $0x4000, s31;
	s1 =	sadd.s32 s1, s30  }
0xba: {  	s0 =	sor.u32 s3, s0;
	s1 =	sshll.u32 s1, $0x11  }
0xbb: {  	s0 =	sor.u32 s1, s0  }
0xbc: {  	s0 =	sadd.s32 $0x8F2B, s0  }
0xbd: {  	[sflag:s0] =	ssyncadd.remote.s32 $0x1  }
0xbe: {  	_ =	sfence.sel $0xFFFF  }
0xbf: {  	[dreg:$0x0] =	wrdreg $0xFFFFFFFF;
	(pc) =	sbr.abs _section_cstart, $3  }
0xc0: {  	[dreg:$0x1] =	wrdreg $0xFFFFFFFF  }
0xc1: {  	_ =	task.clear_ibuf [dreg:s7], $0x2FFFF;
	_ =	strace $0x9FFFFFFF  }
0xc2: {  	(tm) =	ssettm $0x7FFFFFFF  }
0xc3: {  	_ =	shalt  }
tec
execute0_lowered:
.L_overlay_start_1:
0x0: {  	(tag) =	ssettag $0x1  }
0x1: {  	s1 =	srdreg.scid;
	s5 =	rddreg [dreg:$0x0]  }
0x2: {  	s0 =	stileid.u32;
	s2 =	rddreg [dreg:$0x1];
	s3 =	simm.s32 $0x0  }
0x3: {  	s10 =	simm.s32 $0x5;
	s11 =	simm.s32 $0x80;
	s12 =	simm.s32 $0x6400  }
0x4: {  	s13 =	simm.s32 $0x8400;
	s14 =	simm.s32 $0x1;
	s15 =	simm.s32 $0xA400  }
0x5: {  	s16 =	simm.s32 $0x400;
	s17 =	simm.s32 $0x8000;
	s18 =	simm.s32 $0x2  }
0x6: {  	v0 =	vlaneseq.u32;
	s19 =	simm.s32 $0xC400;
	s20 =	simm.s32 $0x3;
	s21 =	simm.s32 $0x4  }
0x7: {  	s4 =	sand.u32 $0x1, s1;
	s31 =	sshll.u32 s0, $0x1;
	s1 =	rddreg [dreg:$0x2];
	v1 =	vmul.u32 $0x40, v0  }
0x8: {  	s22 =	simm.s32 $0x0;
	[smem:$0x7FF] =	sst s3;
	v2 =	vand.u32 $0x7, v0;
	v4 =	vor.u32 $0x10, v0;
	v6 =	vor.u32 $0x20, v0;
	s7 =	sor.u32 s4, s31  }
0x9: {  	v8 =	vor.u32 $0x30, v0;
	v10 =	vor.u32 $0x40, v0;
	v12 =	vor.u32 $0x50, v0;
	_ =	strace $0x80000047;
	s8 =	ssub.s32 $0x2, s4;
	s6 =	smul.u32 $0xC80, s7  }
0xa: {  	v14 =	vor.u32 $0x60, v0;
	v16 =	vor.u32 $0x70, v0;
	s4 =	sadd.s32 $0xF42C00, s5;
	s9 =	sshrl.u32 s8, $0x1;
	s7 =	sshll.u32 s7, $0xA;
	v3 =	vor.u32 $0x400, v1  }
0xb: {  	v5 =	vor.u32 $0x800, v1;
	v7 =	vor.u32 $0xC00, v1;
	v9 =	vor.u32 $0x1000, v1;
	s8 =	ssub.s32 s8, s9;
	s9 =	simm.s32 $0xE400;
	s6 =	sadd.s32 s6, s5  }
0xc: {  	v11 =	vor.u32 $0x1400, v1;
	v13 =	vor.u32 $0x1800, v1;
	v15 =	vor.u32 $0x1C00, v1;
	s5 =	sadd.s32 $0x19800, s5;
	s8 =	smax.u32 s8, $0x1;
	s6 =	sadd.s32 $0x800, s6  }
.LBB2_1:
0xd: {  	[tilespmem:s9], [sflag:$0x5] =	stream.linear.gather [hbm4b:s5+s3], $0x3200, $0x38;
	[tilespmem:$0x11600] =	vst v63  }
0xe: {  	_ =	swait.ge [sflag:s10], $0x3200  }
0xf: {  	[sflag:s10] =	ssyncset.done $0x0  }
0x10: {  	[sflag:s10] =	ssyncadd.s32 $0xFFFFCE00  }
0x11: {  	[tilespmem:s3], [sflag:$0x5] =	stream.linear.gather [hbm4b:s6+s3], $0x6400, $0x38;
	[tilespmem:$0x11600] =	vst v63  }
0x12: {  	_ =	swait.ge [sflag:s10], $0x6400  }
0x13: {  	[sflag:s10] =	ssyncset.done $0x0  }
0x14: {  	s23 =	simm.s32 $0x0;
	[sflag:s10] =	ssyncadd.s32 $0xFFFF9C00  }
0x15: {  	[tilespmem:s12], [sflag:$0x1] =	stream.indirect.gather [hbm4b:s4+s11], $0x40, s3, s11, $0xb8;
	[tilespmem:$0x11600] =	vst v63  }
.LBB2_2:
0x16: {  	s24 =	sshll.u32 s23, $0x1;
	p0 =	seq.s32 s23, $0x0  }
0x17: {  	s26 =	simm.s32 $0x0;
	v17 =	vmov s24;
	s25 =	simm.s32 @!p0 $0x4  }
0x18: {  	s24 =	sor.u32 $0x1, s24;
	v21 =	vadd.s32 s26, v0;
	v17 =	vshll.u32 v17, $0x6;
	_ =	swait.ge @!p0 [sflag:s25], $0x2000  }
0x19: {  	s28 =	simm.s32 $0x1;
	s31 =	sshll.u32 s24, $0x7;
	v20 =	vand.u32 $0xF, v21;
	v17 =	vbroadcast v17, $0x0;
	[sflag:s25] =	ssyncset.done @!p0 $0x0  }
0x1a: {  	v25 =	vadd.s32 s28, v0;
	s26 =	sand.u32 $0x3FFFFF80, s31;
	v19 =	vor.u32 v1, v20;
	[sflag:s25] =	ssyncadd.s32 @!p0 $0xFFFFE000  }
0x1b: {  	v23 =	vand.u32 $0xF, v25;
	v18 =	vor.u32 v17, v20;
	[tilespmem:s13], [sflag:$0x2] =	stream.indirect.gather [hbm4b:s4+s11], $0x40, s26, s11, $0xb8;
	[tilespmem:$0x11600] =	vst v63  }
0x1c: {  	v22 =	vor.u32 v17, v23;
	_ =	swait.ge [sflag:s14], $0x2000  }
0x1d: {  	v24 =	vor.u32 v1, v23;
	[sflag:s14] =	ssyncset.done $0x0  }
0x1e: {  	[tilespmem:$0x1FF00] =	vst v21;
	[sflag:s14] =	ssyncadd.s32 $0xFFFFE000  }
0x1f: {  	v21 =	vshll.u32 v21, $0x7;
	v19 =	vld.idx.msk [tilespmem:v19+s12+$0x0], $0xffff  }
0x20: {  	v40 =	vld.idx.msk [tilespmem:v18+s9+$0x0], $0xffff;
	v18 =	vor.u32 v0, v21  }
0x21: {  	v26 =	vand.u32 $0x400, v21;
	v42 =	vld.idx.msk [tilespmem:v22+s9+$0x0], $0xffff;
	[tilespmem:$0x1FF10] =	vst v25;
	v27 =	vand.u32 $0x388, v18;
	v18 =	vshll.u32 v25, $0x7  }
0x22: {  	v39 =	vor.u32 v2, v26;
	v22 =	vld.idx.msk [tilespmem:v24+s12+$0x0], $0xffff;
	v24 =	vor.u32 v0, v18;
	v26 =	vand.u32 $0x400, v18  }
0x23: {  	v27 =	vor.u32 v27, v39;
	v25 =	vand.u32 $0x388, v24;
	v41 =	vor.u32 v2, v26  }
0x24: {  	v24 =	vor.u32 v3, v20;
	v26 =	vor.u32 v25, v41  }
0x25: {  	v28 =	vor.u32 v3, v23  }
0x26: {  	v19 =	vadd.f32 v19, v40  }
0x27: {  	[tilespmem:$0x1FF20] =	vst v25;
	v22 =	vadd.f32 v22, v42  }
0x28: {  	[tilespmem:v27+s15+$0x0] =	vst.idx.msk $0xffff, v19  }
0x29: {  	v19 =	vld.idx.msk [tilespmem:v24+s12+$0x0], $0xffff;
	v24 =	vor.u32 v4, v21;
	[tilespmem:v26+s15+$0x0] =	vst.idx.msk $0xffff, v22  }
0x2a: {  	v25 =	vand.u32 $0x398, v24;
	v24 =	vor.u32 v4, v18;
	v22 =	vld.idx.msk [tilespmem:v28+s12+$0x0], $0xffff  }
0x2b: {  	[tilespmem:$0x1FF30] =	vst v25;
	v26 =	vor.u32 v25, v39;
	v25 =	vand.u32 $0x398, v24  }
0x2c: {  	v24 =	vor.u32 v5, v20;
	v27 =	vor.u32 v25, v41  }
0x2d: {  	v28 =	vor.u32 v5, v23  }
0x2e: {  	v19 =	vadd.f32 v19, v40  }
0x2f: {  	[tilespmem:$0x1FF40] =	vst v25;
	v22 =	vadd.f32 v22, v42  }
0x30: {  	[tilespmem:v26+s15+$0x0] =	vst.idx.msk $0xffff, v19  }
0x31: {  	v19 =	vld.idx.msk [tilespmem:v24+s12+$0x0], $0xffff;
	v24 =	vor.u32 v6, v21;
	[tilespmem:v27+s15+$0x0] =	vst.idx.msk $0xffff, v22  }
0x32: {  	v25 =	vand.u32 $0x3A8, v24;
	v24 =	vor.u32 v6, v18;
	v22 =	vld.idx.msk [tilespmem:v28+s12+$0x0], $0xffff  }
0x33: {  	[tilespmem:$0x1FF50] =	vst v25;
	v26 =	vor.u32 v25, v39;
	v25 =	vand.u32 $0x3A8, v24  }
0x34: {  	s29 =	simm.s32 $0x2;
	v24 =	vor.u32 v7, v20;
	v27 =	vor.u32 v25, v41  }
0x35: {  	v33 =	vadd.s32 s29, v0;
	v28 =	vor.u32 v7, v23  }
0x36: {  	v46 =	vand.u32 $0xF, v33;
	v19 =	vadd.f32 v19, v40  }
0x37: {  	s30 =	simm.s32 $0x3;
	v29 =	vor.u32 v17, v46;
	[tilespmem:$0x1FF60] =	vst v25;
	v30 =	vadd.f32 v22, v42  }
0x38: {  	v31 =	vor.u32 v9, v20;
	v32 =	vor.u32 v1, v46;
	v22 =	vadd.s32 s30, v0;
	[tilespmem:v26+s15+$0x0] =	vst.idx.msk $0xffff, v19  }
0x39: {  	v19 =	vor.u32 v8, v21;
	v45 =	vand.u32 $0xF, v22;
	v24 =	vld.idx.msk [tilespmem:v24+s12+$0x0], $0xffff;
	[tilespmem:v27+s15+$0x0] =	vst.idx.msk $0xffff, v30  }
0x3a: {  	v25 =	vand.u32 $0x3B8, v19;
	v26 =	vor.u32 v17, v45;
	v30 =	vor.u32 v8, v18;
	v27 =	vld.idx.msk [tilespmem:v28+s12+$0x0], $0xffff;
	[tilespmem:$0x1FF70] =	vst v33  }
0x3b: {  	v34 =	vor.u32 v25, v39;
	v28 =	vor.u32 v1, v45;
	[tilespmem:$0x1FF80] =	vst v25;
	v25 =	vand.u32 $0x3B8, v30  }
0x3c: {  	v62 =	vor.u32 v9, v23;
	v19 =	vshll.u32 v33, $0x7;
	v49 =	vshll.u32 v22, $0x7;
	v43 =	vld.idx.msk [tilespmem:v29+s9+$0x0], $0xffff;
	[tilespmem:$0x1FF90] =	vst v25  }
0x3d: {  	v35 =	vand.u32 $0x400, v19;
	v30 =	vor.u32 v0, v19;
	v29 =	vor.u32 v25, v41;
	v32 =	vld.idx.msk [tilespmem:v32+s12+$0x0], $0xffff  }
0x3e: {  	v47 =	vor.u32 v2, v35;
	v30 =	vand.u32 $0x388, v30;
	v24 =	vadd.f32 v24, v40  }
0x3f: {  	v37 =	vor.u32 v3, v46;
	v36 =	vand.u32 $0x400, v49;
	v30 =	vor.u32 v30, v47;
	v44 =	vld.idx.msk [tilespmem:v26+s9+$0x0], $0xffff  }
0x40: {  	v26 =	vld.idx.msk [tilespmem:v28+s12+$0x0], $0xffff;
	v27 =	vadd.f32 v27, v42;
	v28 =	vor.u32 v0, v49;
	[tilespmem:v34+s15+$0x0] =	vst.idx.msk $0xffff, v24  }
0x41: {  	v48 =	vor.u32 v2, v36;
	v24 =	vand.u32 $0x388, v28;
	v28 =	vor.u32 v10, v21;
	v31 =	vld.idx.msk [tilespmem:v31+s12+$0x0], $0xffff  }
0x42: {  	[tilespmem:v29+s15+$0x0] =	vst.idx.msk $0xffff, v27;
	v24 =	vor.u32 v24, v48;
	v27 =	vadd.f32 v32, v43;
	v25 =	vand.u32 $0x3C8, v28  }
0x43: {  	v28 =	vor.u32 v10, v18;
	v29 =	vld.idx.msk [tilespmem:v62+s12+$0x0], $0xffff;
	[tilespmem:$0x1FFA0] =	vst v25  }
0x44: {  	v63 =	vor.u32 v3, v45;
	v56 =	vor.u32 v4, v19;
	v28 =	vand.u32 $0x3C8, v28;
	[tilespmem:v30+s15+$0x0] =	vst.idx.msk $0xffff, v27  }
0x45: {  	v50 =	vor.u32 v25, v39;
	v27 =	vor.u32 v28, v41;
	v26 =	vadd.f32 v26, v44;
	v28 =	vld.idx.msk [tilespmem:v37+s12+$0x0], $0xffff  }
0x46: {  	v25 =	vand.u32 $0x398, v56;
	v30 =	vor.u32 v11, v20  }
0x47: {  	[tilespmem:v24+s15+$0x0] =	vst.idx.msk $0xffff, v26;
	v26 =	vor.u32 v25, v47  }
0x48: {  	v57 =	vor.u32 v11, v23;
	v24 =	vadd.f32 v31, v40;
	[tilespmem:$0x1FFB0] =	vst v25  }
0x49: {  	v58 =	vor.u32 v5, v46;
	v59 =	vor.u32 v4, v49;
	v29 =	vadd.f32 v29, v42;
	v31 =	vld.idx.msk [tilespmem:v63+s12+$0x0], $0xffff  }
0x4a: {  	v54 =	vor.u32 v15, v20;
	[tilespmem:v50+s15+$0x0] =	vst.idx.msk $0xffff, v24;
	v24 =	vand.u32 $0x398, v59;
	v28 =	vadd.f32 v28, v43  }
0x4b: {  	[tilespmem:v27+s15+$0x0] =	vst.idx.msk $0xffff, v29;
	v27 =	vld.idx.msk [tilespmem:v30+s12+$0x0], $0xffff;
	v24 =	vor.u32 v24, v48;
	v29 =	vor.u32 v12, v21  }
0x4c: {  	v60 =	vor.u32 v5, v45;
	v63 =	vor.u32 v13, v20;
	v61 =	vand.u32 $0x3D8, v29;
	[tilespmem:v26+s15+$0x0] =	vst.idx.msk $0xffff, v28  }
0x4d: {  	v30 =	vld.idx.msk [tilespmem:v57+s12+$0x0], $0xffff;
	v29 =	vor.u32 v12, v18;
	v26 =	vor.u32 v61, v39;
	[tilespmem:$0x1FFC0] =	vst v61  }
0x4e: {  	v20 =	vor.u32 v6, v19;
	v28 =	vand.u32 $0x3D8, v29;
	v29 =	vadd.f32 v31, v44;
	v35 =	vld.idx.msk [tilespmem:v58+s12+$0x0], $0xffff  }
0x4f: {  	v53 =	vor.u32 v16, v21;
	v38 =	vor.u32 v28, v41;
	v28 =	vand.u32 $0x3A8, v20  }
0x50: {  	v20 =	vadd.f32 v27, v40;
	[tilespmem:v24+s15+$0x0] =	vst.idx.msk $0xffff, v29;
	v24 =	vor.u32 v28, v47  }
0x51: {  	s31 =	simm.s32 $0x4;
	v34 =	vor.u32 v7, v46;
	v62 =	vor.u32 v14, v21;
	v56 =	vor.u32 v10, v19;
	[tilespmem:$0x1FFD0] =	vst v28  }
0x52: {  	v25 =	vadd.s32 s31, v0;
	v50 =	vor.u32 v13, v23;
	v27 =	vadd.f32 v30, v42;
	[tilespmem:v26+s15+$0x0] =	vst.idx.msk $0xffff, v20  }
0x53: {  	v23 =	vor.u32 v15, v23;
	v29 =	vld.idx.msk [tilespmem:v60+s12+$0x0], $0xffff;
	[tilespmem:$0x1FFE0] =	vst v25;
	v52 =	vadd.f32 v35, v43  }
0x54: {  	v51 =	vand.u32 $0xF, v25;
	v57 =	vor.u32 v9, v46;
	v28 =	vor.u32 v6, v49;
	[tilespmem:v38+s15+$0x0] =	vst.idx.msk $0xffff, v27  }
0x55: {  	v20 =	vshll.u32 v25, $0x7;
	v26 =	vand.u32 $0x3A8, v28;
	v25 =	vand.u32 $0x3E8, v62;
	[tilespmem:v24+s15+$0x0] =	vst.idx.msk $0xffff, v52  }
0x56: {  	v28 =	vor.u32 v17, v51;
	v36 =	vor.u32 v26, v48;
	v58 =	vld.idx.msk [tilespmem:v63+s12+$0x0], $0xffff;
	[tilespmem:$0x1FFF0] =	vst v25  }
0x57: {  	v31 =	vor.u32 v8, v19;
	v35 =	vor.u32 v7, v45;
	v26 =	vor.u32 v14, v18;
	v59 =	vld.idx.msk [tilespmem:v50+s12+$0x0], $0xffff  }
0x58: {  	v62 =	vor.u32 v1, v51;
	v60 =	vor.u32 v25, v39;
	v24 =	vand.u32 $0x3E8, v26  }
0x59: {  	s25 =	simm.s32 $0x5;
	v55 =	vmovc v19;
	v30 =	vor.u32 v3, v51;
	v63 =	vor.u32 v24, v41;
	v37 =	vadd.f32 v29, v44  }
0x5a: {  	s26 =	simm.s32 $0x6;
	v38 =	vor.u32 v0, v20;
	v27 =	vadd.s32 s25, v0;
	v24 =	vand.u32 $0x400, v20;
	v34 =	vld.idx.msk [tilespmem:v34+s12+$0x0], $0xffff;
	v52 =	vmovc v18;
	v50 =	vmovc v20  }
.LBB2_3:
0x5b: {  	p0 =	slt.u32 s26, $0xE;
	v28 =	vld.idx.msk [tilespmem:v28+s9+$0x0], $0xffff;
	v26 =	vand.u32 $0xF, v27;
	v29 =	vand.u32 $0x3B8, v31;
	[tilespmem:v36+s15+$0x0] =	vst.idx.msk $0xffff, v37;
	v31 =	vadd.f32 v58, v40  }
0x5c: {  	v37 =	vadd.f32 v59, v42;
	v36 =	vor.u32 v17, v26;
	v29 =	vor.u32 v29, v47;
	v35 =	vld.idx.msk [tilespmem:v35+s12+$0x0], $0xffff  }
0x5d: {  	v61 =	vor.u32 v8, v49;
	v59 =	vor.u32 v1, v26;
	v58 =	vld.idx.msk [tilespmem:v62+s12+$0x0], $0xffff;
	[tilespmem:v60+s15+$0x0] =	vst.idx.msk $0xffff, v31  }
0x5e: {  	v53 =	vand.u32 $0x3F8, v53;
	v31 =	vand.u32 $0x388, v38;
	v38 =	vand.u32 $0x3B8, v61;
	v54 =	vld.idx.msk [tilespmem:v54+s12+$0x0], $0xffff;
	[tilespmem:v63+s15+$0x0] =	vst.idx.msk $0xffff, v37  }
0x5f: {  	v24 =	vor.u32 v2, v24;
	v34 =	vadd.f32 v34, v43;
	v37 =	vor.u32 v38, v48;
	v23 =	vld.idx.msk [tilespmem:v23+s12+$0x0], $0xffff  }
0x60: {  	v60 =	vor.u32 v16, v52;
	v52 =	vmovc v49;
	v31 =	vor.u32 v31, v24;
	v38 =	vor.u32 v9, v45  }
0x61: {  	v36 =	vld.idx.msk [tilespmem:v36+s9+$0x0], $0xffff;
	[tilespmem:v29+s15+$0x0] =	vst.idx.msk $0xffff, v34;
	v29 =	vor.u32 v53, v39;
	v34 =	vand.u32 $0x3F8, v60;
	v39 =	vmov v47  }
0x62: {  	v49 =	vshll.u32 v27, $0x7;
	v35 =	vadd.f32 v35, v44;
	v47 =	vmovc v24;
	v27 =	vld.idx.msk [tilespmem:v59+s12+$0x0], $0xffff;
	v34 =	vor.u32 v34, v41  }
0x63: {  	v53 =	vor.u32 v0, v49;
	v24 =	vadd.f32 v58, v28;
	v58 =	vand.u32 $0x400, v49;
	v41 =	vmovc v48;
	v57 =	vld.idx.msk [tilespmem:v57+s12+$0x0], $0xffff  }
0x64: {  	v53 =	vand.u32 $0x388, v53;
	v48 =	vor.u32 v2, v58;
	[tilespmem:v37+s15+$0x0] =	vst.idx.msk $0xffff, v35;
	v35 =	vadd.f32 v54, v40  }
0x65: {  	v23 =	vadd.f32 v23, v42;
	[tilespmem:v31+s15+$0x0] =	vst.idx.msk $0xffff, v24;
	v24 =	vor.u32 v53, v48;
	v31 =	vld.idx.msk [tilespmem:v38+s12+$0x0], $0xffff  }
0x66: {  	v25 =	vor.u32 v10, v52;
	v37 =	vor.u32 v3, v26;
	v38 =	vand.u32 $0x3C8, v56;
	[tilespmem:v29+s15+$0x0] =	vst.idx.msk $0xffff, v35  }
0x67: {  	v40 =	vmovc v43;
	v43 =	vmov v28;
	v29 =	vor.u32 v38, v39;
	v35 =	vand.u32 $0x3C8, v25;
	[tilespmem:v34+s15+$0x0] =	vst.idx.msk $0xffff, v23  }
0x68: {  	v28 =	vor.u32 v11, v46;
	v27 =	vadd.f32 v27, v36;
	v23 =	vld.idx.msk [tilespmem:v30+s12+$0x0], $0xffff;
	v30 =	vor.u32 v35, v41  }
0x69: {  	v42 =	vmovc v44;
	v44 =	vmov v36;
	v34 =	vor.u32 v4, v50;
	v35 =	vor.u32 v11, v45  }
0x6a: {  	v34 =	vand.u32 $0x398, v34;
	[tilespmem:v24+s15+$0x0] =	vst.idx.msk $0xffff, v27;
	v24 =	vadd.f32 v57, v40  }
0x6b: {  	v53 =	vor.u32 v16, v55;
	v27 =	vor.u32 v34, v47;
	v31 =	vadd.f32 v31, v42;
	v34 =	vld.idx.msk [tilespmem:v37+s12+$0x0], $0xffff  }
0x6c: {  	v36 =	vor.u32 v5, v51;
	v37 =	vor.u32 v4, v49;
	[tilespmem:v29+s15+$0x0] =	vst.idx.msk $0xffff, v24  }
0x6d: {  	v54 =	vor.u32 v15, v46;
	v24 =	vadd.s32 s26, v0;
	v29 =	vand.u32 $0x398, v37;
	v28 =	vld.idx.msk [tilespmem:v28+s12+$0x0], $0xffff;
	[tilespmem:v30+s15+$0x0] =	vst.idx.msk $0xffff, v31  }
0x6e: {  	v23 =	vadd.f32 v23, v43;
	v29 =	vor.u32 v29, v48;
	v30 =	vor.u32 v12, v55;
	v35 =	vld.idx.msk [tilespmem:v35+s12+$0x0], $0xffff  }
0x6f: {  	v37 =	vor.u32 v5, v26;
	v31 =	vor.u32 v12, v52;
	v30 =	vand.u32 $0x3D8, v30  }
0x70: {  	[tilespmem:v27+s15+$0x0] =	vst.idx.msk $0xffff, v23;
	v23 =	vor.u32 v30, v39;
	v27 =	vor.u32 v14, v55;
	v30 =	vand.u32 $0x3D8, v31  }
0x71: {  	v31 =	vadd.f32 v34, v44;
	v34 =	vor.u32 v13, v46;
	v36 =	vld.idx.msk [tilespmem:v36+s12+$0x0], $0xffff;
	v38 =	vor.u32 v30, v41  }
0x72: {  	v56 =	vor.u32 v10, v50;
	v55 =	vor.u32 v13, v45;
	v46 =	vmovc v51;
	v30 =	vor.u32 v6, v50  }
0x73: {  	v57 =	vor.u32 v9, v46;
	v30 =	vand.u32 $0x3A8, v30;
	v28 =	vadd.f32 v28, v40;
	[tilespmem:v29+s15+$0x0] =	vst.idx.msk $0xffff, v31  }
0x74: {  	v29 =	vor.u32 v30, v47;
	v31 =	vor.u32 v8, v50;
	v35 =	vadd.f32 v35, v42;
	v37 =	vld.idx.msk [tilespmem:v37+s12+$0x0], $0xffff  }
0x75: {  	v58 =	vor.u32 v6, v49;
	v51 =	vand.u32 $0xF, v24;
	v61 =	vor.u32 v7, v46;
	[tilespmem:v23+s15+$0x0] =	vst.idx.msk $0xffff, v28  }
0x76: {  	v30 =	vor.u32 v3, v51;
	v23 =	vshll.u32 v24, $0x7;
	v24 =	vand.u32 $0x3A8, v58;
	v58 =	vld.idx.msk [tilespmem:v34+s12+$0x0], $0xffff;
	[tilespmem:v38+s15+$0x0] =	vst.idx.msk $0xffff, v35  }
.Ltmp0:
0x77: {  	v28 =	vor.u32 v17, v51;
	v34 =	vadd.f32 v36, v43;
	v36 =	vor.u32 v24, v48;
	v59 =	vld.idx.msk [tilespmem:v55+s12+$0x0], $0xffff;
	(pc) =	sbr.rel @p0 .LBB2_3-.Ltmp0, $4  }
0x78: {  	v35 =	vor.u32 v7, v26;
	v24 =	vand.u32 $0x3E8, v27;
	v27 =	vor.u32 v14, v52;
	v55 =	vmovc v50;
	v50 =	vmovc v23  }
0x79: {  	v62 =	vor.u32 v1, v51;
	v60 =	vor.u32 v24, v39;
	v23 =	vand.u32 $0x3E8, v27;
	[tilespmem:v29+s15+$0x0] =	vst.idx.msk $0xffff, v34  }
0x7a: {  	s28 =	sadd.s32 $0x1, s26;
	v38 =	vor.u32 v0, v50;
	v63 =	vor.u32 v23, v41;
	v37 =	vadd.f32 v37, v44;
	v34 =	vld.idx.msk [tilespmem:v61+s12+$0x0], $0xffff  }
0x7b: {  	s26 =	sadd.s32 $0x2, s26;
	v27 =	vadd.s32 s28, v0;
	v24 =	vand.u32 $0x400, v50;
	v23 =	vor.u32 v15, v45;
	v45 =	vmovc v26  }
0x7c: {  	v29 =	vand.u32 $0xF, v27  }
0x7d: {  	v25 =	vor.u32 v17, v29  }
0x7e: {  	v32 =	vor.u32 v1, v29;
	_ =	sdelay $0x1  }
0x7f: {  	v61 =	vld.idx.msk [tilespmem:v28+s9+$0x0], $0xffff  }
0x80: {  	v33 =	vld.idx.msk [tilespmem:v62+s12+$0x0], $0xffff  }
0x81: {  	v28 =	vand.u32 $0x388, v38;
	v26 =	vor.u32 v2, v24;
	v27 =	vshll.u32 v27, $0x7;
	v62 =	vld.idx.msk [tilespmem:v25+s9+$0x0], $0xffff  }
0x82: {  	v24 =	vor.u32 v28, v26;
	v28 =	vor.u32 v0, v27;
	v25 =	vld.idx.msk [tilespmem:v32+s12+$0x0], $0xffff;
	v32 =	vand.u32 $0x400, v27  }
0x83: {  	v38 =	vand.u32 $0x388, v28;
	v28 =	vor.u32 v2, v32  }
0x84: {  	v32 =	vor.u32 v38, v28  }
0x85: {  	v33 =	vadd.f32 v33, v61;
	v38 =	vor.u32 v3, v29;
	_ =	sdelay $0x1  }
0x86: {  	[tilespmem:v24+s15+$0x0] =	vst.idx.msk $0xffff, v33;
	v24 =	vadd.f32 v25, v62  }
0x87: {  	v25 =	vld.idx.msk [tilespmem:v30+s12+$0x0], $0xffff;
	v30 =	vor.u32 v4, v50  }
0x88: {  	v30 =	vand.u32 $0x398, v30;
	[tilespmem:v32+s15+$0x0] =	vst.idx.msk $0xffff, v24  }
0x89: {  	v24 =	vor.u32 v30, v26;
	v30 =	vld.idx.msk [tilespmem:v38+s12+$0x0], $0xffff;
	v38 =	vor.u32 v4, v27  }
0x8a: {  	v33 =	vor.u32 v5, v51;
	v32 =	vand.u32 $0x398, v38  }
0x8b: {  	v32 =	vor.u32 v32, v28  }
0x8c: {  	v38 =	vor.u32 v5, v29;
	v25 =	vadd.f32 v25, v61;
	_ =	sdelay $0x1  }
0x8d: {  	[tilespmem:v24+s15+$0x0] =	vst.idx.msk $0xffff, v25;
	v24 =	vadd.f32 v30, v62  }
0x8e: {  	v25 =	vld.idx.msk [tilespmem:v33+s12+$0x0], $0xffff;
	v30 =	vor.u32 v6, v50  }
0x8f: {  	v30 =	vand.u32 $0x3A8, v30;
	[tilespmem:v32+s15+$0x0] =	vst.idx.msk $0xffff, v24  }
0x90: {  	v24 =	vor.u32 v30, v26;
	v30 =	vld.idx.msk [tilespmem:v38+s12+$0x0], $0xffff;
	v38 =	vor.u32 v6, v27  }
0x91: {  	v33 =	vor.u32 v7, v51;
	v32 =	vand.u32 $0x3A8, v38  }
0x92: {  	v32 =	vor.u32 v32, v28  }
0x93: {  	[tilespmem:v36+s15+$0x0] =	vst.idx.msk $0xffff, v37;
	v36 =	vor.u32 v7, v29;
	v25 =	vadd.f32 v25, v61  }
0x94: {  	v31 =	vand.u32 $0x3B8, v31;
	v37 =	vor.u32 v8, v49;
	v35 =	vld.idx.msk [tilespmem:v35+s12+$0x0], $0xffff  }
0x95: {  	v31 =	vor.u32 v31, v47;
	v37 =	vand.u32 $0x3B8, v37;
	[tilespmem:v24+s15+$0x0] =	vst.idx.msk $0xffff, v25;
	v24 =	vadd.f32 v30, v62  }
0x96: {  	v25 =	vor.u32 v37, v48;
	v30 =	vor.u32 v8, v50;
	v33 =	vld.idx.msk [tilespmem:v33+s12+$0x0], $0xffff  }
0x97: {  	v37 =	vor.u32 v9, v45;
	v30 =	vand.u32 $0x3B8, v30;
	[tilespmem:v32+s15+$0x0] =	vst.idx.msk $0xffff, v24  }
0x98: {  	v24 =	vadd.f32 v34, v43;
	v30 =	vor.u32 v30, v26;
	v34 =	vor.u32 v8, v27;
	v32 =	vld.idx.msk [tilespmem:v36+s12+$0x0], $0xffff  }
0x99: {  	v35 =	vadd.f32 v35, v44;
	v36 =	vor.u32 v9, v51;
	v34 =	vand.u32 $0x3B8, v34  }
0x9a: {  	[tilespmem:v31+s15+$0x0] =	vst.idx.msk $0xffff, v24;
	v24 =	vor.u32 v34, v28  }
0x9b: {  	[tilespmem:v25+s15+$0x0] =	vst.idx.msk $0xffff, v35;
	v31 =	vld.idx.msk [tilespmem:v57+s12+$0x0], $0xffff;
	v25 =	vadd.f32 v33, v61;
	v33 =	vor.u32 v9, v29  }
0x9c: {  	v34 =	vld.idx.msk [tilespmem:v37+s12+$0x0], $0xffff;
	v57 =	vand.u32 $0x3C8, v56;
	v56 =	vor.u32 v10, v49  }
0x9d: {  	v35 =	vor.u32 v57, v47;
	v37 =	vand.u32 $0x3C8, v56;
	[tilespmem:v30+s15+$0x0] =	vst.idx.msk $0xffff, v25;
	v25 =	vadd.f32 v32, v62  }
0x9e: {  	v57 =	vor.u32 v10, v50;
	v32 =	vor.u32 v37, v48;
	v36 =	vld.idx.msk [tilespmem:v36+s12+$0x0], $0xffff  }
0x9f: {  	v30 =	vor.u32 v11, v46;
	[tilespmem:v24+s15+$0x0] =	vst.idx.msk $0xffff, v25;
	v24 =	vand.u32 $0x3C8, v57  }
0xa0: {  	v56 =	vor.u32 v10, v27;
	v25 =	vadd.f32 v31, v43;
	v31 =	vld.idx.msk [tilespmem:v33+s12+$0x0], $0xffff;
	v24 =	vor.u32 v24, v26  }
0xa1: {  	v37 =	vor.u32 v11, v51;
	v34 =	vadd.f32 v34, v44;
	v33 =	vand.u32 $0x3C8, v56  }
0xa2: {  	v38 =	vor.u32 v11, v45;
	[tilespmem:v35+s15+$0x0] =	vst.idx.msk $0xffff, v25;
	v25 =	vor.u32 v33, v28  }
0xa3: {  	[tilespmem:v32+s15+$0x0] =	vst.idx.msk $0xffff, v34;
	v32 =	vor.u32 v11, v29;
	v57 =	vadd.f32 v36, v61  }
0xa4: {  	v30 =	vld.idx.msk [tilespmem:v30+s12+$0x0], $0xffff;
	v36 =	vor.u32 v12, v55  }
0xa5: {  	v56 =	vor.u32 v12, v49;
	v34 =	vand.u32 $0x3D8, v36;
	v31 =	vadd.f32 v31, v62;
	[tilespmem:v24+s15+$0x0] =	vst.idx.msk $0xffff, v57  }
0xa6: {  	v24 =	vor.u32 v34, v47;
	v57 =	vand.u32 $0x3D8, v56;
	v56 =	vor.u32 v12, v50;
	v34 =	vld.idx.msk [tilespmem:v37+s12+$0x0], $0xffff  }
0xa7: {  	v35 =	vld.idx.msk [tilespmem:v38+s12+$0x0], $0xffff;
	v33 =	vor.u32 v57, v48;
	[tilespmem:v25+s15+$0x0] =	vst.idx.msk $0xffff, v31;
	v25 =	vand.u32 $0x3D8, v56  }
0xa8: {  	v57 =	vor.u32 v12, v27;
	v31 =	vor.u32 v13, v46;
	v32 =	vld.idx.msk [tilespmem:v32+s12+$0x0], $0xffff;
	v25 =	vor.u32 v25, v26  }
0xa9: {  	v30 =	vadd.f32 v30, v43;
	v36 =	vand.u32 $0x3D8, v57  }
0xaa: {  	v56 =	vor.u32 v13, v51;
	v36 =	vor.u32 v36, v28  }
0xab: {  	[tilespmem:v24+s15+$0x0] =	vst.idx.msk $0xffff, v30;
	v24 =	vor.u32 v13, v29;
	v30 =	vadd.f32 v34, v61  }
0xac: {  	v37 =	vor.u32 v13, v45;
	v35 =	vadd.f32 v35, v44  }
0xad: {  	v57 =	vor.u32 v14, v55;
	[tilespmem:v25+s15+$0x0] =	vst.idx.msk $0xffff, v30;
	v25 =	vld.idx.msk [tilespmem:v31+s12+$0x0], $0xffff;
	v31 =	vadd.f32 v32, v62  }
0xae: {  	v58 =	vadd.f32 v58, v40;
	[tilespmem:v33+s15+$0x0] =	vst.idx.msk $0xffff, v35;
	v30 =	vand.u32 $0x3E8, v57  }
0xaf: {  	v30 =	vor.u32 v30, v47;
	v35 =	vld.idx.msk [tilespmem:v56+s12+$0x0], $0xffff;
	[tilespmem:v36+s15+$0x0] =	vst.idx.msk $0xffff, v31;
	v31 =	vor.u32 v14, v50  }
0xb0: {  	v56 =	vor.u32 v14, v27;
	v24 =	vld.idx.msk [tilespmem:v24+s12+$0x0], $0xffff;
	v31 =	vand.u32 $0x3E8, v31  }
0xb1: {  	[tilespmem:v60+s15+$0x0] =	vst.idx.msk $0xffff, v58;
	v57 =	vadd.f32 v59, v42;
	v36 =	vand.u32 $0x3E8, v56;
	v31 =	vor.u32 v31, v26  }
0xb2: {  	v33 =	vld.idx.msk [tilespmem:v37+s12+$0x0], $0xffff;
	v37 =	vor.u32 v14, v49;
	v58 =	vor.u32 v36, v28;
	v25 =	vadd.f32 v25, v43  }
0xb3: {  	v60 =	vor.u32 v15, v46;
	v34 =	vand.u32 $0x3E8, v37;
	[tilespmem:v63+s15+$0x0] =	vst.idx.msk $0xffff, v57  }
0xb4: {  	v59 =	vld.idx.msk [tilespmem:v54+s12+$0x0], $0xffff;
	v34 =	vor.u32 v34, v48;
	[tilespmem:v30+s15+$0x0] =	vst.idx.msk $0xffff, v25;
	v30 =	vadd.f32 v35, v61  }
0xb5: {  	v63 =	vor.u32 v15, v51;
	v23 =	vld.idx.msk [tilespmem:v23+s12+$0x0], $0xffff;
	v24 =	vadd.f32 v24, v62  }
0xb6: {  	v25 =	vor.u32 v15, v45;
	[tilespmem:v31+s15+$0x0] =	vst.idx.msk $0xffff, v30;
	v30 =	vand.u32 $0x3F8, v53;
	v31 =	vor.u32 v16, v52  }
0xb7: {  	v33 =	vadd.f32 v33, v44;
	[tilespmem:v58+s15+$0x0] =	vst.idx.msk $0xffff, v24;
	v24 =	vor.u32 v30, v39;
	v30 =	vand.u32 $0x3F8, v31  }
0xb8: {  	v29 =	vor.u32 v15, v29;
	v30 =	vor.u32 v30, v41  }
0xb9: {  	[tilespmem:v34+s15+$0x0] =	vst.idx.msk $0xffff, v33;
	v46 =	vld.idx.msk [tilespmem:v60+s12+$0x0], $0xffff  }
0xba: {  	v31 =	vadd.f32 v59, v40;
	v53 =	vld [tilespmem:$0x1FF00]  }
0xbb: {  	v27 =	vor.u32 v16, v27;
	v51 =	vor.u32 v16, v49;
	v23 =	vadd.f32 v23, v42;
	v25 =	vld.idx.msk [tilespmem:v25+s12+$0x0], $0xffff  }
0xbc: {  	v45 =	vor.u32 v16, v55;
	v35 =	vand.u32 $0x3F8, v51;
	v33 =	vld.idx.msk [tilespmem:v63+s12+$0x0], $0xffff;
	[tilespmem:v24+s15+$0x0] =	vst.idx.msk $0xffff, v31  }
0xbd: {  	v27 =	vand.u32 $0x3F8, v27;
	v32 =	vand.u32 $0x3F8, v45;
	v35 =	vor.u32 v35, v48;
	v29 =	vld.idx.msk [tilespmem:v29+s12+$0x0], $0xffff;
	[tilespmem:v30+s15+$0x0] =	vst.idx.msk $0xffff, v23  }
0xbe: {  	v27 =	vor.u32 v27, v28;
	v32 =	vor.u32 v32, v47;
	v52 =	vor.u32 v16, v50;
	v28 =	vld [tilespmem:$0x1FF10]  }
0xbf: {  	v36 =	vand.u32 $0x3F8, v52  }
0xc0: {  	v26 =	vor.u32 v36, v26;
	v36 =	vor.u32 $0x10, v53;
	v23 =	vadd.f32 v25, v44  }
0xc1: {  	v24 =	vadd.f32 v46, v43;
	v42 =	vand.u32 $0x1F, v36  }
0xc2: {  	v25 =	vor.u32 v17, v42;
	[tilespmem:v35+s15+$0x0] =	vst.idx.msk $0xffff, v23;
	v23 =	vadd.f32 v29, v62  }
0xc3: {  	[tilespmem:v32+s15+$0x0] =	vst.idx.msk $0xffff, v24;
	v24 =	vadd.f32 v33, v61;
	v28 =	vor.u32 $0x10, v28  }
0xc4: {  	v30 =	vor.u32 v1, v42;
	[tilespmem:v27+s15+$0x0] =	vst.idx.msk $0xffff, v23;
	v23 =	vshll.u32 v36, $0x7;
	v40 =	vand.u32 $0x1F, v28  }
0xc5: {  	v23 =	vand.u32 $0xC00, v23;
	v29 =	vor.u32 v17, v40  }
0xc6: {  	[tilespmem:v26+s15+$0x0] =	vst.idx.msk $0xffff, v24;
	v39 =	vor.u32 v2, v23;
	v23 =	vshll.u32 v28, $0x7;
	v26 =	vor.u32 v1, v40  }
0xc7: {  	v25 =	vld.idx.msk [tilespmem:v25+s9+$0x0], $0xffff;
	v23 =	vand.u32 $0xC00, v23  }
0xc8: {  	v41 =	vor.u32 v2, v23;
	v23 =	vld [tilespmem:$0x1FF20]  }
0xc9: {  	v24 =	vor.u32 v0, v21;
	v27 =	vld.idx.msk [tilespmem:v30+s12+$0x0], $0xffff  }
0xca: {  	v30 =	vand.u32 $0x388, v24;
	v24 =	vld.idx.msk [tilespmem:v29+s9+$0x0], $0xffff  }
0xcb: {  	v26 =	vld.idx.msk [tilespmem:v26+s12+$0x0], $0xffff  }
0xcc: {  	v28 =	vor.u32 v30, v39  }
0xcd: {  	v23 =	vor.u32 v23, v41;
	_ =	sdelay $0x1  }
0xce: {  	v27 =	vadd.f32 v27, v25;
	v29 =	vor.u32 v3, v42  }
0xcf: {  	v26 =	vadd.f32 v26, v24  }
0xd0: {  	[tilespmem:v28+s15+$0x0] =	vst.idx.msk $0xffff, v27  }
0xd1: {  	[tilespmem:v23+s15+$0x0] =	vst.idx.msk $0xffff, v26  }
0xd2: {  	v30 =	vor.u32 v3, v40;
	v23 =	vld [tilespmem:$0x1FF30]  }
0xd3: {  	v27 =	vld.idx.msk [tilespmem:v29+s12+$0x0], $0xffff  }
0xd4: {  	v29 =	vld [tilespmem:$0x1FF40];
	_ =	sdelay $0x2  }
0xd5: {  	v26 =	vld.idx.msk [tilespmem:v30+s12+$0x0], $0xffff;
	v23 =	vor.u32 v23, v39;
	_ =	sdelay $0x1  }
0xd6: {  	v29 =	vor.u32 v29, v41  }
0xd7: {  	v27 =	vadd.f32 v27, v25;
	_ =	sdelay $0x1  }
0xd8: {  	[tilespmem:v23+s15+$0x0] =	vst.idx.msk $0xffff, v27;
	v23 =	vadd.f32 v26, v24;
	_ =	sdelay $0x1  }
0xd9: {  	v30 =	vor.u32 v5, v40;
	[tilespmem:v29+s15+$0x0] =	vst.idx.msk $0xffff, v23  }
0xda: {  	v29 =	vld [tilespmem:$0x1FF70]  }
0xdb: {  	v28 =	vor.u32 v5, v42;
	_ =	sdelay $0x1  }
0xdc: {  	v23 =	vld [tilespmem:$0x1FF50]  }
0xdd: {  	v27 =	vld.idx.msk [tilespmem:v30+s12+$0x0], $0xffff  }
0xde: {  	v30 =	vor.u32 $0x10, v29;
	v29 =	vld [tilespmem:$0x1FF60]  }
0xdf: {  	v26 =	vld.idx.msk [tilespmem:v28+s12+$0x0], $0xffff;
	_ =	sdelay $0x1  }
0xe0: {  	v23 =	vor.u32 v23, v39;
	_ =	sdelay $0x1  }
0xe1: {  	v28 =	vor.u32 v7, v42;
	v31 =	vor.u32 v29, v41  }
0xe2: {  	v26 =	vadd.f32 v26, v25;
	v33 =	vand.u32 $0x1F, v30  }
0xe3: {  	v56 =	vor.u32 v1, v33  }
0xe4: {  	[tilespmem:v23+s15+$0x0] =	vst.idx.msk $0xffff, v26;
	v23 =	vadd.f32 v27, v24  }
0xe5: {  	v54 =	vor.u32 v7, v40;
	v30 =	vshll.u32 v30, $0x7  }
0xe6: {  	v55 =	vor.u32 v17, v33;
	v26 =	vor.u32 v0, v19;
	v27 =	vld.idx.msk [tilespmem:v28+s12+$0x0], $0xffff;
	[tilespmem:v31+s15+$0x0] =	vst.idx.msk $0xffff, v23  }
0xe7: {  	v57 =	vor.u32 $0x10, v22;
	v62 =	vand.u32 $0x388, v26;
	v26 =	vand.u32 $0xC00, v30;
	v30 =	vld [tilespmem:$0x1FF90]  }
0xe8: {  	v29 =	vand.u32 $0x1F, v57;
	v35 =	vld.idx.msk [tilespmem:v56+s12+$0x0], $0xffff  }
0xe9: {  	v28 =	vor.u32 v17, v29;
	v61 =	vld [tilespmem:$0x1FF80]  }
0xea: {  	v58 =	vor.u32 v1, v29;
	v31 =	vld.idx.msk [tilespmem:v54+s12+$0x0], $0xffff  }
0xeb: {  	v23 =	vld.idx.msk [tilespmem:v55+s9+$0x0], $0xffff  }
0xec: {  	v26 =	vor.u32 v2, v26;
	v30 =	vor.u32 v30, v41  }
0xed: {  	v43 =	vor.u32 v62, v26;
	v63 =	vadd.f32 v27, v25  }
0xee: {  	v27 =	vshll.u32 v22, $0x7;
	v22 =	vld.idx.msk [tilespmem:v28+s9+$0x0], $0xffff;
	v28 =	vshll.u32 v57, $0x7;
	v34 =	vor.u32 v61, v39  }
0xef: {  	v32 =	vld.idx.msk [tilespmem:v58+s12+$0x0], $0xffff;
	v49 =	vor.u32 v0, v27;
	v28 =	vand.u32 $0xC00, v28;
	v31 =	vadd.f32 v31, v24  }
0xf0: {  	v50 =	vand.u32 $0x388, v49;
	v28 =	vor.u32 v2, v28;
	v35 =	vadd.f32 v35, v23  }
0xf1: {  	v59 =	vor.u32 v9, v42;
	[tilespmem:v30+s15+$0x0] =	vst.idx.msk $0xffff, v31;
	v30 =	vor.u32 v50, v28  }
0xf2: {  	[tilespmem:v43+s15+$0x0] =	vst.idx.msk $0xffff, v35  }
0xf3: {  	v48 =	vor.u32 v9, v40;
	[tilespmem:v34+s15+$0x0] =	vst.idx.msk $0xffff, v63  }
0xf4: {  	v32 =	vadd.f32 v32, v22;
	v54 =	vld [tilespmem:$0x1FFA0]  }
0xf5: {  	v60 =	vor.u32 v3, v33  }
0xf6: {  	v51 =	vld.idx.msk [tilespmem:v59+s12+$0x0], $0xffff;
	[tilespmem:v30+s15+$0x0] =	vst.idx.msk $0xffff, v32  }
0xf7: {  	v53 =	vor.u32 v3, v29;
	v32 =	vor.u32 v16, v21;
	v21 =	vld [tilespmem:$0x1FFB0]  }
0xf8: {  	v52 =	vor.u32 v10, v18;
	v31 =	vld.idx.msk [tilespmem:v48+s12+$0x0], $0xffff  }
0xf9: {  	v34 =	vand.u32 $0x3C8, v52;
	v37 =	vor.u32 v54, v39  }
0xfa: {  	v38 =	vld.idx.msk [tilespmem:v60+s12+$0x0], $0xffff;
	v34 =	vor.u32 v34, v41;
	_ =	sdelay $0x1  }
0xfb: {  	v58 =	vor.u32 v4, v27;
	v30 =	vadd.f32 v51, v25;
	v35 =	vld.idx.msk [tilespmem:v53+s12+$0x0], $0xffff;
	v21 =	vor.u32 v21, v26  }
0xfc: {  	v59 =	vand.u32 $0x398, v58;
	v31 =	vadd.f32 v31, v24  }
0xfd: {  	[tilespmem:v37+s15+$0x0] =	vst.idx.msk $0xffff, v30;
	v37 =	vor.u32 v59, v28  }
0xfe: {  	[tilespmem:v34+s15+$0x0] =	vst.idx.msk $0xffff, v31;
	v31 =	vadd.f32 v38, v23  }
0xff: {  	v56 =	vor.u32 v11, v40;
	v62 =	vld [tilespmem:$0x1FFC0]  }
0x100: {  	v55 =	vor.u32 v11, v42;
	v54 =	vld [tilespmem:$0x1FFE0];
	[tilespmem:v21+s15+$0x0] =	vst.idx.msk $0xffff, v31;
	v21 =	vadd.f32 v35, v22  }
0x101: {  	v57 =	vor.u32 v5, v33  }
0x102: {  	[tilespmem:v37+s15+$0x0] =	vst.idx.msk $0xffff, v21  }
0x103: {  	v37 =	vld [tilespmem:$0x1FFD0]  }
0x104: {  	v60 =	vor.u32 v12, v18;
	v44 =	vld.idx.msk [tilespmem:v56+s12+$0x0], $0xffff  }
0x105: {  	v34 =	vand.u32 $0x3D8, v60;
	v43 =	vld.idx.msk [tilespmem:v55+s12+$0x0], $0xffff  }
0x106: {  	v56 =	vor.u32 v34, v41;
	v36 =	vld.idx.msk [tilespmem:v57+s12+$0x0], $0xffff  }
0x107: {  	v63 =	vor.u32 v62, v39  }
0x108: {  	v37 =	vor.u32 v37, v26  }
0x109: {  	v59 =	vadd.f32 v44, v24  }
0x10a: {  	v61 =	vor.u32 v5, v29;
	v31 =	vadd.f32 v43, v25  }
0x10b: {  	[tilespmem:v56+s15+$0x0] =	vst.idx.msk $0xffff, v59;
	v36 =	vadd.f32 v36, v23  }
0x10c: {  	v57 =	vor.u32 v13, v42;
	[tilespmem:v63+s15+$0x0] =	vst.idx.msk $0xffff, v31  }
0x10d: {  	v47 =	vor.u32 v8, v19;
	v58 =	vor.u32 v13, v40;
	[tilespmem:v37+s15+$0x0] =	vst.idx.msk $0xffff, v36  }
0x10e: {  	v50 =	vor.u32 v7, v29;
	v48 =	vor.u32 v9, v33;
	v34 =	vor.u32 v0, v20;
	v37 =	vld [tilespmem:$0x1FFF0]  }
0x10f: {  	v55 =	vor.u32 $0x10, v54;
	v62 =	vor.u32 v6, v27;
	v60 =	vld.idx.msk [tilespmem:v61+s12+$0x0], $0xffff;
	v61 =	vor.u32 v7, v33  }
0x110: {  	v30 =	vor.u32 v10, v19;
	v21 =	vand.u32 $0x1F, v55;
	v44 =	vand.u32 $0x3A8, v62  }
0x111: {  	v38 =	vshll.u32 v55, $0x7;
	v35 =	vor.u32 v17, v21;
	v51 =	vor.u32 v44, v28;
	v45 =	vld.idx.msk [tilespmem:v57+s12+$0x0], $0xffff  }
0x112: {  	v46 =	vld.idx.msk [tilespmem:v58+s12+$0x0], $0xffff;
	v31 =	vand.u32 $0x3F8, v32;
	v32 =	vor.u32 v15, v42;
	v63 =	vor.u32 v14, v18  }
0x113: {  	v42 =	vand.u32 $0x3E8, v63;
	v36 =	vor.u32 v1, v21;
	v44 =	vor.u32 v37, v39  }
0x114: {  	v52 =	vadd.f32 v60, v22;
	v42 =	vor.u32 v42, v41;
	v49 =	vld.idx.msk [tilespmem:v61+s12+$0x0], $0xffff;
	v37 =	vadd.s32 s25, v0;
	s25 =	simm.s32 $0x6  }
.LBB2_5:
0x115: {  	p0 =	slt.u32 s25, $0xE;
	v43 =	vor.u32 v3, v21;
	v53 =	vor.u32 $0x10, v37;
	v54 =	vor.u32 v15, v40;
	v40 =	vmovc v29  }
0x116: {  	v47 =	vand.u32 $0x3B8, v47;
	v45 =	vadd.f32 v45, v25;
	v35 =	vld.idx.msk [tilespmem:v35+s9+$0x0], $0xffff;
	v29 =	vand.u32 $0x1F, v53;
	[tilespmem:v51+s15+$0x0] =	vst.idx.msk $0xffff, v52  }
0x117: {  	v47 =	vor.u32 v47, v26;
	v46 =	vadd.f32 v46, v24;
	v51 =	vor.u32 v17, v29;
	v50 =	vld.idx.msk [tilespmem:v50+s12+$0x0], $0xffff  }
0x118: {  	v55 =	vor.u32 v8, v27;
	v52 =	vor.u32 v1, v29;
	v36 =	vld.idx.msk [tilespmem:v36+s12+$0x0], $0xffff;
	[tilespmem:v44+s15+$0x0] =	vst.idx.msk $0xffff, v45  }
0x119: {  	v34 =	vand.u32 $0x388, v34;
	v38 =	vand.u32 $0xC00, v38;
	v44 =	vand.u32 $0x3B8, v55;
	v32 =	vld.idx.msk [tilespmem:v32+s12+$0x0], $0xffff;
	[tilespmem:v42+s15+$0x0] =	vst.idx.msk $0xffff, v46  }
0x11a: {  	v38 =	vor.u32 v2, v38;
	v42 =	vadd.f32 v49, v23;
	v44 =	vor.u32 v44, v28;
	v45 =	vld.idx.msk [tilespmem:v54+s12+$0x0], $0xffff  }
0x11b: {  	v34 =	vor.u32 v34, v38;
	v46 =	vor.u32 v9, v40;
	v49 =	vor.u32 v16, v18;
	v18 =	vmovc v27  }
0x11c: {  	v31 =	vor.u32 v31, v39;
	v27 =	vshll.u32 v37, $0x7;
	v37 =	vld.idx.msk [tilespmem:v51+s9+$0x0], $0xffff;
	[tilespmem:v47+s15+$0x0] =	vst.idx.msk $0xffff, v42;
	v51 =	vand.u32 $0x3F8, v49  }
0x11d: {  	v39 =	vmovc v26;
	v47 =	vshll.u32 v53, $0x7;
	v49 =	vadd.f32 v50, v22;
	v42 =	vld.idx.msk [tilespmem:v52+s12+$0x0], $0xffff;
	v41 =	vor.u32 v51, v41  }
0x11e: {  	v26 =	vmovc v38;
	v50 =	vor.u32 v0, v27;
	v36 =	vadd.f32 v36, v35;
	v47 =	vand.u32 $0xC00, v47;
	v48 =	vld.idx.msk [tilespmem:v48+s12+$0x0], $0xffff  }
0x11f: {  	v38 =	vand.u32 $0x388, v50;
	v47 =	vor.u32 v2, v47;
	[tilespmem:v44+s15+$0x0] =	vst.idx.msk $0xffff, v49;
	v44 =	vadd.f32 v32, v25  }
0x120: {  	v32 =	vor.u32 v38, v47;
	v24 =	vadd.f32 v45, v24;
	[tilespmem:v34+s15+$0x0] =	vst.idx.msk $0xffff, v36;
	v34 =	vld.idx.msk [tilespmem:v46+s12+$0x0], $0xffff  }
0x121: {  	v30 =	vand.u32 $0x3C8, v30;
	v38 =	vor.u32 v10, v18;
	v36 =	vor.u32 v3, v29;
	[tilespmem:v31+s15+$0x0] =	vst.idx.msk $0xffff, v44  }
0x122: {  	v30 =	vor.u32 v30, v39;
	v25 =	vmovc v23;
	v23 =	vmov v35;
	v31 =	vand.u32 $0x3C8, v38;
	[tilespmem:v41+s15+$0x0] =	vst.idx.msk $0xffff, v24  }
0x123: {  	v38 =	vadd.f32 v42, v37;
	v41 =	vor.u32 v11, v33;
	v31 =	vor.u32 v31, v28;
	v35 =	vld.idx.msk [tilespmem:v43+s12+$0x0], $0xffff  }
0x124: {  	v44 =	vor.u32 v11, v40;
	v42 =	vadd.s32 s25, v0;
	v43 =	vor.u32 v4, v20;
	v24 =	vmovc v22;
	v22 =	vmovc v37  }
0x125: {  	v37 =	vand.u32 $0x398, v43;
	v43 =	vor.u32 v16, v19;
	[tilespmem:v32+s15+$0x0] =	vst.idx.msk $0xffff, v38;
	v32 =	vadd.f32 v48, v25  }
0x126: {  	v46 =	vor.u32 v14, v19;
	v37 =	vor.u32 v37, v26;
	v34 =	vadd.f32 v34, v24;
	v36 =	vld.idx.msk [tilespmem:v36+s12+$0x0], $0xffff  }
0x127: {  	v45 =	vshll.u32 v42, $0x7;
	v38 =	vor.u32 v5, v21;
	v48 =	vor.u32 v4, v27;
	[tilespmem:v30+s15+$0x0] =	vst.idx.msk $0xffff, v32  }
0x128: {  	v19 =	vor.u32 v12, v19;
	v32 =	vor.u32 $0x10, v42;
	v42 =	vand.u32 $0x398, v48;
	v48 =	vld.idx.msk [tilespmem:v41+s12+$0x0], $0xffff;
	[tilespmem:v31+s15+$0x0] =	vst.idx.msk $0xffff, v34  }
0x129: {  	v30 =	vor.u32 v10, v20;
	v31 =	vadd.f32 v35, v23;
	v35 =	vor.u32 v42, v47;
	v42 =	vld.idx.msk [tilespmem:v44+s12+$0x0], $0xffff  }
0x12a: {  	v19 =	vand.u32 $0x3D8, v19;
	v34 =	vor.u32 v12, v18;
	v41 =	vmovc v28;
	v28 =	vmovc v47;
	v44 =	vor.u32 v5, v29  }
0x12b: {  	v47 =	vor.u32 v8, v20;
	v53 =	vand.u32 $0x3D8, v34;
	[tilespmem:v37+s15+$0x0] =	vst.idx.msk $0xffff, v31;
	v31 =	vor.u32 v19, v39  }
0x12c: {  	v49 =	vor.u32 v13, v33;
	v50 =	vor.u32 v53, v41;
	v36 =	vadd.f32 v36, v22;
	v37 =	vld.idx.msk [tilespmem:v38+s12+$0x0], $0xffff  }
0x12d: {  	v51 =	vor.u32 v6, v20;
	v52 =	vor.u32 v13, v40;
	v34 =	vor.u32 v0, v45;
	v19 =	vmovc v20  }
0x12e: {  	v51 =	vand.u32 $0x3A8, v51;
	v20 =	vmovc v45;
	v38 =	vshll.u32 v32, $0x7;
	[tilespmem:v35+s15+$0x0] =	vst.idx.msk $0xffff, v36;
	v35 =	vadd.f32 v48, v25  }
0x12f: {  	v54 =	vor.u32 v51, v26;
	v53 =	vand.u32 $0x1F, v32;
	v36 =	vadd.f32 v42, v24;
	v55 =	vld.idx.msk [tilespmem:v44+s12+$0x0], $0xffff  }
0x130: {  	v32 =	vor.u32 v6, v27;
	v42 =	vor.u32 v7, v21;
	[tilespmem:v31+s15+$0x0] =	vst.idx.msk $0xffff, v35;
	v31 =	vand.u32 $0x3F8, v43  }
.Ltmp1:
0x131: {  	v44 =	vand.u32 $0x3E8, v46;
	v43 =	vand.u32 $0x3A8, v32;
	v32 =	vor.u32 v15, v33;
	v45 =	vld.idx.msk [tilespmem:v49+s12+$0x0], $0xffff;
	[tilespmem:v50+s15+$0x0] =	vst.idx.msk $0xffff, v36;
	(pc) =	sbr.rel @p0 .LBB2_5-.Ltmp1, $4  }
0x132: {  	v35 =	vor.u32 v17, v53;
	v37 =	vadd.f32 v37, v23;
	v51 =	vor.u32 v43, v28;
	v46 =	vld.idx.msk [tilespmem:v52+s12+$0x0], $0xffff  }
0x133: {  	v48 =	vor.u32 v9, v21;
	v33 =	vmovc v21;
	v50 =	vor.u32 v7, v29;
	v43 =	vor.u32 v14, v18  }
0x134: {  	s26 =	sadd.s32 $0x1, s25;
	v44 =	vor.u32 v44, v39;
	v36 =	vor.u32 v1, v53;
	v43 =	vand.u32 $0x3E8, v43;
	[tilespmem:v54+s15+$0x0] =	vst.idx.msk $0xffff, v37  }
0x135: {  	s25 =	sadd.s32 $0x2, s25;
	v21 =	vmovc v53;
	v37 =	vadd.s32 s26, v0;
	v52 =	vadd.f32 v55, v22;
	v49 =	vld.idx.msk [tilespmem:v42+s12+$0x0], $0xffff;
	v42 =	vor.u32 v43, v41  }
0x136: {  	v53 =	vor.u32 $0x10, v37  }
0x137: {  	v43 =	vand.u32 $0x1F, v53  }
0x138: {  	v54 =	vor.u32 v17, v43  }
0x139: {  	v55 =	vor.u32 v1, v43;
	_ =	sdelay $0x1  }
0x13a: {  	v35 =	vld.idx.msk [tilespmem:v35+s9+$0x0], $0xffff  }
0x13b: {  	v56 =	vld.idx.msk [tilespmem:v36+s12+$0x0], $0xffff;
	v57 =	vand.u32 $0x388, v34;
	v59 =	vand.u32 $0xC00, v38  }
0x13c: {  	v38 =	vshll.u32 v37, $0x7;
	v36 =	vor.u32 v2, v59;
	v60 =	vshll.u32 v53, $0x7;
	v34 =	vld.idx.msk [tilespmem:v54+s9+$0x0], $0xffff  }
0x13d: {  	v63 =	vor.u32 v0, v38;
	v61 =	vor.u32 v57, v36;
	v37 =	vand.u32 $0xC00, v60;
	v62 =	vld.idx.msk [tilespmem:v55+s12+$0x0], $0xffff  }
0x13e: {  	v60 =	vor.u32 v3, v21;
	v37 =	vor.u32 v2, v37;
	v55 =	vand.u32 $0x388, v63  }
0x13f: {  	v55 =	vor.u32 v55, v37  }
0x140: {  	v58 =	vor.u32 v3, v43;
	v56 =	vadd.f32 v56, v35;
	_ =	sdelay $0x1  }
0x141: {  	[tilespmem:v61+s15+$0x0] =	vst.idx.msk $0xffff, v56;
	v61 =	vadd.f32 v62, v34  }
0x142: {  	v63 =	vor.u32 v4, v20;
	v62 =	vld.idx.msk [tilespmem:v60+s12+$0x0], $0xffff  }
0x143: {  	v56 =	vand.u32 $0x398, v63;
	[tilespmem:v55+s15+$0x0] =	vst.idx.msk $0xffff, v61  }
0x144: {  	v53 =	vor.u32 v56, v36;
	v60 =	vor.u32 v4, v38;
	v55 =	vld.idx.msk [tilespmem:v58+s12+$0x0], $0xffff  }
0x145: {  	v56 =	vand.u32 $0x398, v60;
	v61 =	vor.u32 v5, v21  }
0x146: {  	v56 =	vor.u32 v56, v37  }
0x147: {  	v63 =	vor.u32 v5, v43;
	v62 =	vadd.f32 v62, v35  }
0x148: {  	v47 =	vand.u32 $0x3B8, v47;
	[tilespmem:v51+s15+$0x0] =	vst.idx.msk $0xffff, v52;
	v59 =	vor.u32 v8, v27  }
0x149: {  	v47 =	vor.u32 v47, v26;
	v50 =	vld.idx.msk [tilespmem:v50+s12+$0x0], $0xffff;
	[tilespmem:v53+s15+$0x0] =	vst.idx.msk $0xffff, v62;
	v60 =	vadd.f32 v55, v34  }
0x14a: {  	v54 =	vand.u32 $0x3B8, v59;
	v62 =	vor.u32 v6, v20;
	v61 =	vld.idx.msk [tilespmem:v61+s12+$0x0], $0xffff  }
0x14b: {  	v57 =	vor.u32 v9, v29;
	v53 =	vor.u32 v54, v28;
	v55 =	vand.u32 $0x3A8, v62;
	[tilespmem:v56+s15+$0x0] =	vst.idx.msk $0xffff, v60  }
0x14c: {  	v49 =	vadd.f32 v49, v23;
	v51 =	vor.u32 v55, v36;
	v52 =	vld.idx.msk [tilespmem:v63+s12+$0x0], $0xffff;
	v63 =	vor.u32 v6, v38  }
0x14d: {  	v60 =	vor.u32 v7, v21;
	v55 =	vand.u32 $0x3A8, v63  }
0x14e: {  	[tilespmem:v47+s15+$0x0] =	vst.idx.msk $0xffff, v49;
	v50 =	vadd.f32 v50, v22;
	v47 =	vor.u32 v55, v37  }
0x14f: {  	v62 =	vor.u32 v7, v43;
	v61 =	vadd.f32 v61, v35  }
0x150: {  	v30 =	vand.u32 $0x3C8, v30;
	v48 =	vld.idx.msk [tilespmem:v48+s12+$0x0], $0xffff;
	[tilespmem:v53+s15+$0x0] =	vst.idx.msk $0xffff, v50  }
0x151: {  	v63 =	vor.u32 v10, v27;
	v53 =	vld.idx.msk [tilespmem:v57+s12+$0x0], $0xffff;
	[tilespmem:v51+s15+$0x0] =	vst.idx.msk $0xffff, v61;
	v57 =	vadd.f32 v52, v34  }
0x152: {  	v30 =	vor.u32 v30, v26;
	v59 =	vor.u32 v8, v20;
	v58 =	vand.u32 $0x3C8, v63;
	v54 =	vld.idx.msk [tilespmem:v60+s12+$0x0], $0xffff  }
0x153: {  	v40 =	vor.u32 v15, v40;
	v51 =	vor.u32 v58, v28;
	v52 =	vand.u32 $0x3B8, v59;
	[tilespmem:v47+s15+$0x0] =	vst.idx.msk $0xffff, v57  }
0x154: {  	v60 =	vor.u32 v11, v33;
	v61 =	vor.u32 v52, v36;
	v50 =	vld.idx.msk [tilespmem:v62+s12+$0x0], $0xffff;
	v62 =	vor.u32 v8, v38  }
0x155: {  	v48 =	vadd.f32 v48, v23;
	v47 =	vor.u32 v11, v29;
	v52 =	vand.u32 $0x3B8, v62  }
0x156: {  	v63 =	vor.u32 v9, v21;
	v53 =	vadd.f32 v53, v22;
	v52 =	vor.u32 v52, v37  }
0x157: {  	[tilespmem:v30+s15+$0x0] =	vst.idx.msk $0xffff, v48;
	v59 =	vor.u32 v9, v43;
	v30 =	vadd.f32 v54, v35  }
0x158: {  	v45 =	vadd.f32 v45, v25;
	v57 =	vor.u32 v12, v27;
	[tilespmem:v51+s15+$0x0] =	vst.idx.msk $0xffff, v53  }
0x159: {  	v54 =	vld.idx.msk [tilespmem:v60+s12+$0x0], $0xffff;
	v60 =	vor.u32 v12, v19;
	[tilespmem:v61+s15+$0x0] =	vst.idx.msk $0xffff, v30;
	v30 =	vadd.f32 v50, v34  }
0x15a: {  	v18 =	vor.u32 v16, v18;
	v58 =	vand.u32 $0x3D8, v57;
	v62 =	vand.u32 $0x3D8, v60;
	v47 =	vld.idx.msk [tilespmem:v47+s12+$0x0], $0xffff  }
0x15b: {  	v61 =	vor.u32 v10, v20;
	v63 =	vld.idx.msk [tilespmem:v63+s12+$0x0], $0xffff;
	v50 =	vor.u32 v62, v26;
	[tilespmem:v52+s15+$0x0] =	vst.idx.msk $0xffff, v30  }
0x15c: {  	v49 =	vor.u32 v58, v28;
	v30 =	vand.u32 $0x3C8, v61;
	v48 =	vld.idx.msk [tilespmem:v59+s12+$0x0], $0xffff;
	v59 =	vor.u32 v10, v38  }
0x15d: {  	v61 =	vor.u32 v13, v33;
	v30 =	vor.u32 v30, v36;
	v52 =	vand.u32 $0x3C8, v59  }
0x15e: {  	v60 =	vor.u32 v11, v21;
	v54 =	vadd.f32 v54, v23;
	v52 =	vor.u32 v52, v37  }
0x15f: {  	[tilespmem:v44+s15+$0x0] =	vst.idx.msk $0xffff, v45;
	v62 =	vor.u32 v11, v43;
	v47 =	vadd.f32 v47, v22  }
0x160: {  	v31 =	vor.u32 v31, v39;
	v63 =	vadd.f32 v63, v35;
	[tilespmem:v50+s15+$0x0] =	vst.idx.msk $0xffff, v54  }
0x161: {  	v46 =	vadd.f32 v46, v24;
	[tilespmem:v49+s15+$0x0] =	vst.idx.msk $0xffff, v47;
	v48 =	vadd.f32 v48, v34  }
0x162: {  	v56 =	vor.u32 v13, v29;
	v58 =	vld.idx.msk [tilespmem:v61+s12+$0x0], $0xffff;
	[tilespmem:v30+s15+$0x0] =	vst.idx.msk $0xffff, v63;
	v30 =	vor.u32 v14, v19  }
0x163: {  	v57 =	vor.u32 v12, v20;
	v45 =	vld.idx.msk [tilespmem:v60+s12+$0x0], $0xffff;
	v30 =	vand.u32 $0x3E8, v30;
	[tilespmem:v52+s15+$0x0] =	vst.idx.msk $0xffff, v48  }
0x164: {  	v47 =	vand.u32 $0x3D8, v57;
	v60 =	vor.u32 v12, v38;
	v30 =	vor.u32 v30, v26;
	v44 =	vld.idx.msk [tilespmem:v62+s12+$0x0], $0xffff  }
0x165: {  	v18 =	vand.u32 $0x3F8, v18;
	v32 =	vld.idx.msk [tilespmem:v32+s12+$0x0], $0xffff;
	[tilespmem:v42+s15+$0x0] =	vst.idx.msk $0xffff, v46;
	v47 =	vor.u32 v47, v36;
	v49 =	vand.u32 $0x3D8, v60  }
0x166: {  	v18 =	vor.u32 v18, v41;
	v40 =	vld.idx.msk [tilespmem:v40+s12+$0x0], $0xffff;
	v62 =	vor.u32 v13, v21;
	v49 =	vor.u32 v49, v37  }
0x167: {  	v59 =	vor.u32 v14, v27;
	v61 =	vld.idx.msk [tilespmem:v56+s12+$0x0], $0xffff;
	v56 =	vor.u32 v13, v43;
	v39 =	vadd.f32 v58, v23  }
0x168: {  	v63 =	vor.u32 v15, v33;
	v48 =	vand.u32 $0x3E8, v59;
	v45 =	vadd.f32 v45, v35  }
0x169: {  	v48 =	vor.u32 v48, v28;
	[tilespmem:v30+s15+$0x0] =	vst.idx.msk $0xffff, v39;
	v57 =	vadd.f32 v44, v34  }
0x16a: {  	v25 =	vadd.f32 v32, v25;
	v29 =	vor.u32 v15, v29;
	[tilespmem:v47+s15+$0x0] =	vst.idx.msk $0xffff, v45  }
0x16b: {  	v40 =	vadd.f32 v40, v24;
	v30 =	vor.u32 v14, v20;
	v59 =	vld.idx.msk [tilespmem:v62+s12+$0x0], $0xffff;
	[tilespmem:v49+s15+$0x0] =	vst.idx.msk $0xffff, v57  }
0x16c: {  	v58 =	vadd.f32 v61, v22;
	v30 =	vand.u32 $0x3E8, v30;
	v62 =	vor.u32 v14, v38;
	v61 =	vld.idx.msk [tilespmem:v56+s12+$0x0], $0xffff  }
0x16d: {  	v19 =	vor.u32 v16, v19;
	v60 =	vld.idx.msk [tilespmem:v63+s12+$0x0], $0xffff;
	v30 =	vor.u32 v30, v36;
	v41 =	vand.u32 $0x3E8, v62  }
0x16e: {  	v21 =	vor.u32 v15, v21;
	[tilespmem:v48+s15+$0x0] =	vst.idx.msk $0xffff, v58;
	v41 =	vor.u32 v41, v37  }
0x16f: {  	v27 =	vor.u32 v16, v27;
	v19 =	vand.u32 $0x3F8, v19;
	v63 =	vor.u32 v15, v43;
	v29 =	vld.idx.msk [tilespmem:v29+s12+$0x0], $0xffff  }
0x170: {  	v27 =	vand.u32 $0x3F8, v27;
	v19 =	vor.u32 v19, v26;
	v39 =	vadd.f32 v59, v35  }
0x171: {  	s25 =	simm.s32 $0x0;
	v26 =	vor.u32 v27, v28;
	v20 =	vor.u32 v16, v20;
	v24 =	vadd.f32 v61, v34  }
0x172: {  	v20 =	vand.u32 $0x3F8, v20;
	v27 =	vadd.f32 v60, v23;
	v23 =	vadd.s32 s25, v0;
	[tilespmem:v30+s15+$0x0] =	vst.idx.msk $0xffff, v39  }
0x173: {  	v20 =	vor.u32 v20, v36;
	v28 =	vand.u32 $0xF, v23;
	v21 =	vld.idx.msk [tilespmem:v21+s12+$0x0], $0xffff;
	[tilespmem:v41+s15+$0x0] =	vst.idx.msk $0xffff, v24  }
0x174: {  	v22 =	vadd.f32 v29, v22;
	v28 =	vor.u32 $0x20, v28;
	v24 =	vor.u32 v16, v38;
	v29 =	vld.idx.msk [tilespmem:v63+s12+$0x0], $0xffff  }
0x175: {  	s28 =	simm.s32 $0x1;
	v46 =	vand.u32 $0x7, v23;
	v45 =	vand.u32 $0x28, v28;
	v30 =	vand.u32 $0x3F8, v24  }
0x176: {  	[tilespmem:v31+s15+$0x0] =	vst.idx.msk $0xffff, v25;
	v50 =	vor.u32 v46, v45;
	v24 =	vadd.s32 s28, v0;
	v25 =	vor.u32 v30, v37  }
0x177: {  	[tilespmem:v19+s15+$0x0] =	vst.idx.msk $0xffff, v27;
	v19 =	vor.u32 v1, v50;
	v30 =	vand.u32 $0xF, v24  }
0x178: {  	[tilespmem:v18+s15+$0x0] =	vst.idx.msk $0xffff, v40;
	v30 =	vor.u32 $0x20, v30;
	v18 =	vadd.f32 v21, v35;
	v21 =	vor.u32 v17, v50  }
0x179: {  	[tilespmem:v26+s15+$0x0] =	vst.idx.msk $0xffff, v22;
	v31 =	vand.u32 $0x7, v24;
	v27 =	vand.u32 $0x28, v30;
	v22 =	vadd.f32 v29, v34  }
0x17a: {  	v51 =	vor.u32 v31, v27;
	[tilespmem:v20+s15+$0x0] =	vst.idx.msk $0xffff, v18  }
0x17b: {  	v18 =	vor.u32 v17, v51;
	[tilespmem:v25+s15+$0x0] =	vst.idx.msk $0xffff, v22  }
0x17c: {  	v20 =	vor.u32 v1, v51;
	[tilespmem:$0x1FE10] =	vst v23  }
0x17d: {  	v22 =	vshll.u32 v23, $0x7;
	v40 =	vld.idx.msk [tilespmem:v21+s9+$0x0], $0xffff;
	v21 =	vshll.u32 v28, $0x7  }
0x17e: {  	v25 =	vor.u32 v0, v22;
	v19 =	vld.idx.msk [tilespmem:v19+s12+$0x0], $0xffff;
	v21 =	vand.u32 $0x1400, v21  }
0x17f: {  	v25 =	vand.u32 $0x388, v25;
	v39 =	vor.u32 v2, v21  }
0x180: {  	v41 =	vld.idx.msk [tilespmem:v18+s9+$0x0], $0xffff;
	[tilespmem:$0x1FE20] =	vst v24;
	v18 =	vshll.u32 v24, $0x7;
	v21 =	vor.u32 v25, v39;
	v25 =	vshll.u32 v30, $0x7  }
0x181: {  	v26 =	vor.u32 v3, v50;
	v20 =	vld.idx.msk [tilespmem:v20+s12+$0x0], $0xffff;
	v27 =	vor.u32 v0, v18;
	v25 =	vand.u32 $0x1400, v25  }
0x182: {  	v23 =	vand.u32 $0x388, v27;
	v38 =	vor.u32 v2, v25  }
0x183: {  	v19 =	vadd.f32 v19, v40;
	v25 =	vor.u32 v23, v38  }
0x184: {  	v27 =	vor.u32 v3, v51;
	[tilespmem:$0x1FE30] =	vst v23  }
0x185: {  	[tilespmem:v21+s15+$0x0] =	vst.idx.msk $0xffff, v19;
	v21 =	vor.u32 v4, v22  }
0x186: {  	v20 =	vadd.f32 v20, v41;
	v19 =	vld.idx.msk [tilespmem:v26+s12+$0x0], $0xffff;
	v21 =	vand.u32 $0x398, v21  }
0x187: {  	[tilespmem:$0x1FE40] =	vst v21  }
0x188: {  	v21 =	vor.u32 v21, v39;
	[tilespmem:v25+s15+$0x0] =	vst.idx.msk $0xffff, v20  }
0x189: {  	v26 =	vor.u32 v4, v18;
	v20 =	vor.u32 v5, v50;
	v25 =	vld.idx.msk [tilespmem:v27+s12+$0x0], $0xffff  }
0x18a: {  	v23 =	vand.u32 $0x398, v26  }
0x18b: {  	v26 =	vor.u32 v23, v38;
	v19 =	vadd.f32 v19, v40  }
0x18c: {  	[tilespmem:$0x1FE50] =	vst v23;
	v27 =	vor.u32 v5, v51  }
0x18d: {  	[tilespmem:v21+s15+$0x0] =	vst.idx.msk $0xffff, v19  }
0x18e: {  	s29 =	simm.s32 $0x2;
	v19 =	vld.idx.msk [tilespmem:v20+s12+$0x0], $0xffff;
	v20 =	vor.u32 v6, v22;
	v21 =	vadd.f32 v25, v41  }
0x18f: {  	v23 =	vadd.s32 s29, v0;
	v20 =	vand.u32 $0x3A8, v20  }
0x190: {  	v25 =	vand.u32 $0xF, v23;
	v20 =	vor.u32 v20, v39;
	[tilespmem:v26+s15+$0x0] =	vst.idx.msk $0xffff, v21  }
0x191: {  	v21 =	vor.u32 $0x20, v25;
	v25 =	vor.u32 v7, v50;
	v26 =	vor.u32 v6, v18;
	v27 =	vld.idx.msk [tilespmem:v27+s12+$0x0], $0xffff  }
0x192: {  	v28 =	vand.u32 $0x28, v21;
	v24 =	vand.u32 $0x3A8, v26  }
0x193: {  	v26 =	vand.u32 $0x7, v23;
	[tilespmem:$0x1FE70] =	vst v23;
	v31 =	vor.u32 v24, v38;
	v30 =	vadd.f32 v19, v40  }
0x194: {  	s30 =	simm.s32 $0x3;
	v47 =	vor.u32 v8, v22;
	[tilespmem:$0x1FE60] =	vst v24;
	v44 =	vor.u32 v26, v28  }
0x195: {  	v19 =	vshll.u32 v23, $0x7;
	v48 =	vor.u32 v17, v44;
	v23 =	vadd.s32 s30, v0;
	[tilespmem:v20+s15+$0x0] =	vst.idx.msk $0xffff, v30  }
0x196: {  	v28 =	vor.u32 v7, v51;
	v30 =	vand.u32 $0xF, v23;
	v20 =	vld.idx.msk [tilespmem:v25+s12+$0x0], $0xffff;
	v27 =	vadd.f32 v27, v41  }
0x197: {  	v32 =	vand.u32 $0x3B8, v47;
	v25 =	vor.u32 v1, v44;
	v30 =	vor.u32 $0x20, v30  }
0x198: {  	v32 =	vor.u32 v32, v39;
	[tilespmem:v31+s15+$0x0] =	vst.idx.msk $0xffff, v27;
	v27 =	vand.u32 $0x28, v30;
	v31 =	vand.u32 $0x7, v23  }
0x199: {  	v53 =	vor.u32 v9, v50;
	v59 =	vor.u32 v11, v50;
	v45 =	vor.u32 v31, v27  }
0x19a: {  	v49 =	vor.u32 v10, v22;
	v42 =	vld.idx.msk [tilespmem:v48+s9+$0x0], $0xffff;
	v27 =	vor.u32 v8, v18;
	v31 =	vor.u32 v17, v45  }
0x19b: {  	v21 =	vshll.u32 v21, $0x7;
	v28 =	vld.idx.msk [tilespmem:v28+s12+$0x0], $0xffff;
	v26 =	vand.u32 $0x3B8, v27;
	v20 =	vadd.f32 v20, v40  }
0x19c: {  	v21 =	vand.u32 $0x1400, v21;
	v52 =	vor.u32 v0, v19;
	v27 =	vor.u32 v1, v45;
	v25 =	vld.idx.msk [tilespmem:v25+s12+$0x0], $0xffff;
	[tilespmem:$0x1FE80] =	vst v26  }
0x19d: {  	v46 =	vor.u32 v2, v21;
	v35 =	vand.u32 $0x388, v52;
	v54 =	vor.u32 v26, v38;
	[tilespmem:v32+s15+$0x0] =	vst.idx.msk $0xffff, v20  }
0x19e: {  	v55 =	vor.u32 v9, v51;
	v24 =	vand.u32 $0x3C8, v49;
	v20 =	vor.u32 v35, v46;
	v32 =	vld.idx.msk [tilespmem:v53+s12+$0x0], $0xffff  }
0x19f: {  	v62 =	vor.u32 v11, v51;
	v21 =	vor.u32 v3, v44;
	v43 =	vld.idx.msk [tilespmem:v31+s9+$0x0], $0xffff;
	[tilespmem:$0x1FE90] =	vst v24  }
0x1a0: {  	v47 =	vshll.u32 v23, $0x7;
	v30 =	vshll.u32 v30, $0x7;
	v28 =	vadd.f32 v28, v41;
	[tilespmem:$0x1FEA0] =	vst v23  }
0x1a1: {  	v57 =	vor.u32 v0, v47;
	v30 =	vand.u32 $0x1400, v30;
	v25 =	vadd.f32 v25, v42;
	v27 =	vld.idx.msk [tilespmem:v27+s12+$0x0], $0xffff  }
0x1a2: {  	v56 =	vor.u32 v24, v39;
	v48 =	vor.u32 v2, v30;
	[tilespmem:v54+s15+$0x0] =	vst.idx.msk $0xffff, v28;
	v28 =	vand.u32 $0x388, v57  }
0x1a3: {  	v58 =	vor.u32 v10, v18;
	v30 =	vld.idx.msk [tilespmem:v55+s12+$0x0], $0xffff;
	v28 =	vor.u32 v28, v48;
	[tilespmem:v20+s15+$0x0] =	vst.idx.msk $0xffff, v25  }
0x1a4: {  	v60 =	vor.u32 v3, v45;
	v25 =	vand.u32 $0x3C8, v58;
	v61 =	vld.idx.msk [tilespmem:v21+s12+$0x0], $0xffff;
	v21 =	vor.u32 v4, v19  }
0x1a5: {  	v25 =	vor.u32 v25, v38;
	v32 =	vadd.f32 v32, v40;
	v26 =	vand.u32 $0x398, v21  }
0x1a6: {  	v34 =	vor.u32 v14, v22;
	v63 =	vor.u32 v5, v44;
	v21 =	vadd.f32 v27, v43;
	[tilespmem:$0x1FEB0] =	vst v26  }
0x1a7: {  	v52 =	vor.u32 v12, v22;
	v27 =	vor.u32 v26, v46;
	[tilespmem:v56+s15+$0x0] =	vst.idx.msk $0xffff, v32  }
0x1a8: {  	s31 =	simm.s32 $0x4;
	v26 =	vand.u32 $0x3D8, v52;
	v30 =	vadd.f32 v30, v41;
	[tilespmem:v28+s15+$0x0] =	vst.idx.msk $0xffff, v21;
	v28 =	vld.idx.msk [tilespmem:v59+s12+$0x0], $0xffff  }
0x1a9: {  	v53 =	vor.u32 v12, v18;
	v24 =	vadd.s32 s31, v0;
	v36 =	vor.u32 v26, v39  }
0x1aa: {  	v33 =	vld.idx.msk [tilespmem:v60+s12+$0x0], $0xffff;
	[tilespmem:v25+s15+$0x0] =	vst.idx.msk $0xffff, v30;
	v25 =	vadd.f32 v61, v42;
	v30 =	vor.u32 v4, v47  }
0x1ab: {  	v23 =	vor.u32 v16, v22;
	v37 =	vand.u32 $0x3D8, v53;
	v35 =	vld.idx.msk [tilespmem:v62+s12+$0x0], $0xffff;
	v30 =	vand.u32 $0x398, v30;
	[tilespmem:$0x1FEC0] =	vst v26  }
0x1ac: {  	v53 =	vor.u32 v6, v19;
	v49 =	vand.u32 $0xF, v24;
	[tilespmem:v27+s15+$0x0] =	vst.idx.msk $0xffff, v25;
	v25 =	vor.u32 v30, v48  }
0x1ad: {  	v37 =	vor.u32 v37, v38;
	v30 =	vor.u32 v13, v50;
	v28 =	vadd.f32 v28, v40  }
0x1ae: {  	v57 =	vor.u32 v13, v51;
	v53 =	vand.u32 $0x3A8, v53;
	v52 =	vor.u32 v5, v45  }
0x1af: {  	v54 =	vand.u32 $0x7, v24;
	v55 =	vor.u32 v6, v47;
	v33 =	vadd.f32 v33, v43;
	[tilespmem:v36+s15+$0x0] =	vst.idx.msk $0xffff, v28  }
0x1b0: {  	v20 =	vshll.u32 v24, $0x7;
	v58 =	vor.u32 v14, v18;
	v56 =	vor.u32 v53, v46;
	v32 =	vld.idx.msk [tilespmem:v63+s12+$0x0], $0xffff;
	[tilespmem:$0x1FED0] =	vst v24  }
0x1b1: {  	v21 =	vor.u32 v10, v19;
	v60 =	vor.u32 v0, v20;
	v62 =	vor.u32 $0x20, v49;
	[tilespmem:v25+s15+$0x0] =	vst.idx.msk $0xffff, v33  }
0x1b2: {  	v35 =	vadd.f32 v35, v41;
	v28 =	vand.u32 $0x28, v62;
	v24 =	vand.u32 $0x3E8, v34;
	v25 =	vld.idx.msk [tilespmem:v30+s12+$0x0], $0xffff;
	[tilespmem:$0x1FEE0] =	vst v23  }
0x1b3: {  	v63 =	vor.u32 v7, v44;
	v49 =	vor.u32 v54, v28;
	v30 =	vld.idx.msk [tilespmem:v52+s12+$0x0], $0xffff;
	[tilespmem:$0x1FEF0] =	vst v24  }
0x1b4: {  	v61 =	vand.u32 $0x3E8, v58;
	v27 =	vor.u32 v8, v19;
	v59 =	vor.u32 v17, v49;
	[tilespmem:v37+s15+$0x0] =	vst.idx.msk $0xffff, v35  }
0x1b5: {  	v28 =	vadd.f32 v32, v42;
	v32 =	vand.u32 $0x3A8, v55;
	v55 =	vor.u32 v24, v39;
	v58 =	vld.idx.msk [tilespmem:v57+s12+$0x0], $0xffff  }
0x1b6: {  	v54 =	vor.u32 v15, v50;
	v34 =	vor.u32 v32, v48;
	v32 =	vor.u32 v9, v44  }
0x1b7: {  	v53 =	vand.u32 $0x3F8, v23;
	[tilespmem:v56+s15+$0x0] =	vst.idx.msk $0xffff, v28;
	v35 =	vor.u32 v7, v45;
	v56 =	vor.u32 v61, v38  }
0x1b8: {  	s25 =	simm.s32 $0x5;
	v50 =	vmovc v20;
	v28 =	vand.u32 $0x3C8, v21;
	v57 =	vor.u32 v15, v51;
	v33 =	vld.idx.msk [tilespmem:v63+s12+$0x0], $0xffff;
	v61 =	vadd.f32 v25, v40  }
0x1b9: {  	s26 =	simm.s32 $0x6;
	v52 =	vmovc v18;
	v37 =	vor.u32 v1, v49;
	v63 =	vadd.s32 s25, v0;
	v51 =	vmovc v19;
	v36 =	vadd.f32 v30, v43  }
.LBB2_7:
0x1ba: {  	p0 =	slt.u32 s26, $0xE;
	v30 =	vld.idx.msk [tilespmem:v59+s9+$0x0], $0xffff;
	v25 =	vand.u32 $0xF, v63;
	v27 =	vand.u32 $0x3B8, v27;
	[tilespmem:v55+s15+$0x0] =	vst.idx.msk $0xffff, v61;
	v55 =	vadd.f32 v58, v41  }
0x1bb: {  	v58 =	vshll.u32 v62, $0x7;
	v59 =	vor.u32 $0x20, v25;
	[tilespmem:v34+s15+$0x0] =	vst.idx.msk $0xffff, v36;
	v34 =	vld.idx.msk [tilespmem:v54+s12+$0x0], $0xffff;
	v36 =	vor.u32 v53, v39  }
0x1bc: {  	v24 =	vand.u32 $0x7, v63;
	v27 =	vor.u32 v27, v46;
	v25 =	vand.u32 $0x28, v59;
	v35 =	vld.idx.msk [tilespmem:v35+s12+$0x0], $0xffff;
	[tilespmem:v56+s15+$0x0] =	vst.idx.msk $0xffff, v55  }
0x1bd: {  	v23 =	vor.u32 v8, v47;
	v33 =	vadd.f32 v33, v42;
	v25 =	vor.u32 v24, v25;
	v53 =	vld.idx.msk [tilespmem:v57+s12+$0x0], $0xffff  }
0x1be: {  	v39 =	vmovc v46;
	v55 =	vand.u32 $0x3B8, v23;
	v23 =	vor.u32 v16, v52;
	v37 =	vld.idx.msk [tilespmem:v37+s12+$0x0], $0xffff;
	v54 =	vor.u32 v17, v25  }
0x1bf: {  	v52 =	vmovc v47;
	v55 =	vor.u32 v55, v48;
	v46 =	vand.u32 $0x3F8, v23;
	v56 =	vor.u32 v1, v25  }
0x1c0: {  	v47 =	vand.u32 $0x1400, v58;
	v57 =	vor.u32 v9, v45;
	v58 =	vor.u32 v46, v38;
	v38 =	vmovc v48  }
0x1c1: {  	v48 =	vand.u32 $0x388, v60;
	v46 =	vor.u32 v2, v47;
	[tilespmem:v27+s15+$0x0] =	vst.idx.msk $0xffff, v33;
	v27 =	vadd.f32 v34, v40  }
0x1c2: {  	v33 =	vor.u32 v48, v46;
	v34 =	vor.u32 v3, v49;
	v35 =	vadd.f32 v35, v43;
	v32 =	vld.idx.msk [tilespmem:v32+s12+$0x0], $0xffff  }
0x1c3: {  	v28 =	vor.u32 v28, v39;
	v54 =	vld.idx.msk [tilespmem:v54+s9+$0x0], $0xffff;
	[tilespmem:v36+s15+$0x0] =	vst.idx.msk $0xffff, v27;
	v27 =	vadd.f32 v53, v41  }
0x1c4: {  	v24 =	vshll.u32 v59, $0x7;
	v47 =	vshll.u32 v63, $0x7;
	v36 =	vadd.f32 v37, v30;
	v37 =	vld.idx.msk [tilespmem:v56+s12+$0x0], $0xffff;
	[tilespmem:v55+s15+$0x0] =	vst.idx.msk $0xffff, v35  }
0x1c5: {  	v23 =	vand.u32 $0x1400, v24;
	v41 =	vor.u32 v0, v47;
	v35 =	vadd.s32 s26, v0;
	v53 =	vld.idx.msk [tilespmem:v57+s12+$0x0], $0xffff;
	[tilespmem:v58+s15+$0x0] =	vst.idx.msk $0xffff, v27  }
0x1c6: {  	v48 =	vor.u32 v2, v23;
	v23 =	vor.u32 v10, v52;
	v40 =	vmovc v42;
	v42 =	vmovc v30;
	v27 =	vand.u32 $0x388, v41  }
0x1c7: {  	v30 =	vor.u32 v11, v44;
	v27 =	vor.u32 v27, v48;
	[tilespmem:v33+s15+$0x0] =	vst.idx.msk $0xffff, v36;
	v33 =	vand.u32 $0x3C8, v23  }
0x1c8: {  	v55 =	vor.u32 v3, v25;
	v41 =	vmovc v43;
	v36 =	vshll.u32 v35, $0x7;
	v34 =	vld.idx.msk [tilespmem:v34+s12+$0x0], $0xffff;
	v33 =	vor.u32 v33, v38  }
0x1c9: {  	v56 =	vor.u32 v4, v50;
	v57 =	vor.u32 v11, v45;
	v32 =	vadd.f32 v32, v40;
	v43 =	vmovc v54  }
0x1ca: {  	v54 =	vand.u32 $0x398, v56;
	v56 =	vor.u32 v16, v51;
	v37 =	vadd.f32 v37, v43  }
0x1cb: {  	v58 =	vand.u32 $0xF, v35;
	v54 =	vor.u32 v54, v46;
	[tilespmem:v28+s15+$0x0] =	vst.idx.msk $0xffff, v32;
	v28 =	vadd.f32 v53, v41  }
0x1cc: {  	v32 =	vor.u32 v5, v49;
	[tilespmem:v27+s15+$0x0] =	vst.idx.msk $0xffff, v37;
	v30 =	vld.idx.msk [tilespmem:v30+s12+$0x0], $0xffff;
	v37 =	vor.u32 v14, v51  }
0x1cd: {  	v61 =	vor.u32 v10, v50;
	v27 =	vor.u32 v12, v51;
	v53 =	vld.idx.msk [tilespmem:v55+s12+$0x0], $0xffff;
	[tilespmem:v33+s15+$0x0] =	vst.idx.msk $0xffff, v28  }
0x1ce: {  	v51 =	vmovc v50;
	v28 =	vadd.f32 v34, v42;
	v33 =	vor.u32 v4, v47;
	v27 =	vand.u32 $0x3D8, v27;
	v34 =	vld.idx.msk [tilespmem:v57+s12+$0x0], $0xffff  }
0x1cf: {  	v50 =	vmovc v36;
	v33 =	vand.u32 $0x398, v33;
	v55 =	vor.u32 v27, v39;
	v27 =	vor.u32 v12, v52  }
0x1d0: {  	v36 =	vand.u32 $0x3D8, v27;
	[tilespmem:v54+s15+$0x0] =	vst.idx.msk $0xffff, v28;
	v28 =	vor.u32 v33, v48;
	v33 =	vor.u32 v13, v44  }
0x1d1: {  	v27 =	vor.u32 v8, v51;
	v54 =	vor.u32 v5, v25;
	v36 =	vor.u32 v36, v38;
	v32 =	vld.idx.msk [tilespmem:v32+s12+$0x0], $0xffff  }
0x1d2: {  	v63 =	vor.u32 v13, v45;
	v57 =	vor.u32 v6, v51;
	v30 =	vadd.f32 v30, v40  }
0x1d3: {  	v60 =	vor.u32 v0, v50;
	v57 =	vand.u32 $0x3A8, v57;
	v53 =	vadd.f32 v53, v43  }
0x1d4: {  	v62 =	vor.u32 $0x20, v58;
	v57 =	vor.u32 v57, v46;
	[tilespmem:v55+s15+$0x0] =	vst.idx.msk $0xffff, v30;
	v30 =	vadd.f32 v34, v41  }
0x1d5: {  	v35 =	vand.u32 $0x7, v35;
	v23 =	vor.u32 v7, v49;
	v34 =	vand.u32 $0x28, v62;
	[tilespmem:v28+s15+$0x0] =	vst.idx.msk $0xffff, v53;
	v24 =	vld.idx.msk [tilespmem:v33+s12+$0x0], $0xffff  }
0x1d6: {  	v29 =	vor.u32 v35, v34;
	v28 =	vand.u32 $0x3E8, v37;
	v53 =	vand.u32 $0x3F8, v56;
	v31 =	vld.idx.msk [tilespmem:v54+s12+$0x0], $0xffff;
	[tilespmem:v36+s15+$0x0] =	vst.idx.msk $0xffff, v30  }
0x1d7: {  	v59 =	vor.u32 v17, v29;
	v30 =	vadd.f32 v32, v42;
	v32 =	vor.u32 v6, v47;
	v58 =	vld.idx.msk [tilespmem:v63+s12+$0x0], $0xffff  }
.Ltmp2:
0x1d8: {  	v55 =	vor.u32 v28, v39;
	v28 =	vor.u32 v14, v52;
	v32 =	vand.u32 $0x3A8, v32;
	(pc) =	sbr.rel @p0 .LBB2_7-.Ltmp2, $4  }
0x1d9: {  	v54 =	vor.u32 v15, v44;
	v34 =	vor.u32 v32, v48;
	[tilespmem:v57+s15+$0x0] =	vst.idx.msk $0xffff, v30;
	v30 =	vand.u32 $0x3E8, v28  }
0x1da: {  	v35 =	vor.u32 v7, v25;
	v44 =	vmovc v49;
	v28 =	vand.u32 $0x3C8, v61;
	v33 =	vld.idx.msk [tilespmem:v23+s12+$0x0], $0xffff;
	v56 =	vor.u32 v30, v38  }
0x1db: {  	s28 =	sadd.s32 $0x1, s26;
	v32 =	vor.u32 v9, v44;
	v57 =	vor.u32 v15, v45;
	v45 =	vmovc v25;
	v61 =	vadd.f32 v24, v40  }
0x1dc: {  	s26 =	sadd.s32 $0x2, s26;
	v37 =	vor.u32 v1, v29;
	v49 =	vmovc v29;
	v63 =	vadd.s32 s28, v0;
	v36 =	vadd.f32 v31, v43  }
0x1dd: {  	v23 =	vand.u32 $0xF, v63  }
0x1de: {  	v23 =	vor.u32 $0x20, v23  }
0x1df: {  	v25 =	vand.u32 $0x7, v63;
	v24 =	vand.u32 $0x28, v23  }
0x1e0: {  	v30 =	vor.u32 v25, v24  }
0x1e1: {  	v24 =	vor.u32 v17, v30  }
0x1e2: {  	v25 =	vor.u32 v1, v30;
	_ =	sdelay $0x1  }
0x1e3: {  	v59 =	vld.idx.msk [tilespmem:v59+s9+$0x0], $0xffff  }
0x1e4: {  	v29 =	vshll.u32 v62, $0x7;
	v31 =	vld.idx.msk [tilespmem:v37+s12+$0x0], $0xffff;
	v37 =	vand.u32 $0x388, v60  }
0x1e5: {  	v62 =	vshll.u32 v63, $0x7;
	v29 =	vand.u32 $0x1400, v29;
	v23 =	vshll.u32 v23, $0x7;
	v60 =	vld.idx.msk [tilespmem:v24+s9+$0x0], $0xffff  }
0x1e6: {  	v63 =	vor.u32 v2, v29;
	v23 =	vand.u32 $0x1400, v23;
	v24 =	vld.idx.msk [tilespmem:v25+s12+$0x0], $0xffff;
	v25 =	vor.u32 v0, v62  }
0x1e7: {  	v29 =	vor.u32 v37, v63;
	v37 =	vand.u32 $0x388, v25;
	v25 =	vor.u32 v2, v23  }
0x1e8: {  	v23 =	vor.u32 v3, v49;
	v37 =	vor.u32 v37, v25  }
0x1e9: {  	v26 =	vor.u32 v3, v30  }
0x1ea: {  	v31 =	vadd.f32 v31, v59  }
0x1eb: {  	v24 =	vadd.f32 v24, v60  }
0x1ec: {  	[tilespmem:v29+s15+$0x0] =	vst.idx.msk $0xffff, v31  }
0x1ed: {  	v29 =	vor.u32 v4, v50;
	v23 =	vld.idx.msk [tilespmem:v23+s12+$0x0], $0xffff;
	[tilespmem:v37+s15+$0x0] =	vst.idx.msk $0xffff, v24  }
0x1ee: {  	v24 =	vand.u32 $0x398, v29;
	v29 =	vor.u32 v4, v62;
	v26 =	vld.idx.msk [tilespmem:v26+s12+$0x0], $0xffff  }
0x1ef: {  	v24 =	vor.u32 v24, v63;
	v29 =	vand.u32 $0x398, v29  }
0x1f0: {  	v31 =	vor.u32 v5, v49;
	v29 =	vor.u32 v29, v25  }
0x1f1: {  	v37 =	vor.u32 v5, v30  }
0x1f2: {  	v23 =	vadd.f32 v23, v59  }
0x1f3: {  	v26 =	vadd.f32 v26, v60  }
0x1f4: {  	[tilespmem:v24+s15+$0x0] =	vst.idx.msk $0xffff, v23  }
0x1f5: {  	v24 =	vor.u32 v6, v50;
	v23 =	vld.idx.msk [tilespmem:v31+s12+$0x0], $0xffff;
	[tilespmem:v29+s15+$0x0] =	vst.idx.msk $0xffff, v26  }
0x1f6: {  	v24 =	vand.u32 $0x3A8, v24;
	v29 =	vor.u32 v6, v62;
	v26 =	vld.idx.msk [tilespmem:v37+s12+$0x0], $0xffff  }
0x1f7: {  	v24 =	vor.u32 v24, v63;
	v29 =	vand.u32 $0x3A8, v29  }
0x1f8: {  	v31 =	vor.u32 v7, v49;
	v29 =	vor.u32 v29, v25  }
0x1f9: {  	v37 =	vor.u32 v7, v30  }
0x1fa: {  	v23 =	vadd.f32 v23, v59  }
0x1fb: {  	v27 =	vand.u32 $0x3B8, v27;
	[tilespmem:v34+s15+$0x0] =	vst.idx.msk $0xffff, v36;
	v26 =	vadd.f32 v26, v60  }
0x1fc: {  	v27 =	vor.u32 v27, v46;
	v36 =	vor.u32 v8, v47;
	v34 =	vld.idx.msk [tilespmem:v35+s12+$0x0], $0xffff;
	[tilespmem:v24+s15+$0x0] =	vst.idx.msk $0xffff, v23  }
0x1fd: {  	v23 =	vand.u32 $0x3B8, v36;
	v24 =	vor.u32 v8, v50;
	v31 =	vld.idx.msk [tilespmem:v31+s12+$0x0], $0xffff;
	[tilespmem:v29+s15+$0x0] =	vst.idx.msk $0xffff, v26  }
0x1fe: {  	v23 =	vor.u32 v23, v48;
	v24 =	vand.u32 $0x3B8, v24;
	v29 =	vor.u32 v8, v62;
	v26 =	vld.idx.msk [tilespmem:v37+s12+$0x0], $0xffff  }
0x1ff: {  	v35 =	vor.u32 v9, v45;
	v24 =	vor.u32 v24, v63;
	v29 =	vand.u32 $0x3B8, v29  }
0x200: {  	v33 =	vadd.f32 v33, v42;
	v36 =	vor.u32 v9, v49;
	v29 =	vor.u32 v29, v25  }
0x201: {  	v34 =	vadd.f32 v34, v43;
	v37 =	vor.u32 v9, v30  }
0x202: {  	[tilespmem:v27+s15+$0x0] =	vst.idx.msk $0xffff, v33;
	v27 =	vadd.f32 v31, v59  }
0x203: {  	v28 =	vor.u32 v28, v46;
	v31 =	vld.idx.msk [tilespmem:v32+s12+$0x0], $0xffff;
	[tilespmem:v23+s15+$0x0] =	vst.idx.msk $0xffff, v34;
	v23 =	vadd.f32 v26, v60  }
0x204: {  	v33 =	vor.u32 v11, v44;
	v32 =	vor.u32 v10, v47;
	v26 =	vld.idx.msk [tilespmem:v35+s12+$0x0], $0xffff;
	[tilespmem:v24+s15+$0x0] =	vst.idx.msk $0xffff, v27  }
0x205: {  	v24 =	vand.u32 $0x3C8, v32;
	v27 =	vor.u32 v10, v50;
	v32 =	vld.idx.msk [tilespmem:v36+s12+$0x0], $0xffff;
	[tilespmem:v29+s15+$0x0] =	vst.idx.msk $0xffff, v23  }
0x206: {  	v23 =	vor.u32 v24, v48;
	v24 =	vand.u32 $0x3C8, v27;
	v29 =	vor.u32 v10, v62;
	v27 =	vld.idx.msk [tilespmem:v37+s12+$0x0], $0xffff  }
0x207: {  	v34 =	vor.u32 v11, v45;
	v24 =	vor.u32 v24, v63;
	v29 =	vand.u32 $0x3C8, v29  }
0x208: {  	v35 =	vor.u32 v11, v49;
	v31 =	vadd.f32 v31, v42;
	v29 =	vor.u32 v29, v25  }
0x209: {  	v36 =	vor.u32 v12, v51;
	v37 =	vor.u32 v11, v30;
	v26 =	vadd.f32 v26, v43  }
0x20a: {  	[tilespmem:v28+s15+$0x0] =	vst.idx.msk $0xffff, v31;
	v28 =	vand.u32 $0x3D8, v36;
	v31 =	vadd.f32 v32, v59  }
0x20b: {  	v36 =	vld.idx.msk [tilespmem:v33+s12+$0x0], $0xffff;
	v33 =	vor.u32 v13, v44;
	[tilespmem:v23+s15+$0x0] =	vst.idx.msk $0xffff, v26;
	v26 =	vadd.f32 v27, v60  }
0x20c: {  	v23 =	vor.u32 v28, v46;
	v28 =	vor.u32 v12, v47;
	v27 =	vld.idx.msk [tilespmem:v34+s12+$0x0], $0xffff;
	[tilespmem:v24+s15+$0x0] =	vst.idx.msk $0xffff, v31  }
0x20d: {  	v24 =	vand.u32 $0x3D8, v28;
	v31 =	vor.u32 v12, v50;
	v28 =	vld.idx.msk [tilespmem:v35+s12+$0x0], $0xffff;
	[tilespmem:v29+s15+$0x0] =	vst.idx.msk $0xffff, v26  }
0x20e: {  	v24 =	vor.u32 v24, v48;
	v26 =	vand.u32 $0x3D8, v31;
	v31 =	vor.u32 v12, v62;
	v29 =	vld.idx.msk [tilespmem:v37+s12+$0x0], $0xffff  }
0x20f: {  	v34 =	vor.u32 v13, v45;
	v26 =	vor.u32 v26, v63;
	v31 =	vand.u32 $0x3D8, v31  }
0x210: {  	v35 =	vor.u32 v13, v49;
	v32 =	vadd.f32 v36, v42;
	v31 =	vor.u32 v31, v25  }
0x211: {  	v36 =	vor.u32 v13, v30;
	v27 =	vadd.f32 v27, v43  }
0x212: {  	[tilespmem:v23+s15+$0x0] =	vst.idx.msk $0xffff, v32;
	v23 =	vor.u32 v14, v51;
	v28 =	vadd.f32 v28, v59  }
0x213: {  	v23 =	vand.u32 $0x3E8, v23;
	[tilespmem:v24+s15+$0x0] =	vst.idx.msk $0xffff, v27;
	v24 =	vld.idx.msk [tilespmem:v33+s12+$0x0], $0xffff;
	v27 =	vadd.f32 v29, v60  }
0x214: {  	v23 =	vor.u32 v23, v46;
	[tilespmem:v26+s15+$0x0] =	vst.idx.msk $0xffff, v28;
	v26 =	vld.idx.msk [tilespmem:v34+s12+$0x0], $0xffff;
	v28 =	vor.u32 v14, v47  }
0x215: {  	v28 =	vand.u32 $0x3E8, v28;
	v29 =	vld.idx.msk [tilespmem:v35+s12+$0x0], $0xffff;
	[tilespmem:v31+s15+$0x0] =	vst.idx.msk $0xffff, v27;
	v27 =	vor.u32 v14, v50  }
0x216: {  	v37 =	vor.u32 v14, v62;
	v28 =	vor.u32 v28, v48;
	v27 =	vand.u32 $0x3E8, v27;
	v31 =	vld.idx.msk [tilespmem:v36+s12+$0x0], $0xffff  }
0x217: {  	v32 =	vand.u32 $0x3E8, v37;
	v36 =	vadd.f32 v58, v41;
	v27 =	vor.u32 v27, v63  }
0x218: {  	[tilespmem:v55+s15+$0x0] =	vst.idx.msk $0xffff, v61;
	v32 =	vor.u32 v32, v25;
	v24 =	vadd.f32 v24, v42  }
0x219: {  	[tilespmem:v56+s15+$0x0] =	vst.idx.msk $0xffff, v36;
	v26 =	vadd.f32 v26, v43  }
0x21a: {  	[tilespmem:v23+s15+$0x0] =	vst.idx.msk $0xffff, v24;
	v29 =	vadd.f32 v29, v59  }
0x21b: {  	v44 =	vor.u32 v15, v44;
	v37 =	vld.idx.msk [tilespmem:v54+s12+$0x0], $0xffff;
	[tilespmem:v28+s15+$0x0] =	vst.idx.msk $0xffff, v26;
	v28 =	vadd.f32 v31, v60  }
0x21c: {  	v23 =	vld.idx.msk [tilespmem:v57+s12+$0x0], $0xffff;
	[tilespmem:v27+s15+$0x0] =	vst.idx.msk $0xffff, v29;
	v27 =	vor.u32 v16, v52  }
0x21d: {  	v24 =	vor.u32 v15, v45;
	[tilespmem:v32+s15+$0x0] =	vst.idx.msk $0xffff, v28;
	v28 =	vor.u32 v53, v39;
	v27 =	vand.u32 $0x3F8, v27  }
0x21e: {  	v26 =	vor.u32 v15, v49;
	v27 =	vor.u32 v27, v38;
	_ =	sdelay $0x1  }
0x21f: {  	v45 =	vld.idx.msk [tilespmem:v44+s12+$0x0], $0xffff;
	v29 =	vor.u32 v15, v30;
	v30 =	vadd.f32 v37, v40  }
0x220: {  	v31 =	vor.u32 v16, v51;
	v23 =	vadd.f32 v23, v41;
	v51 =	vld [tilespmem:$0x1FE10]  }
0x221: {  	v24 =	vld.idx.msk [tilespmem:v24+s12+$0x0], $0xffff;
	[tilespmem:v28+s15+$0x0] =	vst.idx.msk $0xffff, v30  }
0x222: {  	v47 =	vor.u32 v16, v47;
	v31 =	vand.u32 $0x3F8, v31;
	v26 =	vld.idx.msk [tilespmem:v26+s12+$0x0], $0xffff;
	[tilespmem:v27+s15+$0x0] =	vst.idx.msk $0xffff, v23  }
0x223: {  	v33 =	vand.u32 $0x3F8, v47;
	v49 =	vor.u32 v16, v50;
	v31 =	vor.u32 v31, v46;
	v27 =	vld [tilespmem:$0x1FE20]  }
0x224: {  	v33 =	vor.u32 v33, v48;
	v50 =	vor.u32 v16, v62;
	v34 =	vand.u32 $0x3F8, v49;
	v29 =	vld.idx.msk [tilespmem:v29+s12+$0x0], $0xffff  }
0x225: {  	v35 =	vand.u32 $0x3F8, v50;
	v34 =	vor.u32 v34, v63;
	v36 =	vor.u32 $0x30, v51  }
0x226: {  	v25 =	vor.u32 v35, v25;
	v28 =	vadd.f32 v45, v42;
	v41 =	vand.u32 $0x3F, v36  }
0x227: {  	v23 =	vadd.f32 v24, v43;
	v24 =	vor.u32 v17, v41  }
0x228: {  	[tilespmem:v31+s15+$0x0] =	vst.idx.msk $0xffff, v28;
	v26 =	vadd.f32 v26, v59;
	v27 =	vor.u32 $0x30, v27  }
0x229: {  	v28 =	vor.u32 v1, v41;
	[tilespmem:v33+s15+$0x0] =	vst.idx.msk $0xffff, v23;
	v23 =	vadd.f32 v29, v60;
	v39 =	vand.u32 $0x3F, v27  }
0x22a: {  	[tilespmem:v34+s15+$0x0] =	vst.idx.msk $0xffff, v26;
	v29 =	vor.u32 v17, v39  }
0x22b: {  	[tilespmem:v25+s15+$0x0] =	vst.idx.msk $0xffff, v23;
	v27 =	vshll.u32 v27, $0x7;
	v26 =	vor.u32 v1, v39  }
0x22c: {  	v24 =	vld.idx.msk [tilespmem:v24+s9+$0x0], $0xffff;
	v27 =	vand.u32 $0x1C00, v27  }
0x22d: {  	v23 =	vshll.u32 v36, $0x7;
	v40 =	vor.u32 v2, v27;
	v27 =	vld [tilespmem:$0x1FE30]  }
0x22e: {  	v25 =	vor.u32 v0, v22;
	v23 =	vand.u32 $0x1C00, v23;
	v28 =	vld.idx.msk [tilespmem:v28+s12+$0x0], $0xffff  }
0x22f: {  	v25 =	vand.u32 $0x388, v25;
	v38 =	vor.u32 v2, v23;
	v23 =	vld.idx.msk [tilespmem:v29+s9+$0x0], $0xffff  }
0x230: {  	v25 =	vor.u32 v25, v38;
	v26 =	vld.idx.msk [tilespmem:v26+s12+$0x0], $0xffff;
	_ =	sdelay $0x1  }
0x231: {  	v27 =	vor.u32 v27, v40  }
0x232: {  	v28 =	vadd.f32 v28, v24  }
0x233: {  	v29 =	vor.u32 v3, v41  }
0x234: {  	[tilespmem:v25+s15+$0x0] =	vst.idx.msk $0xffff, v28;
	v25 =	vadd.f32 v26, v23;
	_ =	sdelay $0x1  }
0x235: {  	[tilespmem:v27+s15+$0x0] =	vst.idx.msk $0xffff, v25  }
0x236: {  	v30 =	vor.u32 v3, v39;
	v25 =	vld [tilespmem:$0x1FE40]  }
0x237: {  	v26 =	vld.idx.msk [tilespmem:v29+s12+$0x0], $0xffff  }
0x238: {  	v29 =	vld [tilespmem:$0x1FE50];
	_ =	sdelay $0x2  }
0x239: {  	v27 =	vld.idx.msk [tilespmem:v30+s12+$0x0], $0xffff;
	v25 =	vor.u32 v25, v38;
	_ =	sdelay $0x1  }
0x23a: {  	v29 =	vor.u32 v29, v40  }
0x23b: {  	v26 =	vadd.f32 v26, v24  }
0x23c: {  	v28 =	vor.u32 v5, v41  }
0x23d: {  	[tilespmem:v25+s15+$0x0] =	vst.idx.msk $0xffff, v26;
	v25 =	vadd.f32 v27, v23;
	_ =	sdelay $0x1  }
0x23e: {  	v30 =	vor.u32 v5, v39;
	[tilespmem:v29+s15+$0x0] =	vst.idx.msk $0xffff, v25  }
0x23f: {  	v29 =	vld [tilespmem:$0x1FE70]  }
0x240: {  	v27 =	vor.u32 v6, v22;
	v26 =	vld.idx.msk [tilespmem:v28+s12+$0x0], $0xffff  }
0x241: {  	v27 =	vand.u32 $0x3A8, v27  }
0x242: {  	v25 =	vor.u32 v27, v38  }
0x243: {  	v27 =	vld.idx.msk [tilespmem:v30+s12+$0x0], $0xffff  }
0x244: {  	v30 =	vor.u32 $0x30, v29;
	v29 =	vld [tilespmem:$0x1FE60]  }
0x245: {  	v26 =	vadd.f32 v26, v24;
	_ =	sdelay $0x1  }
0x246: {  	[tilespmem:v25+s15+$0x0] =	vst.idx.msk $0xffff, v26  }
0x247: {  	v55 =	vld [tilespmem:$0x1FEA0]  }
0x248: {  	v28 =	vor.u32 v7, v41;
	v31 =	vor.u32 v29, v40  }
0x249: {  	v33 =	vand.u32 $0x3F, v30  }
0x24a: {  	v54 =	vor.u32 v1, v33  }
0x24b: {  	v52 =	vor.u32 v7, v39;
	v25 =	vadd.f32 v27, v23  }
0x24c: {  	v22 =	vor.u32 v8, v22;
	v53 =	vor.u32 v17, v33;
	v27 =	vor.u32 $0x30, v55  }
0x24d: {  	v26 =	vld.idx.msk [tilespmem:v28+s12+$0x0], $0xffff;
	v28 =	vor.u32 v0, v19;
	v30 =	vshll.u32 v30, $0x7;
	v29 =	vand.u32 $0x3F, v27;
	[tilespmem:v31+s15+$0x0] =	vst.idx.msk $0xffff, v25  }
0x24e: {  	v60 =	vand.u32 $0x388, v28;
	v28 =	vand.u32 $0x1C00, v30;
	v25 =	vor.u32 v17, v29;
	v30 =	vld [tilespmem:$0x1FE80]  }
0x24f: {  	v59 =	vld.idx.msk [tilespmem:v54+s12+$0x0], $0xffff;
	v56 =	vor.u32 v1, v29;
	v31 =	vand.u32 $0x3B8, v22  }
0x250: {  	v32 =	vld.idx.msk [tilespmem:v52+s12+$0x0], $0xffff;
	v31 =	vor.u32 v31, v38  }
0x251: {  	v28 =	vor.u32 v2, v28;
	v22 =	vld.idx.msk [tilespmem:v53+s9+$0x0], $0xffff  }
0x252: {  	v35 =	vor.u32 v60, v28;
	v62 =	vadd.f32 v26, v24  }
0x253: {  	v26 =	vld.idx.msk [tilespmem:v25+s9+$0x0], $0xffff;
	v25 =	vshll.u32 v27, $0x7;
	v61 =	vor.u32 v30, v40;
	v30 =	vshll.u32 v55, $0x7  }
0x254: {  	v27 =	vld.idx.msk [tilespmem:v56+s12+$0x0], $0xffff;
	v25 =	vand.u32 $0x1C00, v25;
	v47 =	vor.u32 v0, v30  }
0x255: {  	v46 =	vadd.f32 v32, v23;
	[tilespmem:v31+s15+$0x0] =	vst.idx.msk $0xffff, v62;
	v32 =	vor.u32 v2, v25;
	v31 =	vand.u32 $0x388, v47  }
0x256: {  	v25 =	vadd.f32 v59, v22;
	v31 =	vor.u32 v31, v32;
	_ =	sdelay $0x1  }
0x257: {  	v57 =	vor.u32 v9, v41;
	[tilespmem:v35+s15+$0x0] =	vst.idx.msk $0xffff, v25  }
0x258: {  	v63 =	vor.u32 v9, v39;
	v27 =	vadd.f32 v27, v26;
	[tilespmem:v61+s15+$0x0] =	vst.idx.msk $0xffff, v46  }
0x259: {  	v58 =	vor.u32 v3, v33;
	v25 =	vld [tilespmem:$0x1FE90]  }
0x25a: {  	[tilespmem:v31+s15+$0x0] =	vst.idx.msk $0xffff, v27  }
0x25b: {  	v31 =	vld [tilespmem:$0x1FEB0]  }
0x25c: {  	v48 =	vld.idx.msk [tilespmem:v57+s12+$0x0], $0xffff  }
0x25d: {  	v50 =	vor.u32 v10, v18;
	v36 =	vld.idx.msk [tilespmem:v63+s12+$0x0], $0xffff  }
0x25e: {  	v51 =	vand.u32 $0x3C8, v50;
	v42 =	vld.idx.msk [tilespmem:v58+s12+$0x0], $0xffff;
	v25 =	vor.u32 v25, v38  }
0x25f: {  	v35 =	vor.u32 v51, v40  }
0x260: {  	v49 =	vor.u32 v3, v29;
	v31 =	vor.u32 v31, v28  }
0x261: {  	v27 =	vadd.f32 v48, v24  }
0x262: {  	v36 =	vadd.f32 v36, v23  }
0x263: {  	v57 =	vadd.f32 v42, v22;
	[tilespmem:v25+s15+$0x0] =	vst.idx.msk $0xffff, v27  }
0x264: {  	v52 =	vor.u32 v11, v41;
	v25 =	vld [tilespmem:$0x1FED0];
	[tilespmem:v35+s15+$0x0] =	vst.idx.msk $0xffff, v36  }
0x265: {  	v53 =	vor.u32 v11, v39;
	v54 =	vld.idx.msk [tilespmem:v49+s12+$0x0], $0xffff;
	[tilespmem:v31+s15+$0x0] =	vst.idx.msk $0xffff, v57  }
0x266: {  	v55 =	vor.u32 v5, v33;
	v31 =	vld [tilespmem:$0x1FEC0];
	_ =	sdelay $0x1  }
0x267: {  	v56 =	vor.u32 v4, v30  }
0x268: {  	v60 =	vor.u32 v12, v18;
	v27 =	vand.u32 $0x398, v56;
	v43 =	vld.idx.msk [tilespmem:v52+s12+$0x0], $0xffff  }
0x269: {  	v61 =	vand.u32 $0x3D8, v60;
	v27 =	vor.u32 v27, v32;
	v58 =	vld.idx.msk [tilespmem:v53+s12+$0x0], $0xffff  }
0x26a: {  	v34 =	vadd.f32 v54, v26;
	v54 =	vor.u32 v6, v19;
	v63 =	vld.idx.msk [tilespmem:v55+s12+$0x0], $0xffff;
	v31 =	vor.u32 v31, v38  }
0x26b: {  	v48 =	vand.u32 $0x3A8, v54;
	v35 =	vor.u32 v61, v40  }
0x26c: {  	v59 =	vor.u32 v5, v29;
	v56 =	vor.u32 v48, v28  }
0x26d: {  	v43 =	vadd.f32 v43, v24  }
0x26e: {  	[tilespmem:v27+s15+$0x0] =	vst.idx.msk $0xffff, v34;
	v42 =	vadd.f32 v58, v23  }
0x26f: {  	v25 =	vor.u32 $0x30, v25;
	v61 =	vadd.f32 v63, v22;
	[tilespmem:v31+s15+$0x0] =	vst.idx.msk $0xffff, v43  }
0x270: {  	v62 =	vor.u32 v13, v41;
	v37 =	vshll.u32 v25, $0x7;
	v27 =	vand.u32 $0x3F, v25;
	v25 =	vld [tilespmem:$0x1FEE0];
	[tilespmem:v35+s15+$0x0] =	vst.idx.msk $0xffff, v42  }
0x271: {  	v55 =	vor.u32 v13, v39;
	v57 =	vld.idx.msk [tilespmem:v59+s12+$0x0], $0xffff;
	[tilespmem:v56+s15+$0x0] =	vst.idx.msk $0xffff, v61  }
0x272: {  	v34 =	vld [tilespmem:$0x1FEF0]  }
0x273: {  	v44 =	vor.u32 v8, v19;
	v58 =	vor.u32 v7, v33;
	v59 =	vor.u32 v6, v30  }
0x274: {  	v45 =	vor.u32 v9, v33;
	v49 =	vor.u32 v7, v29;
	v60 =	vand.u32 $0x3A8, v59  }
0x275: {  	v50 =	vor.u32 v60, v32;
	v31 =	vor.u32 v15, v41;
	v41 =	vor.u32 v17, v27;
	v46 =	vld.idx.msk [tilespmem:v62+s12+$0x0], $0xffff  }
0x276: {  	v36 =	vor.u32 v0, v20;
	v52 =	vor.u32 v1, v27;
	v62 =	vor.u32 v14, v18;
	v47 =	vld.idx.msk [tilespmem:v55+s12+$0x0], $0xffff  }
0x277: {  	v51 =	vadd.f32 v57, v26;
	v63 =	vand.u32 $0x3E8, v62;
	v42 =	vor.u32 v34, v38  }
0x278: {  	v35 =	vadd.s32 s25, v0;
	s25 =	simm.s32 $0x6;
	v48 =	vld.idx.msk [tilespmem:v58+s12+$0x0], $0xffff;
	v25 =	vand.u32 $0x3F8, v25;
	v34 =	vor.u32 v63, v40  }
.LBB2_9:
0x279: {  	p0 =	slt.u32 s25, $0xE;
	v43 =	vor.u32 v3, v27;
	v53 =	vor.u32 $0x30, v35;
	v54 =	vor.u32 v15, v39;
	v39 =	vmovc v29  }
0x27a: {  	v44 =	vand.u32 $0x3B8, v44;
	v46 =	vadd.f32 v46, v24;
	v41 =	vld.idx.msk [tilespmem:v41+s9+$0x0], $0xffff;
	v29 =	vand.u32 $0x3F, v53;
	[tilespmem:v50+s15+$0x0] =	vst.idx.msk $0xffff, v51  }
0x27b: {  	v44 =	vor.u32 v44, v28;
	v47 =	vadd.f32 v47, v23;
	v50 =	vor.u32 v17, v29;
	v49 =	vld.idx.msk [tilespmem:v49+s12+$0x0], $0xffff  }
0x27c: {  	v55 =	vor.u32 v8, v30;
	v51 =	vld.idx.msk [tilespmem:v52+s12+$0x0], $0xffff;
	v52 =	vor.u32 v1, v29;
	[tilespmem:v42+s15+$0x0] =	vst.idx.msk $0xffff, v46  }
0x27d: {  	v36 =	vand.u32 $0x388, v36;
	v37 =	vand.u32 $0x1C00, v37;
	v42 =	vand.u32 $0x3B8, v55;
	v31 =	vld.idx.msk [tilespmem:v31+s12+$0x0], $0xffff;
	[tilespmem:v34+s15+$0x0] =	vst.idx.msk $0xffff, v47  }
0x27e: {  	v34 =	vor.u32 v2, v37;
	v37 =	vadd.f32 v48, v22;
	v42 =	vor.u32 v42, v32;
	v46 =	vld.idx.msk [tilespmem:v54+s12+$0x0], $0xffff  }
0x27f: {  	v47 =	vor.u32 v9, v39;
	v48 =	vor.u32 v16, v18;
	v18 =	vmovc v30;
	v36 =	vor.u32 v36, v34  }
0x280: {  	v25 =	vor.u32 v25, v38;
	v30 =	vshll.u32 v35, $0x7;
	v35 =	vld.idx.msk [tilespmem:v50+s9+$0x0], $0xffff;
	[tilespmem:v44+s15+$0x0] =	vst.idx.msk $0xffff, v37;
	v37 =	vand.u32 $0x3F8, v48  }
0x281: {  	v38 =	vmovc v28;
	v48 =	vshll.u32 v53, $0x7;
	v49 =	vadd.f32 v49, v26;
	v44 =	vld.idx.msk [tilespmem:v52+s12+$0x0], $0xffff;
	v37 =	vor.u32 v37, v40  }
0x282: {  	v28 =	vmovc v34;
	v50 =	vor.u32 v0, v30;
	v40 =	vadd.f32 v51, v41;
	v48 =	vand.u32 $0x1C00, v48;
	v45 =	vld.idx.msk [tilespmem:v45+s12+$0x0], $0xffff  }
0x283: {  	v34 =	vand.u32 $0x388, v50;
	v48 =	vor.u32 v2, v48;
	[tilespmem:v42+s15+$0x0] =	vst.idx.msk $0xffff, v49;
	v42 =	vadd.f32 v31, v24  }
0x284: {  	v31 =	vor.u32 v34, v48;
	v23 =	vadd.f32 v46, v23;
	[tilespmem:v36+s15+$0x0] =	vst.idx.msk $0xffff, v40;
	v34 =	vld.idx.msk [tilespmem:v47+s12+$0x0], $0xffff  }
0x285: {  	v21 =	vand.u32 $0x3C8, v21;
	v36 =	vor.u32 v3, v29;
	v40 =	vor.u32 v10, v18;
	[tilespmem:v25+s15+$0x0] =	vst.idx.msk $0xffff, v42  }
0x286: {  	v21 =	vor.u32 v21, v38;
	v24 =	vmovc v22;
	v22 =	vmov v41;
	v25 =	vand.u32 $0x3C8, v40;
	[tilespmem:v37+s15+$0x0] =	vst.idx.msk $0xffff, v23  }
0x287: {  	v41 =	vor.u32 v11, v33;
	v40 =	vadd.f32 v44, v35;
	v25 =	vor.u32 v25, v32;
	v37 =	vld.idx.msk [tilespmem:v43+s12+$0x0], $0xffff  }
0x288: {  	v42 =	vadd.s32 s25, v0;
	v44 =	vor.u32 v11, v39;
	v43 =	vor.u32 v4, v20;
	v23 =	vmovc v26;
	v26 =	vmovc v35  }
0x289: {  	v35 =	vand.u32 $0x398, v43;
	v43 =	vor.u32 v16, v19;
	[tilespmem:v31+s15+$0x0] =	vst.idx.msk $0xffff, v40;
	v31 =	vadd.f32 v45, v24  }
0x28a: {  	v35 =	vor.u32 v35, v28;
	v45 =	vor.u32 v14, v19;
	v34 =	vadd.f32 v34, v23;
	v36 =	vld.idx.msk [tilespmem:v36+s12+$0x0], $0xffff  }
0x28b: {  	v47 =	vor.u32 v5, v27;
	v46 =	vshll.u32 v42, $0x7;
	v40 =	vor.u32 v4, v30;
	[tilespmem:v21+s15+$0x0] =	vst.idx.msk $0xffff, v31  }
0x28c: {  	v19 =	vor.u32 v12, v19;
	v50 =	vand.u32 $0x398, v40;
	v31 =	vor.u32 $0x30, v42;
	v41 =	vld.idx.msk [tilespmem:v41+s12+$0x0], $0xffff;
	[tilespmem:v25+s15+$0x0] =	vst.idx.msk $0xffff, v34  }
0x28d: {  	v21 =	vor.u32 v10, v20;
	v25 =	vadd.f32 v37, v22;
	v34 =	vor.u32 v50, v48;
	v42 =	vld.idx.msk [tilespmem:v44+s12+$0x0], $0xffff  }
0x28e: {  	v49 =	vor.u32 v5, v29;
	v19 =	vand.u32 $0x3D8, v19;
	v37 =	vor.u32 v12, v18;
	v40 =	vmovc v32;
	v32 =	vmovc v48  }
0x28f: {  	v44 =	vor.u32 v8, v20;
	v37 =	vand.u32 $0x3D8, v37;
	[tilespmem:v35+s15+$0x0] =	vst.idx.msk $0xffff, v25;
	v25 =	vor.u32 v19, v38  }
0x290: {  	v48 =	vor.u32 v13, v33;
	v50 =	vor.u32 v37, v40;
	v35 =	vld.idx.msk [tilespmem:v47+s12+$0x0], $0xffff;
	v47 =	vadd.f32 v36, v26  }
0x291: {  	v51 =	vor.u32 v6, v20;
	v52 =	vor.u32 v13, v39;
	v19 =	vmovc v20;
	v36 =	vor.u32 v0, v46  }
0x292: {  	v51 =	vand.u32 $0x3A8, v51;
	v37 =	vshll.u32 v31, $0x7;
	v20 =	vmovc v46;
	[tilespmem:v34+s15+$0x0] =	vst.idx.msk $0xffff, v47;
	v34 =	vadd.f32 v41, v24  }
0x293: {  	v51 =	vor.u32 v51, v28;
	v53 =	vand.u32 $0x3F, v31;
	v41 =	vadd.f32 v42, v23;
	v54 =	vld.idx.msk [tilespmem:v49+s12+$0x0], $0xffff  }
0x294: {  	v55 =	vor.u32 v7, v27;
	v31 =	vor.u32 v6, v30;
	[tilespmem:v25+s15+$0x0] =	vst.idx.msk $0xffff, v34;
	v25 =	vand.u32 $0x3F8, v43  }
.Ltmp3:
0x295: {  	v42 =	vand.u32 $0x3E8, v45;
	v34 =	vand.u32 $0x3A8, v31;
	v31 =	vor.u32 v15, v33;
	v46 =	vld.idx.msk [tilespmem:v48+s12+$0x0], $0xffff;
	[tilespmem:v50+s15+$0x0] =	vst.idx.msk $0xffff, v41;
	(pc) =	sbr.rel @p0 .LBB2_9-.Ltmp3, $4  }
0x296: {  	v41 =	vor.u32 v17, v53;
	v35 =	vadd.f32 v35, v22;
	v50 =	vor.u32 v34, v32;
	v47 =	vld.idx.msk [tilespmem:v52+s12+$0x0], $0xffff  }
0x297: {  	v45 =	vor.u32 v9, v27;
	v49 =	vor.u32 v7, v29;
	v33 =	vmovc v27;
	v34 =	vor.u32 v14, v18  }
0x298: {  	s26 =	sadd.s32 $0x1, s25;
	v42 =	vor.u32 v42, v38;
	v52 =	vor.u32 v1, v53;
	v43 =	vand.u32 $0x3E8, v34;
	[tilespmem:v51+s15+$0x0] =	vst.idx.msk $0xffff, v35  }
0x299: {  	s25 =	sadd.s32 $0x2, s25;
	v27 =	vmovc v53;
	v34 =	vor.u32 v43, v40;
	v35 =	vadd.s32 s26, v0;
	v51 =	vadd.f32 v54, v26;
	v48 =	vld.idx.msk [tilespmem:v55+s12+$0x0], $0xffff  }
0x29a: {  	v53 =	vor.u32 $0x30, v35  }
0x29b: {  	v43 =	vand.u32 $0x3F, v53  }
0x29c: {  	v54 =	vor.u32 v17, v43  }
0x29d: {  	v55 =	vor.u32 v1, v43;
	_ =	sdelay $0x1  }
0x29e: {  	v52 =	vld.idx.msk [tilespmem:v52+s12+$0x0], $0xffff  }
0x29f: {  	v60 =	vand.u32 $0x388, v36;
	v17 =	vld.idx.msk [tilespmem:v41+s9+$0x0], $0xffff  }
0x2a0: {  	v37 =	vand.u32 $0x1C00, v37;
	v36 =	vshll.u32 v35, $0x7;
	v53 =	vshll.u32 v53, $0x7;
	v35 =	vld.idx.msk [tilespmem:v54+s9+$0x0], $0xffff  }
0x2a1: {  	v37 =	vor.u32 v2, v37;
	v62 =	vor.u32 v0, v36;
	v53 =	vand.u32 $0x1C00, v53;
	v61 =	vld.idx.msk [tilespmem:v55+s12+$0x0], $0xffff  }
0x2a2: {  	v56 =	vor.u32 v60, v37;
	v41 =	vor.u32 v2, v53;
	v55 =	vand.u32 $0x388, v62  }
0x2a3: {  	v63 =	vor.u32 v3, v27;
	v55 =	vor.u32 v55, v41  }
0x2a4: {  	v57 =	vor.u32 v3, v43  }
0x2a5: {  	v52 =	vadd.f32 v52, v17  }
0x2a6: {  	v54 =	vadd.f32 v61, v35  }
0x2a7: {  	[tilespmem:v56+s15+$0x0] =	vst.idx.msk $0xffff, v52  }
0x2a8: {  	v60 =	vor.u32 v4, v20;
	v52 =	vld.idx.msk [tilespmem:v63+s12+$0x0], $0xffff;
	[tilespmem:v55+s15+$0x0] =	vst.idx.msk $0xffff, v54  }
0x2a9: {  	v53 =	vand.u32 $0x398, v60;
	v61 =	vor.u32 v4, v36;
	v54 =	vld.idx.msk [tilespmem:v57+s12+$0x0], $0xffff  }
0x2aa: {  	v53 =	vor.u32 v53, v37;
	v55 =	vand.u32 $0x398, v61  }
0x2ab: {  	v62 =	vor.u32 v5, v27;
	v55 =	vor.u32 v55, v41  }
0x2ac: {  	v63 =	vor.u32 v5, v43  }
0x2ad: {  	v52 =	vadd.f32 v52, v17  }
0x2ae: {  	v54 =	vadd.f32 v54, v35  }
0x2af: {  	[tilespmem:v53+s15+$0x0] =	vst.idx.msk $0xffff, v52  }
0x2b0: {  	v44 =	vand.u32 $0x3B8, v44;
	v60 =	vor.u32 v6, v20;
	v52 =	vld.idx.msk [tilespmem:v62+s12+$0x0], $0xffff;
	[tilespmem:v55+s15+$0x0] =	vst.idx.msk $0xffff, v54  }
0x2b1: {  	v44 =	vor.u32 v44, v28;
	v61 =	vor.u32 v6, v36;
	v53 =	vand.u32 $0x3A8, v60;
	v54 =	vld.idx.msk [tilespmem:v63+s12+$0x0], $0xffff  }
0x2b2: {  	v53 =	vor.u32 v53, v37;
	v55 =	vand.u32 $0x3A8, v61  }
0x2b3: {  	v62 =	vor.u32 v7, v27;
	v55 =	vor.u32 v55, v41  }
0x2b4: {  	v48 =	vadd.f32 v48, v22;
	v63 =	vor.u32 v7, v43  }
0x2b5: {  	[tilespmem:v50+s15+$0x0] =	vst.idx.msk $0xffff, v51;
	v58 =	vadd.f32 v52, v17  }
0x2b6: {  	v59 =	vor.u32 v8, v30;
	v49 =	vld.idx.msk [tilespmem:v49+s12+$0x0], $0xffff;
	[tilespmem:v44+s15+$0x0] =	vst.idx.msk $0xffff, v48;
	v60 =	vadd.f32 v54, v35  }
0x2b7: {  	v39 =	vor.u32 v15, v39;
	v46 =	vadd.f32 v46, v24;
	v45 =	vld.idx.msk [tilespmem:v45+s12+$0x0], $0xffff;
	[tilespmem:v53+s15+$0x0] =	vst.idx.msk $0xffff, v58  }
0x2b8: {  	v21 =	vand.u32 $0x3C8, v21;
	v51 =	vand.u32 $0x3B8, v59;
	v61 =	vor.u32 v8, v20;
	v53 =	vld.idx.msk [tilespmem:v62+s12+$0x0], $0xffff;
	[tilespmem:v55+s15+$0x0] =	vst.idx.msk $0xffff, v60  }
0x2b9: {  	v59 =	vor.u32 v8, v36;
	v50 =	vor.u32 v51, v32;
	v51 =	vand.u32 $0x3B8, v61;
	v63 =	vld.idx.msk [tilespmem:v63+s12+$0x0], $0xffff  }
0x2ba: {  	v51 =	vor.u32 v51, v37;
	v62 =	vor.u32 v9, v29;
	v55 =	vand.u32 $0x3B8, v59  }
0x2bb: {  	v18 =	vor.u32 v16, v18;
	v60 =	vor.u32 v9, v27;
	v55 =	vor.u32 v55, v41  }
0x2bc: {  	v25 =	vor.u32 v25, v38;
	v44 =	vor.u32 v9, v43;
	v49 =	vadd.f32 v49, v26  }
0x2bd: {  	v47 =	vadd.f32 v47, v23;
	v21 =	vor.u32 v21, v28;
	v61 =	vadd.f32 v53, v17  }
0x2be: {  	[tilespmem:v50+s15+$0x0] =	vst.idx.msk $0xffff, v49;
	v45 =	vadd.f32 v45, v22;
	v63 =	vadd.f32 v63, v35  }
0x2bf: {  	v57 =	vor.u32 v11, v33;
	v49 =	vld.idx.msk [tilespmem:v62+s12+$0x0], $0xffff;
	v62 =	vor.u32 v10, v30;
	[tilespmem:v51+s15+$0x0] =	vst.idx.msk $0xffff, v61  }
0x2c0: {  	v18 =	vand.u32 $0x3F8, v18;
	v59 =	vor.u32 v10, v20;
	v50 =	vand.u32 $0x3C8, v62;
	v51 =	vld.idx.msk [tilespmem:v60+s12+$0x0], $0xffff;
	[tilespmem:v55+s15+$0x0] =	vst.idx.msk $0xffff, v63  }
0x2c1: {  	v58 =	vor.u32 v50, v32;
	v50 =	vand.u32 $0x3C8, v59;
	v61 =	vor.u32 v10, v36;
	v44 =	vld.idx.msk [tilespmem:v44+s12+$0x0], $0xffff  }
0x2c2: {  	v50 =	vor.u32 v50, v37;
	v54 =	vand.u32 $0x3C8, v61;
	v60 =	vor.u32 v11, v29  }
0x2c3: {  	v18 =	vor.u32 v18, v40;
	v62 =	vor.u32 v11, v27;
	v54 =	vor.u32 v54, v41  }
0x2c4: {  	[tilespmem:v21+s15+$0x0] =	vst.idx.msk $0xffff, v45;
	v21 =	vor.u32 v11, v43;
	v49 =	vadd.f32 v49, v26  }
0x2c5: {  	v53 =	vor.u32 v13, v33;
	v59 =	vor.u32 v12, v20;
	v56 =	vadd.f32 v51, v17  }
0x2c6: {  	v45 =	vld.idx.msk [tilespmem:v57+s12+$0x0], $0xffff;
	v63 =	vor.u32 v12, v19;
	[tilespmem:v58+s15+$0x0] =	vst.idx.msk $0xffff, v49;
	v44 =	vadd.f32 v44, v35  }
0x2c7: {  	v58 =	vor.u32 v12, v30;
	v57 =	vand.u32 $0x3D8, v63;
	v49 =	vld.idx.msk [tilespmem:v60+s12+$0x0], $0xffff;
	[tilespmem:v50+s15+$0x0] =	vst.idx.msk $0xffff, v56  }
0x2c8: {  	v52 =	vand.u32 $0x3D8, v58;
	v51 =	vor.u32 v57, v28;
	v50 =	vld.idx.msk [tilespmem:v62+s12+$0x0], $0xffff;
	[tilespmem:v54+s15+$0x0] =	vst.idx.msk $0xffff, v44  }
0x2c9: {  	v61 =	vor.u32 v12, v36;
	v48 =	vor.u32 v52, v32;
	v52 =	vand.u32 $0x3D8, v59;
	v21 =	vld.idx.msk [tilespmem:v21+s12+$0x0], $0xffff  }
0x2ca: {  	[tilespmem:v42+s15+$0x0] =	vst.idx.msk $0xffff, v46;
	v55 =	vand.u32 $0x3D8, v61;
	v60 =	vor.u32 v13, v29;
	v63 =	vor.u32 v52, v37  }
0x2cb: {  	v46 =	vor.u32 v55, v41;
	v56 =	vor.u32 v13, v27;
	v62 =	vadd.f32 v45, v22  }
0x2cc: {  	v58 =	vor.u32 v14, v19;
	v57 =	vor.u32 v13, v43;
	v49 =	vadd.f32 v49, v26  }
0x2cd: {  	v31 =	vld.idx.msk [tilespmem:v31+s12+$0x0], $0xffff;
	v40 =	vand.u32 $0x3E8, v58;
	[tilespmem:v51+s15+$0x0] =	vst.idx.msk $0xffff, v62;
	v50 =	vadd.f32 v50, v17  }
0x2ce: {  	v59 =	vor.u32 v15, v33;
	v51 =	vld.idx.msk [tilespmem:v53+s12+$0x0], $0xffff;
	[tilespmem:v48+s15+$0x0] =	vst.idx.msk $0xffff, v49;
	v21 =	vadd.f32 v21, v35  }
0x2cf: {  	v40 =	vor.u32 v40, v28;
	v44 =	vld.idx.msk [tilespmem:v60+s12+$0x0], $0xffff;
	v60 =	vor.u32 v14, v30;
	[tilespmem:v63+s15+$0x0] =	vst.idx.msk $0xffff, v50  }
0x2d0: {  	v62 =	vor.u32 v14, v20;
	v61 =	vand.u32 $0x3E8, v60;
	v38 =	vld.idx.msk [tilespmem:v56+s12+$0x0], $0xffff;
	[tilespmem:v46+s15+$0x0] =	vst.idx.msk $0xffff, v21  }
0x2d1: {  	v48 =	vor.u32 v14, v36;
	v63 =	vand.u32 $0x3E8, v62;
	v21 =	vor.u32 v61, v32;
	v42 =	vld.idx.msk [tilespmem:v57+s12+$0x0], $0xffff  }
0x2d2: {  	[tilespmem:v34+s15+$0x0] =	vst.idx.msk $0xffff, v47;
	v29 =	vor.u32 v15, v29;
	v50 =	vand.u32 $0x3E8, v48;
	v49 =	vor.u32 v63, v37  }
0x2d3: {  	v27 =	vor.u32 v15, v27;
	v52 =	vadd.f32 v51, v22;
	v45 =	vor.u32 v50, v41  }
0x2d4: {  	v24 =	vadd.f32 v31, v24;
	v43 =	vor.u32 v15, v43;
	v31 =	vadd.f32 v44, v26  }
0x2d5: {  	v39 =	vld.idx.msk [tilespmem:v39+s12+$0x0], $0xffff;
	v19 =	vor.u32 v16, v19;
	[tilespmem:v40+s15+$0x0] =	vst.idx.msk $0xffff, v52;
	v38 =	vadd.f32 v38, v17  }
0x2d6: {  	v19 =	vand.u32 $0x3F8, v19;
	v33 =	vld.idx.msk [tilespmem:v59+s12+$0x0], $0xffff;
	[tilespmem:v21+s15+$0x0] =	vst.idx.msk $0xffff, v31;
	v21 =	vadd.f32 v42, v35  }
0x2d7: {  	v19 =	vor.u32 v19, v28;
	v30 =	vor.u32 v16, v30;
	[tilespmem:v49+s15+$0x0] =	vst.idx.msk $0xffff, v38;
	v29 =	vld.idx.msk [tilespmem:v29+s12+$0x0], $0xffff  }
0x2d8: {  	v20 =	vor.u32 v16, v20;
	v28 =	vand.u32 $0x3F8, v30;
	v27 =	vld.idx.msk [tilespmem:v27+s12+$0x0], $0xffff;
	[tilespmem:v45+s15+$0x0] =	vst.idx.msk $0xffff, v21  }
0x2d9: {  	v20 =	vand.u32 $0x3F8, v20;
	v30 =	vor.u32 v16, v36;
	v21 =	vor.u32 v28, v32;
	v28 =	vld.idx.msk [tilespmem:v43+s12+$0x0], $0xffff  }
0x2da: {  	v23 =	vadd.f32 v39, v23;
	v20 =	vor.u32 v20, v37;
	v30 =	vand.u32 $0x3F8, v30  }
0x2db: {  	[tilespmem:v25+s15+$0x0] =	vst.idx.msk $0xffff, v24;
	v24 =	vor.u32 v30, v41;
	v22 =	vadd.f32 v33, v22  }
0x2dc: {  	[tilespmem:v18+s15+$0x0] =	vst.idx.msk $0xffff, v23;
	v18 =	vadd.f32 v29, v26  }
0x2dd: {  	s25 =	sshll.u32 s23, $0x13;
	[tilespmem:v19+s15+$0x0] =	vst.idx.msk $0xffff, v22;
	v17 =	vadd.f32 v27, v17  }
0x2de: {  	s25 =	sor.u32 s7, s25;
	[tilespmem:v21+s15+$0x0] =	vst.idx.msk $0xffff, v18;
	v18 =	vadd.f32 v28, v35  }
0x2df: {  	s25 =	sshrl.u32 s25, $0x3;
	[tilespmem:v20+s15+$0x0] =	vst.idx.msk $0xffff, v17  }
0x2e0: {  	p0 =	seq.s32 s23, $0x63;
	s25 =	sadd.s32 s2, s25;
	[tilespmem:v24+s15+$0x0] =	vst.idx.msk $0xffff, v18  }
0x2e1: {  	[hbm4b:s25+s16] =	stream.strided.scatter [tilespmem:s15], [sflag:$0x3], $0x2000, s17, s16, $0x38;
	[tilespmem:$0x11600] =	vst v63  }
0x2e2: {  	v17 =	vmov s24;
	s25 =	simm.s32 @!p0 $0x3  }
0x2e3: {  	s26 =	simm.s32 $0x0;
	v17 =	vshll.u32 v17, $0x6;
	_ =	swait.ge @!p0 [sflag:s25], $0x2000  }
0x2e4: {  	s28 =	sshll.u32 @!p0 s23, $0x8;
	v21 =	vadd.s32 s26, v0;
	v17 =	vbroadcast v17, $0x0;
	[sflag:s25] =	ssyncset.done @!p0 $0x0  }
0x2e5: {  	s31 =	simm.s32 $0x1;
	v20 =	vand.u32 $0xF, v21;
	[sflag:s25] =	ssyncadd.s32 @!p0 $0xFFFFE000;
	s25 =	sand.u32 @!p0 $0x3FFFFF00, s28  }
0x2e6: {  	v25 =	vadd.s32 s31, v0;
	s26 =	simm.s32 @!p0 $0x6400;
	v18 =	vor.u32 v17, v20;
	s28 =	simm.s32 @!p0 $0x80;
	s25 =	sadd.s32 @!p0 $0x100, s25  }
0x2e7: {  	v23 =	vand.u32 $0xF, v25;
	v19 =	vor.u32 v1, v20;
	[tilespmem:s26], [sflag:$0x1] =	stream.indirect.gather @!p0 [hbm4b:s4+s28], $0x40, s25, s28, $0xb8;
	[tilespmem:$0x11600] =	vst v63  }
0x2e8: {  	v22 =	vor.u32 v17, v23;
	_ =	swait.ge [sflag:s18], $0x2000  }
0x2e9: {  	v24 =	vor.u32 v1, v23;
	[sflag:s18] =	ssyncset.done $0x0  }
0x2ea: {  	[tilespmem:$0x1FD10] =	vst v21;
	[sflag:s18] =	ssyncadd.s32 $0xFFFFE000  }
0x2eb: {  	v21 =	vshll.u32 v21, $0x7;
	v40 =	vld.idx.msk [tilespmem:v18+s9+$0x0], $0xffff  }
0x2ec: {  	v18 =	vor.u32 v0, v21;
	v19 =	vld.idx.msk [tilespmem:v19+s13+$0x0], $0xffff  }
0x2ed: {  	v26 =	vand.u32 $0x400, v21;
	v42 =	vld.idx.msk [tilespmem:v22+s9+$0x0], $0xffff;
	[tilespmem:$0x1FD20] =	vst v25;
	v27 =	vand.u32 $0x388, v18;
	v18 =	vshll.u32 v25, $0x7  }
0x2ee: {  	v39 =	vor.u32 v2, v26;
	v22 =	vld.idx.msk [tilespmem:v24+s13+$0x0], $0xffff;
	v24 =	vor.u32 v0, v18;
	v26 =	vand.u32 $0x400, v18  }
0x2ef: {  	v27 =	vor.u32 v27, v39;
	v25 =	vand.u32 $0x388, v24;
	v41 =	vor.u32 v2, v26  }
0x2f0: {  	v24 =	vor.u32 v3, v20;
	v26 =	vor.u32 v25, v41  }
0x2f1: {  	v28 =	vor.u32 v3, v23  }
0x2f2: {  	v19 =	vadd.f32 v19, v40  }
0x2f3: {  	[tilespmem:$0x1FD30] =	vst v25;
	v22 =	vadd.f32 v22, v42  }
0x2f4: {  	[tilespmem:v27+s19+$0x0] =	vst.idx.msk $0xffff, v19  }
0x2f5: {  	v19 =	vld.idx.msk [tilespmem:v24+s13+$0x0], $0xffff;
	v24 =	vor.u32 v4, v21;
	[tilespmem:v26+s19+$0x0] =	vst.idx.msk $0xffff, v22  }
0x2f6: {  	v25 =	vand.u32 $0x398, v24;
	v24 =	vor.u32 v4, v18;
	v22 =	vld.idx.msk [tilespmem:v28+s13+$0x0], $0xffff  }
0x2f7: {  	[tilespmem:$0x1FD40] =	vst v25;
	v26 =	vor.u32 v25, v39;
	v25 =	vand.u32 $0x398, v24  }
0x2f8: {  	v24 =	vor.u32 v5, v20;
	v27 =	vor.u32 v25, v41  }
0x2f9: {  	v28 =	vor.u32 v5, v23  }
0x2fa: {  	v19 =	vadd.f32 v19, v40  }
0x2fb: {  	[tilespmem:$0x1FD50] =	vst v25;
	v22 =	vadd.f32 v22, v42  }
0x2fc: {  	[tilespmem:v26+s19+$0x0] =	vst.idx.msk $0xffff, v19  }
0x2fd: {  	v19 =	vld.idx.msk [tilespmem:v24+s13+$0x0], $0xffff;
	v24 =	vor.u32 v6, v21;
	[tilespmem:v27+s19+$0x0] =	vst.idx.msk $0xffff, v22  }
0x2fe: {  	v25 =	vand.u32 $0x3A8, v24;
	v24 =	vor.u32 v6, v18;
	v22 =	vld.idx.msk [tilespmem:v28+s13+$0x0], $0xffff  }
0x2ff: {  	[tilespmem:$0x1FD60] =	vst v25;
	v26 =	vor.u32 v25, v39;
	v25 =	vand.u32 $0x3A8, v24  }
0x300: {  	s29 =	simm.s32 $0x2;
	v24 =	vor.u32 v7, v20;
	v27 =	vor.u32 v25, v41  }
0x301: {  	v53 =	vadd.s32 s29, v0;
	v28 =	vor.u32 v7, v23  }
0x302: {  	v46 =	vand.u32 $0xF, v53;
	v19 =	vadd.f32 v19, v40  }
0x303: {  	s30 =	simm.s32 $0x3;
	v29 =	vor.u32 v17, v46;
	[tilespmem:$0x1FD70] =	vst v25;
	v30 =	vadd.f32 v22, v42  }
0x304: {  	v54 =	vor.u32 v1, v46;
	v57 =	vor.u32 v9, v23;
	v22 =	vadd.s32 s30, v0;
	[tilespmem:v26+s19+$0x0] =	vst.idx.msk $0xffff, v19  }
0x305: {  	v19 =	vor.u32 v8, v21;
	v45 =	vand.u32 $0xF, v22;
	v24 =	vld.idx.msk [tilespmem:v24+s13+$0x0], $0xffff;
	[tilespmem:v27+s19+$0x0] =	vst.idx.msk $0xffff, v30  }
0x306: {  	v25 =	vand.u32 $0x3B8, v19;
	v26 =	vor.u32 v17, v45;
	v30 =	vor.u32 v8, v18;
	v27 =	vld.idx.msk [tilespmem:v28+s13+$0x0], $0xffff;
	[tilespmem:$0x1FD80] =	vst v53  }
0x307: {  	v55 =	vor.u32 v25, v39;
	v28 =	vor.u32 v1, v45;
	[tilespmem:$0x1FD90] =	vst v25;
	v25 =	vand.u32 $0x3B8, v30  }
0x308: {  	v31 =	vor.u32 v9, v20;
	v19 =	vshll.u32 v53, $0x7;
	v49 =	vshll.u32 v22, $0x7;
	v43 =	vld.idx.msk [tilespmem:v29+s9+$0x0], $0xffff;
	[tilespmem:$0x1FDA0] =	vst v25  }
0x309: {  	v56 =	vand.u32 $0x400, v19;
	v30 =	vor.u32 v0, v19;
	v29 =	vor.u32 v25, v41;
	v32 =	vld.idx.msk [tilespmem:v54+s13+$0x0], $0xffff  }
0x30a: {  	v47 =	vor.u32 v2, v56;
	v30 =	vand.u32 $0x388, v30;
	v24 =	vadd.f32 v24, v40  }
0x30b: {  	v59 =	vor.u32 v3, v46;
	v58 =	vand.u32 $0x400, v49;
	v30 =	vor.u32 v30, v47;
	v44 =	vld.idx.msk [tilespmem:v26+s9+$0x0], $0xffff  }
0x30c: {  	v26 =	vld.idx.msk [tilespmem:v28+s13+$0x0], $0xffff;
	v27 =	vadd.f32 v27, v42;
	v28 =	vor.u32 v0, v49;
	[tilespmem:v55+s19+$0x0] =	vst.idx.msk $0xffff, v24  }
0x30d: {  	v48 =	vor.u32 v2, v58;
	v24 =	vand.u32 $0x388, v28;
	v28 =	vor.u32 v10, v21;
	v31 =	vld.idx.msk [tilespmem:v31+s13+$0x0], $0xffff  }
0x30e: {  	[tilespmem:v29+s19+$0x0] =	vst.idx.msk $0xffff, v27;
	v24 =	vor.u32 v24, v48;
	v27 =	vadd.f32 v32, v43;
	v25 =	vand.u32 $0x3C8, v28  }
0x30f: {  	v28 =	vor.u32 v10, v18;
	v29 =	vld.idx.msk [tilespmem:v57+s13+$0x0], $0xffff;
	[tilespmem:$0x1FDB0] =	vst v25  }
0x310: {  	v60 =	vor.u32 v3, v45;
	v62 =	vor.u32 v4, v19;
	v28 =	vand.u32 $0x3C8, v28;
	[tilespmem:v30+s19+$0x0] =	vst.idx.msk $0xffff, v27  }
0x311: {  	v61 =	vor.u32 v25, v39;
	v27 =	vor.u32 v28, v41;
	v26 =	vadd.f32 v26, v44;
	v28 =	vld.idx.msk [tilespmem:v59+s13+$0x0], $0xffff  }
0x312: {  	v25 =	vand.u32 $0x398, v62;
	v30 =	vor.u32 v11, v20  }
0x313: {  	[tilespmem:v24+s19+$0x0] =	vst.idx.msk $0xffff, v26;
	v26 =	vor.u32 v25, v47  }
0x314: {  	v63 =	vor.u32 v11, v23;
	v24 =	vadd.f32 v31, v40;
	[tilespmem:$0x1FDC0] =	vst v25  }
0x315: {  	v50 =	vor.u32 v5, v46;
	v51 =	vor.u32 v4, v49;
	v29 =	vadd.f32 v29, v42;
	v31 =	vld.idx.msk [tilespmem:v60+s13+$0x0], $0xffff  }
0x316: {  	v52 =	vor.u32 v5, v45;
	[tilespmem:v61+s19+$0x0] =	vst.idx.msk $0xffff, v24;
	v24 =	vand.u32 $0x398, v51;
	v28 =	vadd.f32 v28, v43  }
0x317: {  	[tilespmem:v27+s19+$0x0] =	vst.idx.msk $0xffff, v29;
	v27 =	vld.idx.msk [tilespmem:v30+s13+$0x0], $0xffff;
	v24 =	vor.u32 v24, v48;
	v29 =	vor.u32 v12, v21  }
0x318: {  	v54 =	vor.u32 v15, v20;
	v62 =	vor.u32 v13, v20;
	v60 =	vand.u32 $0x3D8, v29;
	[tilespmem:v26+s19+$0x0] =	vst.idx.msk $0xffff, v28  }
0x319: {  	v30 =	vld.idx.msk [tilespmem:v63+s13+$0x0], $0xffff;
	v29 =	vor.u32 v12, v18;
	v26 =	vor.u32 v60, v39;
	[tilespmem:$0x1FDD0] =	vst v60  }
0x31a: {  	v20 =	vor.u32 v6, v19;
	v28 =	vand.u32 $0x3D8, v29;
	v29 =	vadd.f32 v31, v44;
	v35 =	vld.idx.msk [tilespmem:v50+s13+$0x0], $0xffff  }
0x31b: {  	v34 =	vor.u32 v7, v46;
	v63 =	vor.u32 v28, v41;
	v28 =	vand.u32 $0x3A8, v20  }
0x31c: {  	v20 =	vadd.f32 v27, v40;
	[tilespmem:v24+s19+$0x0] =	vst.idx.msk $0xffff, v29;
	v24 =	vor.u32 v28, v47  }
0x31d: {  	s31 =	simm.s32 $0x4;
	v53 =	vor.u32 v16, v21;
	v56 =	vor.u32 v10, v19;
	v57 =	vor.u32 v9, v46;
	[tilespmem:$0x1FDE0] =	vst v28  }
0x31e: {  	v25 =	vadd.s32 s31, v0;
	v50 =	vor.u32 v13, v23;
	v27 =	vadd.f32 v30, v42;
	[tilespmem:v26+s19+$0x0] =	vst.idx.msk $0xffff, v20  }
0x31f: {  	v61 =	vor.u32 v14, v21;
	v29 =	vld.idx.msk [tilespmem:v52+s13+$0x0], $0xffff;
	[tilespmem:$0x1FDF0] =	vst v25;
	v59 =	vadd.f32 v35, v43  }
0x320: {  	v51 =	vand.u32 $0xF, v25;
	v31 =	vor.u32 v8, v19;
	v28 =	vor.u32 v6, v49;
	[tilespmem:v63+s19+$0x0] =	vst.idx.msk $0xffff, v27  }
0x321: {  	v20 =	vshll.u32 v25, $0x7;
	v26 =	vand.u32 $0x3A8, v28;
	v25 =	vand.u32 $0x3E8, v61;
	[tilespmem:v24+s19+$0x0] =	vst.idx.msk $0xffff, v59  }
0x322: {  	v28 =	vor.u32 v17, v51;
	v36 =	vor.u32 v26, v48;
	v58 =	vld.idx.msk [tilespmem:v62+s13+$0x0], $0xffff;
	[tilespmem:$0x1FE00] =	vst v25  }
0x323: {  	v23 =	vor.u32 v15, v23;
	v35 =	vor.u32 v7, v45;
	v26 =	vor.u32 v14, v18;
	v59 =	vld.idx.msk [tilespmem:v50+s13+$0x0], $0xffff  }
0x324: {  	v62 =	vor.u32 v1, v51;
	v60 =	vor.u32 v25, v39;
	v24 =	vand.u32 $0x3E8, v26  }
0x325: {  	s25 =	simm.s32 $0x5;
	v55 =	vmovc v19;
	v30 =	vor.u32 v3, v51;
	v63 =	vor.u32 v24, v41;
	v37 =	vadd.f32 v29, v44  }
0x326: {  	s26 =	simm.s32 $0x6;
	v52 =	vmovc v18;
	v38 =	vor.u32 v0, v20;
	v27 =	vadd.s32 s25, v0;
	v24 =	vand.u32 $0x400, v20;
	v34 =	vld.idx.msk [tilespmem:v34+s13+$0x0], $0xffff;
	v50 =	vmovc v20  }
.LBB2_11:
0x327: {  	p0 =	slt.u32 s26, $0xE;
	v28 =	vld.idx.msk [tilespmem:v28+s9+$0x0], $0xffff;
	v26 =	vand.u32 $0xF, v27;
	v29 =	vand.u32 $0x3B8, v31;
	[tilespmem:v36+s19+$0x0] =	vst.idx.msk $0xffff, v37;
	v31 =	vadd.f32 v58, v40  }
0x328: {  	v37 =	vadd.f32 v59, v42;
	v36 =	vor.u32 v17, v26;
	v29 =	vor.u32 v29, v47;
	v35 =	vld.idx.msk [tilespmem:v35+s13+$0x0], $0xffff  }
0x329: {  	v61 =	vor.u32 v8, v49;
	v59 =	vor.u32 v1, v26;
	v58 =	vld.idx.msk [tilespmem:v62+s13+$0x0], $0xffff;
	[tilespmem:v60+s19+$0x0] =	vst.idx.msk $0xffff, v31  }
0x32a: {  	v53 =	vand.u32 $0x3F8, v53;
	v31 =	vand.u32 $0x388, v38;
	v38 =	vand.u32 $0x3B8, v61;
	v54 =	vld.idx.msk [tilespmem:v54+s13+$0x0], $0xffff;
	[tilespmem:v63+s19+$0x0] =	vst.idx.msk $0xffff, v37  }
0x32b: {  	v24 =	vor.u32 v2, v24;
	v34 =	vadd.f32 v34, v43;
	v37 =	vor.u32 v38, v48;
	v23 =	vld.idx.msk [tilespmem:v23+s13+$0x0], $0xffff  }
0x32c: {  	v60 =	vor.u32 v16, v52;
	v52 =	vmovc v49;
	v31 =	vor.u32 v31, v24;
	v38 =	vor.u32 v9, v45  }
0x32d: {  	v36 =	vld.idx.msk [tilespmem:v36+s9+$0x0], $0xffff;
	[tilespmem:v29+s19+$0x0] =	vst.idx.msk $0xffff, v34;
	v29 =	vor.u32 v53, v39;
	v34 =	vand.u32 $0x3F8, v60;
	v39 =	vmov v47  }
0x32e: {  	v49 =	vshll.u32 v27, $0x7;
	v35 =	vadd.f32 v35, v44;
	v47 =	vmovc v24;
	v27 =	vld.idx.msk [tilespmem:v59+s13+$0x0], $0xffff;
	v34 =	vor.u32 v34, v41  }
0x32f: {  	v53 =	vor.u32 v0, v49;
	v24 =	vadd.f32 v58, v28;
	v58 =	vand.u32 $0x400, v49;
	v41 =	vmovc v48;
	v57 =	vld.idx.msk [tilespmem:v57+s13+$0x0], $0xffff  }
0x330: {  	v53 =	vand.u32 $0x388, v53;
	v48 =	vor.u32 v2, v58;
	[tilespmem:v37+s19+$0x0] =	vst.idx.msk $0xffff, v35;
	v35 =	vadd.f32 v54, v40  }
0x331: {  	v23 =	vadd.f32 v23, v42;
	[tilespmem:v31+s19+$0x0] =	vst.idx.msk $0xffff, v24;
	v24 =	vor.u32 v53, v48;
	v31 =	vld.idx.msk [tilespmem:v38+s13+$0x0], $0xffff  }
0x332: {  	v25 =	vor.u32 v10, v52;
	v37 =	vor.u32 v3, v26;
	v38 =	vand.u32 $0x3C8, v56;
	[tilespmem:v29+s19+$0x0] =	vst.idx.msk $0xffff, v35  }
0x333: {  	v40 =	vmovc v43;
	v43 =	vmov v28;
	v29 =	vor.u32 v38, v39;
	v35 =	vand.u32 $0x3C8, v25;
	[tilespmem:v34+s19+$0x0] =	vst.idx.msk $0xffff, v23  }
0x334: {  	v28 =	vor.u32 v11, v46;
	v27 =	vadd.f32 v27, v36;
	v23 =	vld.idx.msk [tilespmem:v30+s13+$0x0], $0xffff;
	v30 =	vor.u32 v35, v41  }
0x335: {  	v42 =	vmovc v44;
	v44 =	vmov v36;
	v34 =	vor.u32 v4, v50;
	v35 =	vor.u32 v11, v45  }
0x336: {  	v34 =	vand.u32 $0x398, v34;
	[tilespmem:v24+s19+$0x0] =	vst.idx.msk $0xffff, v27;
	v24 =	vadd.f32 v57, v40  }
0x337: {  	v53 =	vor.u32 v16, v55;
	v27 =	vor.u32 v34, v47;
	v31 =	vadd.f32 v31, v42;
	v34 =	vld.idx.msk [tilespmem:v37+s13+$0x0], $0xffff  }
0x338: {  	v36 =	vor.u32 v5, v51;
	v37 =	vor.u32 v4, v49;
	[tilespmem:v29+s19+$0x0] =	vst.idx.msk $0xffff, v24  }
0x339: {  	v54 =	vor.u32 v15, v46;
	v24 =	vadd.s32 s26, v0;
	v29 =	vand.u32 $0x398, v37;
	v28 =	vld.idx.msk [tilespmem:v28+s13+$0x0], $0xffff;
	[tilespmem:v30+s19+$0x0] =	vst.idx.msk $0xffff, v31  }
0x33a: {  	v23 =	vadd.f32 v23, v43;
	v29 =	vor.u32 v29, v48;
	v30 =	vor.u32 v12, v55;
	v35 =	vld.idx.msk [tilespmem:v35+s13+$0x0], $0xffff  }
0x33b: {  	v37 =	vor.u32 v5, v26;
	v31 =	vor.u32 v12, v52;
	v30 =	vand.u32 $0x3D8, v30  }
0x33c: {  	[tilespmem:v27+s19+$0x0] =	vst.idx.msk $0xffff, v23;
	v23 =	vor.u32 v30, v39;
	v27 =	vor.u32 v14, v55;
	v30 =	vand.u32 $0x3D8, v31  }
0x33d: {  	v31 =	vadd.f32 v34, v44;
	v34 =	vor.u32 v13, v46;
	v36 =	vld.idx.msk [tilespmem:v36+s13+$0x0], $0xffff;
	v38 =	vor.u32 v30, v41  }
0x33e: {  	v56 =	vor.u32 v10, v50;
	v55 =	vor.u32 v13, v45;
	v46 =	vmovc v51;
	v30 =	vor.u32 v6, v50  }
0x33f: {  	v57 =	vor.u32 v9, v46;
	v30 =	vand.u32 $0x3A8, v30;
	v28 =	vadd.f32 v28, v40;
	[tilespmem:v29+s19+$0x0] =	vst.idx.msk $0xffff, v31  }
0x340: {  	v29 =	vor.u32 v30, v47;
	v31 =	vor.u32 v8, v50;
	v35 =	vadd.f32 v35, v42;
	v37 =	vld.idx.msk [tilespmem:v37+s13+$0x0], $0xffff  }
0x341: {  	v58 =	vor.u32 v6, v49;
	v51 =	vand.u32 $0xF, v24;
	v61 =	vor.u32 v7, v46;
	[tilespmem:v23+s19+$0x0] =	vst.idx.msk $0xffff, v28  }
0x342: {  	v30 =	vor.u32 v3, v51;
	v23 =	vshll.u32 v24, $0x7;
	v24 =	vand.u32 $0x3A8, v58;
	v58 =	vld.idx.msk [tilespmem:v34+s13+$0x0], $0xffff;
	[tilespmem:v38+s19+$0x0] =	vst.idx.msk $0xffff, v35  }
.Ltmp4:
0x343: {  	v28 =	vor.u32 v17, v51;
	v34 =	vadd.f32 v36, v43;
	v36 =	vor.u32 v24, v48;
	v59 =	vld.idx.msk [tilespmem:v55+s13+$0x0], $0xffff;
	(pc) =	sbr.rel @p0 .LBB2_11-.Ltmp4, $4  }
0x344: {  	v35 =	vor.u32 v7, v26;
	v24 =	vand.u32 $0x3E8, v27;
	v27 =	vor.u32 v14, v52;
	v55 =	vmovc v50;
	v50 =	vmovc v23  }
0x345: {  	v62 =	vor.u32 v1, v51;
	v60 =	vor.u32 v24, v39;
	v23 =	vand.u32 $0x3E8, v27;
	[tilespmem:v29+s19+$0x0] =	vst.idx.msk $0xffff, v34  }
0x346: {  	s28 =	sadd.s32 $0x1, s26;
	v38 =	vor.u32 v0, v50;
	v63 =	vor.u32 v23, v41;
	v37 =	vadd.f32 v37, v44;
	v34 =	vld.idx.msk [tilespmem:v61+s13+$0x0], $0xffff  }
0x347: {  	s26 =	sadd.s32 $0x2, s26;
	v27 =	vadd.s32 s28, v0;
	v24 =	vand.u32 $0x400, v50;
	v23 =	vor.u32 v15, v45;
	v45 =	vmovc v26  }
0x348: {  	v29 =	vand.u32 $0xF, v27  }
0x349: {  	v25 =	vor.u32 v17, v29  }
0x34a: {  	v32 =	vor.u32 v1, v29;
	_ =	sdelay $0x1  }
0x34b: {  	v61 =	vld.idx.msk [tilespmem:v28+s9+$0x0], $0xffff  }
0x34c: {  	v33 =	vld.idx.msk [tilespmem:v62+s13+$0x0], $0xffff  }
0x34d: {  	v28 =	vand.u32 $0x388, v38;
	v26 =	vor.u32 v2, v24;
	v27 =	vshll.u32 v27, $0x7;
	v62 =	vld.idx.msk [tilespmem:v25+s9+$0x0], $0xffff  }
0x34e: {  	v24 =	vor.u32 v28, v26;
	v28 =	vor.u32 v0, v27;
	v25 =	vld.idx.msk [tilespmem:v32+s13+$0x0], $0xffff;
	v32 =	vand.u32 $0x400, v27  }
0x34f: {  	v38 =	vand.u32 $0x388, v28;
	v28 =	vor.u32 v2, v32  }
0x350: {  	v32 =	vor.u32 v38, v28  }
0x351: {  	v33 =	vadd.f32 v33, v61;
	v38 =	vor.u32 v3, v29;
	_ =	sdelay $0x1  }
0x352: {  	[tilespmem:v24+s19+$0x0] =	vst.idx.msk $0xffff, v33;
	v24 =	vadd.f32 v25, v62  }
0x353: {  	v25 =	vld.idx.msk [tilespmem:v30+s13+$0x0], $0xffff;
	v30 =	vor.u32 v4, v50  }
0x354: {  	v30 =	vand.u32 $0x398, v30;
	[tilespmem:v32+s19+$0x0] =	vst.idx.msk $0xffff, v24  }
0x355: {  	v24 =	vor.u32 v30, v26;
	v30 =	vld.idx.msk [tilespmem:v38+s13+$0x0], $0xffff;
	v38 =	vor.u32 v4, v27  }
0x356: {  	v33 =	vor.u32 v5, v51;
	v32 =	vand.u32 $0x398, v38  }
0x357: {  	v32 =	vor.u32 v32, v28  }
0x358: {  	v38 =	vor.u32 v5, v29;
	v25 =	vadd.f32 v25, v61;
	_ =	sdelay $0x1  }
0x359: {  	[tilespmem:v24+s19+$0x0] =	vst.idx.msk $0xffff, v25;
	v24 =	vadd.f32 v30, v62  }
0x35a: {  	v25 =	vld.idx.msk [tilespmem:v33+s13+$0x0], $0xffff;
	v30 =	vor.u32 v6, v50  }
0x35b: {  	v30 =	vand.u32 $0x3A8, v30;
	[tilespmem:v32+s19+$0x0] =	vst.idx.msk $0xffff, v24  }
0x35c: {  	v24 =	vor.u32 v30, v26;
	v30 =	vld.idx.msk [tilespmem:v38+s13+$0x0], $0xffff;
	v38 =	vor.u32 v6, v27  }
0x35d: {  	v33 =	vor.u32 v7, v51;
	v32 =	vand.u32 $0x3A8, v38  }
0x35e: {  	v32 =	vor.u32 v32, v28  }
0x35f: {  	[tilespmem:v36+s19+$0x0] =	vst.idx.msk $0xffff, v37;
	v36 =	vor.u32 v7, v29;
	v25 =	vadd.f32 v25, v61  }
0x360: {  	v31 =	vand.u32 $0x3B8, v31;
	v37 =	vor.u32 v8, v49;
	v35 =	vld.idx.msk [tilespmem:v35+s13+$0x0], $0xffff  }
0x361: {  	v31 =	vor.u32 v31, v47;
	v37 =	vand.u32 $0x3B8, v37;
	[tilespmem:v24+s19+$0x0] =	vst.idx.msk $0xffff, v25;
	v24 =	vadd.f32 v30, v62  }
0x362: {  	v25 =	vor.u32 v37, v48;
	v30 =	vor.u32 v8, v50;
	v33 =	vld.idx.msk [tilespmem:v33+s13+$0x0], $0xffff  }
0x363: {  	v37 =	vor.u32 v9, v45;
	v30 =	vand.u32 $0x3B8, v30;
	[tilespmem:v32+s19+$0x0] =	vst.idx.msk $0xffff, v24  }
0x364: {  	v24 =	vadd.f32 v34, v43;
	v30 =	vor.u32 v30, v26;
	v34 =	vor.u32 v8, v27;
	v32 =	vld.idx.msk [tilespmem:v36+s13+$0x0], $0xffff  }
0x365: {  	v35 =	vadd.f32 v35, v44;
	v36 =	vor.u32 v9, v51;
	v34 =	vand.u32 $0x3B8, v34  }
0x366: {  	[tilespmem:v31+s19+$0x0] =	vst.idx.msk $0xffff, v24;
	v24 =	vor.u32 v34, v28  }
0x367: {  	[tilespmem:v25+s19+$0x0] =	vst.idx.msk $0xffff, v35;
	v31 =	vld.idx.msk [tilespmem:v57+s13+$0x0], $0xffff;
	v25 =	vadd.f32 v33, v61;
	v33 =	vor.u32 v9, v29  }
0x368: {  	v34 =	vld.idx.msk [tilespmem:v37+s13+$0x0], $0xffff;
	v57 =	vand.u32 $0x3C8, v56;
	v56 =	vor.u32 v10, v49  }
0x369: {  	v35 =	vor.u32 v57, v47;
	v37 =	vand.u32 $0x3C8, v56;
	[tilespmem:v30+s19+$0x0] =	vst.idx.msk $0xffff, v25;
	v25 =	vadd.f32 v32, v62  }
0x36a: {  	v57 =	vor.u32 v10, v50;
	v32 =	vor.u32 v37, v48;
	v36 =	vld.idx.msk [tilespmem:v36+s13+$0x0], $0xffff  }
0x36b: {  	v30 =	vor.u32 v11, v46;
	[tilespmem:v24+s19+$0x0] =	vst.idx.msk $0xffff, v25;
	v24 =	vand.u32 $0x3C8, v57  }
0x36c: {  	v56 =	vor.u32 v10, v27;
	v25 =	vadd.f32 v31, v43;
	v31 =	vld.idx.msk [tilespmem:v33+s13+$0x0], $0xffff;
	v24 =	vor.u32 v24, v26  }
0x36d: {  	v37 =	vor.u32 v11, v51;
	v34 =	vadd.f32 v34, v44;
	v33 =	vand.u32 $0x3C8, v56  }
0x36e: {  	v38 =	vor.u32 v11, v45;
	[tilespmem:v35+s19+$0x0] =	vst.idx.msk $0xffff, v25;
	v25 =	vor.u32 v33, v28  }
0x36f: {  	[tilespmem:v32+s19+$0x0] =	vst.idx.msk $0xffff, v34;
	v32 =	vor.u32 v11, v29;
	v57 =	vadd.f32 v36, v61  }
0x370: {  	v30 =	vld.idx.msk [tilespmem:v30+s13+$0x0], $0xffff;
	v36 =	vor.u32 v12, v55  }
0x371: {  	v56 =	vor.u32 v12, v49;
	v34 =	vand.u32 $0x3D8, v36;
	v31 =	vadd.f32 v31, v62;
	[tilespmem:v24+s19+$0x0] =	vst.idx.msk $0xffff, v57  }
0x372: {  	v24 =	vor.u32 v34, v47;
	v57 =	vand.u32 $0x3D8, v56;
	v56 =	vor.u32 v12, v50;
	v34 =	vld.idx.msk [tilespmem:v37+s13+$0x0], $0xffff  }
0x373: {  	v35 =	vld.idx.msk [tilespmem:v38+s13+$0x0], $0xffff;
	v33 =	vor.u32 v57, v48;
	[tilespmem:v25+s19+$0x0] =	vst.idx.msk $0xffff, v31;
	v25 =	vand.u32 $0x3D8, v56  }
0x374: {  	v57 =	vor.u32 v12, v27;
	v31 =	vor.u32 v13, v46;
	v32 =	vld.idx.msk [tilespmem:v32+s13+$0x0], $0xffff;
	v25 =	vor.u32 v25, v26  }
0x375: {  	v30 =	vadd.f32 v30, v43;
	v36 =	vand.u32 $0x3D8, v57  }
0x376: {  	v56 =	vor.u32 v13, v51;
	v36 =	vor.u32 v36, v28  }
0x377: {  	[tilespmem:v24+s19+$0x0] =	vst.idx.msk $0xffff, v30;
	v24 =	vor.u32 v13, v29;
	v30 =	vadd.f32 v34, v61  }
0x378: {  	v37 =	vor.u32 v13, v45;
	v35 =	vadd.f32 v35, v44  }
0x379: {  	v57 =	vor.u32 v14, v55;
	[tilespmem:v25+s19+$0x0] =	vst.idx.msk $0xffff, v30;
	v25 =	vld.idx.msk [tilespmem:v31+s13+$0x0], $0xffff;
	v31 =	vadd.f32 v32, v62  }
0x37a: {  	v58 =	vadd.f32 v58, v40;
	[tilespmem:v33+s19+$0x0] =	vst.idx.msk $0xffff, v35;
	v30 =	vand.u32 $0x3E8, v57  }
0x37b: {  	v30 =	vor.u32 v30, v47;
	v35 =	vld.idx.msk [tilespmem:v56+s13+$0x0], $0xffff;
	[tilespmem:v36+s19+$0x0] =	vst.idx.msk $0xffff, v31;
	v31 =	vor.u32 v14, v50  }
0x37c: {  	v56 =	vor.u32 v14, v27;
	v24 =	vld.idx.msk [tilespmem:v24+s13+$0x0], $0xffff;
	v31 =	vand.u32 $0x3E8, v31  }
0x37d: {  	[tilespmem:v60+s19+$0x0] =	vst.idx.msk $0xffff, v58;
	v57 =	vadd.f32 v59, v42;
	v36 =	vand.u32 $0x3E8, v56;
	v31 =	vor.u32 v31, v26  }
0x37e: {  	v33 =	vld.idx.msk [tilespmem:v37+s13+$0x0], $0xffff;
	v37 =	vor.u32 v14, v49;
	v58 =	vor.u32 v36, v28;
	v25 =	vadd.f32 v25, v43  }
0x37f: {  	v60 =	vor.u32 v15, v46;
	v34 =	vand.u32 $0x3E8, v37;
	[tilespmem:v63+s19+$0x0] =	vst.idx.msk $0xffff, v57  }
0x380: {  	v59 =	vld.idx.msk [tilespmem:v54+s13+$0x0], $0xffff;
	v34 =	vor.u32 v34, v48;
	[tilespmem:v30+s19+$0x0] =	vst.idx.msk $0xffff, v25;
	v30 =	vadd.f32 v35, v61  }
0x381: {  	v63 =	vor.u32 v15, v51;
	v23 =	vld.idx.msk [tilespmem:v23+s13+$0x0], $0xffff;
	v24 =	vadd.f32 v24, v62  }
0x382: {  	v25 =	vor.u32 v15, v45;
	[tilespmem:v31+s19+$0x0] =	vst.idx.msk $0xffff, v30;
	v30 =	vand.u32 $0x3F8, v53;
	v31 =	vor.u32 v16, v52  }
0x383: {  	v33 =	vadd.f32 v33, v44;
	[tilespmem:v58+s19+$0x0] =	vst.idx.msk $0xffff, v24;
	v24 =	vor.u32 v30, v39;
	v30 =	vand.u32 $0x3F8, v31  }
0x384: {  	v29 =	vor.u32 v15, v29;
	v30 =	vor.u32 v30, v41  }
0x385: {  	[tilespmem:v34+s19+$0x0] =	vst.idx.msk $0xffff, v33;
	v46 =	vld.idx.msk [tilespmem:v60+s13+$0x0], $0xffff  }
0x386: {  	v31 =	vadd.f32 v59, v40;
	v53 =	vld [tilespmem:$0x1FD10]  }
0x387: {  	v27 =	vor.u32 v16, v27;
	v51 =	vor.u32 v16, v49;
	v23 =	vadd.f32 v23, v42;
	v25 =	vld.idx.msk [tilespmem:v25+s13+$0x0], $0xffff  }
0x388: {  	v45 =	vor.u32 v16, v55;
	v35 =	vand.u32 $0x3F8, v51;
	v33 =	vld.idx.msk [tilespmem:v63+s13+$0x0], $0xffff;
	[tilespmem:v24+s19+$0x0] =	vst.idx.msk $0xffff, v31  }
0x389: {  	v27 =	vand.u32 $0x3F8, v27;
	v32 =	vand.u32 $0x3F8, v45;
	v35 =	vor.u32 v35, v48;
	v29 =	vld.idx.msk [tilespmem:v29+s13+$0x0], $0xffff;
	[tilespmem:v30+s19+$0x0] =	vst.idx.msk $0xffff, v23  }
0x38a: {  	v27 =	vor.u32 v27, v28;
	v32 =	vor.u32 v32, v47;
	v52 =	vor.u32 v16, v50;
	v28 =	vld [tilespmem:$0x1FD20]  }
0x38b: {  	v36 =	vand.u32 $0x3F8, v52  }
0x38c: {  	v26 =	vor.u32 v36, v26;
	v36 =	vor.u32 $0x10, v53;
	v23 =	vadd.f32 v25, v44  }
0x38d: {  	v24 =	vadd.f32 v46, v43;
	v42 =	vand.u32 $0x1F, v36  }
0x38e: {  	v25 =	vor.u32 v17, v42;
	[tilespmem:v35+s19+$0x0] =	vst.idx.msk $0xffff, v23;
	v23 =	vadd.f32 v29, v62  }
0x38f: {  	[tilespmem:v32+s19+$0x0] =	vst.idx.msk $0xffff, v24;
	v24 =	vadd.f32 v33, v61;
	v28 =	vor.u32 $0x10, v28  }
0x390: {  	v30 =	vor.u32 v1, v42;
	[tilespmem:v27+s19+$0x0] =	vst.idx.msk $0xffff, v23;
	v23 =	vshll.u32 v36, $0x7;
	v40 =	vand.u32 $0x1F, v28  }
0x391: {  	v23 =	vand.u32 $0xC00, v23;
	v29 =	vor.u32 v17, v40  }
0x392: {  	[tilespmem:v26+s19+$0x0] =	vst.idx.msk $0xffff, v24;
	v39 =	vor.u32 v2, v23;
	v23 =	vshll.u32 v28, $0x7;
	v26 =	vor.u32 v1, v40  }
0x393: {  	v25 =	vld.idx.msk [tilespmem:v25+s9+$0x0], $0xffff;
	v23 =	vand.u32 $0xC00, v23  }
0x394: {  	v41 =	vor.u32 v2, v23;
	v23 =	vld [tilespmem:$0x1FD30]  }
0x395: {  	v24 =	vor.u32 v0, v21;
	v27 =	vld.idx.msk [tilespmem:v30+s13+$0x0], $0xffff  }
0x396: {  	v30 =	vand.u32 $0x388, v24;
	v24 =	vld.idx.msk [tilespmem:v29+s9+$0x0], $0xffff  }
0x397: {  	v26 =	vld.idx.msk [tilespmem:v26+s13+$0x0], $0xffff  }
0x398: {  	v28 =	vor.u32 v30, v39  }
0x399: {  	v23 =	vor.u32 v23, v41;
	_ =	sdelay $0x1  }
0x39a: {  	v27 =	vadd.f32 v27, v25;
	v29 =	vor.u32 v3, v42  }
0x39b: {  	v26 =	vadd.f32 v26, v24  }
0x39c: {  	[tilespmem:v28+s19+$0x0] =	vst.idx.msk $0xffff, v27  }
0x39d: {  	[tilespmem:v23+s19+$0x0] =	vst.idx.msk $0xffff, v26  }
0x39e: {  	v30 =	vor.u32 v3, v40;
	v23 =	vld [tilespmem:$0x1FD40]  }
0x39f: {  	v27 =	vld.idx.msk [tilespmem:v29+s13+$0x0], $0xffff  }
0x3a0: {  	v29 =	vld [tilespmem:$0x1FD50];
	_ =	sdelay $0x2  }
0x3a1: {  	v26 =	vld.idx.msk [tilespmem:v30+s13+$0x0], $0xffff;
	v23 =	vor.u32 v23, v39;
	_ =	sdelay $0x1  }
0x3a2: {  	v29 =	vor.u32 v29, v41  }
0x3a3: {  	v27 =	vadd.f32 v27, v25;
	_ =	sdelay $0x1  }
0x3a4: {  	[tilespmem:v23+s19+$0x0] =	vst.idx.msk $0xffff, v27;
	v23 =	vadd.f32 v26, v24;
	_ =	sdelay $0x1  }
0x3a5: {  	v30 =	vor.u32 v5, v40;
	[tilespmem:v29+s19+$0x0] =	vst.idx.msk $0xffff, v23  }
0x3a6: {  	v29 =	vld [tilespmem:$0x1FD80]  }
0x3a7: {  	v28 =	vor.u32 v5, v42;
	_ =	sdelay $0x1  }
0x3a8: {  	v23 =	vld [tilespmem:$0x1FD60]  }
0x3a9: {  	v27 =	vld.idx.msk [tilespmem:v30+s13+$0x0], $0xffff  }
0x3aa: {  	v30 =	vor.u32 $0x10, v29;
	v29 =	vld [tilespmem:$0x1FD70]  }
0x3ab: {  	v26 =	vld.idx.msk [tilespmem:v28+s13+$0x0], $0xffff;
	_ =	sdelay $0x1  }
0x3ac: {  	v23 =	vor.u32 v23, v39;
	_ =	sdelay $0x1  }
0x3ad: {  	v28 =	vor.u32 v7, v42;
	v31 =	vor.u32 v29, v41  }
0x3ae: {  	v26 =	vadd.f32 v26, v25;
	v33 =	vand.u32 $0x1F, v30  }
0x3af: {  	v56 =	vor.u32 v1, v33  }
0x3b0: {  	[tilespmem:v23+s19+$0x0] =	vst.idx.msk $0xffff, v26;
	v23 =	vadd.f32 v27, v24  }
0x3b1: {  	v54 =	vor.u32 v7, v40;
	v30 =	vshll.u32 v30, $0x7  }
0x3b2: {  	v55 =	vor.u32 v17, v33;
	v26 =	vor.u32 v0, v19;
	v27 =	vld.idx.msk [tilespmem:v28+s13+$0x0], $0xffff;
	[tilespmem:v31+s19+$0x0] =	vst.idx.msk $0xffff, v23  }
0x3b3: {  	v57 =	vor.u32 $0x10, v22;
	v62 =	vand.u32 $0x388, v26;
	v26 =	vand.u32 $0xC00, v30;
	v30 =	vld [tilespmem:$0x1FDA0]  }
0x3b4: {  	v29 =	vand.u32 $0x1F, v57;
	v35 =	vld.idx.msk [tilespmem:v56+s13+$0x0], $0xffff  }
0x3b5: {  	v28 =	vor.u32 v17, v29;
	v61 =	vld [tilespmem:$0x1FD90]  }
0x3b6: {  	v58 =	vor.u32 v1, v29;
	v31 =	vld.idx.msk [tilespmem:v54+s13+$0x0], $0xffff  }
0x3b7: {  	v23 =	vld.idx.msk [tilespmem:v55+s9+$0x0], $0xffff  }
0x3b8: {  	v26 =	vor.u32 v2, v26;
	v30 =	vor.u32 v30, v41  }
0x3b9: {  	v43 =	vor.u32 v62, v26;
	v63 =	vadd.f32 v27, v25  }
0x3ba: {  	v27 =	vshll.u32 v22, $0x7;
	v22 =	vld.idx.msk [tilespmem:v28+s9+$0x0], $0xffff;
	v28 =	vshll.u32 v57, $0x7;
	v34 =	vor.u32 v61, v39  }
0x3bb: {  	v32 =	vld.idx.msk [tilespmem:v58+s13+$0x0], $0xffff;
	v49 =	vor.u32 v0, v27;
	v28 =	vand.u32 $0xC00, v28;
	v31 =	vadd.f32 v31, v24  }
0x3bc: {  	v50 =	vand.u32 $0x388, v49;
	v28 =	vor.u32 v2, v28;
	v35 =	vadd.f32 v35, v23  }
0x3bd: {  	v59 =	vor.u32 v9, v42;
	[tilespmem:v30+s19+$0x0] =	vst.idx.msk $0xffff, v31;
	v30 =	vor.u32 v50, v28  }
0x3be: {  	[tilespmem:v43+s19+$0x0] =	vst.idx.msk $0xffff, v35  }
0x3bf: {  	v48 =	vor.u32 v9, v40;
	[tilespmem:v34+s19+$0x0] =	vst.idx.msk $0xffff, v63  }
0x3c0: {  	v32 =	vadd.f32 v32, v22;
	v54 =	vld [tilespmem:$0x1FDB0]  }
0x3c1: {  	v60 =	vor.u32 v3, v33  }
0x3c2: {  	v51 =	vld.idx.msk [tilespmem:v59+s13+$0x0], $0xffff;
	[tilespmem:v30+s19+$0x0] =	vst.idx.msk $0xffff, v32  }
0x3c3: {  	v53 =	vor.u32 v3, v29;
	v32 =	vor.u32 v16, v21;
	v21 =	vld [tilespmem:$0x1FDC0]  }
0x3c4: {  	v52 =	vor.u32 v10, v18;
	v31 =	vld.idx.msk [tilespmem:v48+s13+$0x0], $0xffff  }
0x3c5: {  	v34 =	vand.u32 $0x3C8, v52;
	v37 =	vor.u32 v54, v39  }
0x3c6: {  	v38 =	vld.idx.msk [tilespmem:v60+s13+$0x0], $0xffff;
	v34 =	vor.u32 v34, v41;
	_ =	sdelay $0x1  }
0x3c7: {  	v58 =	vor.u32 v4, v27;
	v30 =	vadd.f32 v51, v25;
	v35 =	vld.idx.msk [tilespmem:v53+s13+$0x0], $0xffff;
	v21 =	vor.u32 v21, v26  }
0x3c8: {  	v59 =	vand.u32 $0x398, v58;
	v31 =	vadd.f32 v31, v24  }
0x3c9: {  	[tilespmem:v37+s19+$0x0] =	vst.idx.msk $0xffff, v30;
	v37 =	vor.u32 v59, v28  }
0x3ca: {  	[tilespmem:v34+s19+$0x0] =	vst.idx.msk $0xffff, v31;
	v31 =	vadd.f32 v38, v23  }
0x3cb: {  	v56 =	vor.u32 v11, v40;
	v62 =	vld [tilespmem:$0x1FDD0]  }
0x3cc: {  	v55 =	vor.u32 v11, v42;
	v54 =	vld [tilespmem:$0x1FDF0];
	[tilespmem:v21+s19+$0x0] =	vst.idx.msk $0xffff, v31;
	v21 =	vadd.f32 v35, v22  }
0x3cd: {  	v57 =	vor.u32 v5, v33  }
0x3ce: {  	[tilespmem:v37+s19+$0x0] =	vst.idx.msk $0xffff, v21  }
0x3cf: {  	v37 =	vld [tilespmem:$0x1FDE0]  }
0x3d0: {  	v60 =	vor.u32 v12, v18;
	v44 =	vld.idx.msk [tilespmem:v56+s13+$0x0], $0xffff  }
0x3d1: {  	v34 =	vand.u32 $0x3D8, v60;
	v43 =	vld.idx.msk [tilespmem:v55+s13+$0x0], $0xffff  }
0x3d2: {  	v56 =	vor.u32 v34, v41;
	v36 =	vld.idx.msk [tilespmem:v57+s13+$0x0], $0xffff  }
0x3d3: {  	v63 =	vor.u32 v62, v39  }
0x3d4: {  	v37 =	vor.u32 v37, v26  }
0x3d5: {  	v59 =	vadd.f32 v44, v24  }
0x3d6: {  	v61 =	vor.u32 v5, v29;
	v31 =	vadd.f32 v43, v25  }
0x3d7: {  	[tilespmem:v56+s19+$0x0] =	vst.idx.msk $0xffff, v59;
	v36 =	vadd.f32 v36, v23  }
0x3d8: {  	v57 =	vor.u32 v13, v42;
	[tilespmem:v63+s19+$0x0] =	vst.idx.msk $0xffff, v31  }
0x3d9: {  	v47 =	vor.u32 v8, v19;
	v58 =	vor.u32 v13, v40;
	[tilespmem:v37+s19+$0x0] =	vst.idx.msk $0xffff, v36  }
0x3da: {  	v50 =	vor.u32 v7, v29;
	v48 =	vor.u32 v9, v33;
	v34 =	vor.u32 v0, v20;
	v37 =	vld [tilespmem:$0x1FE00]  }
0x3db: {  	v55 =	vor.u32 $0x10, v54;
	v62 =	vor.u32 v6, v27;
	v60 =	vld.idx.msk [tilespmem:v61+s13+$0x0], $0xffff;
	v61 =	vor.u32 v7, v33  }
0x3dc: {  	v30 =	vor.u32 v10, v19;
	v21 =	vand.u32 $0x1F, v55;
	v44 =	vand.u32 $0x3A8, v62  }
0x3dd: {  	v38 =	vshll.u32 v55, $0x7;
	v35 =	vor.u32 v17, v21;
	v51 =	vor.u32 v44, v28;
	v45 =	vld.idx.msk [tilespmem:v57+s13+$0x0], $0xffff  }
0x3de: {  	v46 =	vld.idx.msk [tilespmem:v58+s13+$0x0], $0xffff;
	v31 =	vand.u32 $0x3F8, v32;
	v32 =	vor.u32 v15, v42;
	v63 =	vor.u32 v14, v18  }
0x3df: {  	v42 =	vand.u32 $0x3E8, v63;
	v36 =	vor.u32 v1, v21;
	v44 =	vor.u32 v37, v39  }
0x3e0: {  	v52 =	vadd.f32 v60, v22;
	v42 =	vor.u32 v42, v41;
	v49 =	vld.idx.msk [tilespmem:v61+s13+$0x0], $0xffff;
	v37 =	vadd.s32 s25, v0;
	s25 =	simm.s32 $0x6  }
.LBB2_13:
0x3e1: {  	p0 =	slt.u32 s25, $0xE;
	v43 =	vor.u32 v3, v21;
	v53 =	vor.u32 $0x10, v37;
	v54 =	vor.u32 v15, v40;
	v40 =	vmovc v29  }
0x3e2: {  	v47 =	vand.u32 $0x3B8, v47;
	v45 =	vadd.f32 v45, v25;
	v35 =	vld.idx.msk [tilespmem:v35+s9+$0x0], $0xffff;
	v29 =	vand.u32 $0x1F, v53;
	[tilespmem:v51+s19+$0x0] =	vst.idx.msk $0xffff, v52  }
0x3e3: {  	v47 =	vor.u32 v47, v26;
	v46 =	vadd.f32 v46, v24;
	v51 =	vor.u32 v17, v29;
	v50 =	vld.idx.msk [tilespmem:v50+s13+$0x0], $0xffff  }
0x3e4: {  	v55 =	vor.u32 v8, v27;
	v52 =	vor.u32 v1, v29;
	v36 =	vld.idx.msk [tilespmem:v36+s13+$0x0], $0xffff;
	[tilespmem:v44+s19+$0x0] =	vst.idx.msk $0xffff, v45  }
0x3e5: {  	v34 =	vand.u32 $0x388, v34;
	v38 =	vand.u32 $0xC00, v38;
	v44 =	vand.u32 $0x3B8, v55;
	v32 =	vld.idx.msk [tilespmem:v32+s13+$0x0], $0xffff;
	[tilespmem:v42+s19+$0x0] =	vst.idx.msk $0xffff, v46  }
0x3e6: {  	v38 =	vor.u32 v2, v38;
	v42 =	vadd.f32 v49, v23;
	v44 =	vor.u32 v44, v28;
	v45 =	vld.idx.msk [tilespmem:v54+s13+$0x0], $0xffff  }
0x3e7: {  	v34 =	vor.u32 v34, v38;
	v46 =	vor.u32 v9, v40;
	v49 =	vor.u32 v16, v18;
	v18 =	vmovc v27  }
0x3e8: {  	v31 =	vor.u32 v31, v39;
	v27 =	vshll.u32 v37, $0x7;
	v37 =	vld.idx.msk [tilespmem:v51+s9+$0x0], $0xffff;
	[tilespmem:v47+s19+$0x0] =	vst.idx.msk $0xffff, v42;
	v51 =	vand.u32 $0x3F8, v49  }
0x3e9: {  	v39 =	vmovc v26;
	v47 =	vshll.u32 v53, $0x7;
	v49 =	vadd.f32 v50, v22;
	v42 =	vld.idx.msk [tilespmem:v52+s13+$0x0], $0xffff;
	v41 =	vor.u32 v51, v41  }
0x3ea: {  	v26 =	vmovc v38;
	v50 =	vor.u32 v0, v27;
	v36 =	vadd.f32 v36, v35;
	v47 =	vand.u32 $0xC00, v47;
	v48 =	vld.idx.msk [tilespmem:v48+s13+$0x0], $0xffff  }
0x3eb: {  	v38 =	vand.u32 $0x388, v50;
	v47 =	vor.u32 v2, v47;
	[tilespmem:v44+s19+$0x0] =	vst.idx.msk $0xffff, v49;
	v44 =	vadd.f32 v32, v25  }
0x3ec: {  	v32 =	vor.u32 v38, v47;
	v24 =	vadd.f32 v45, v24;
	[tilespmem:v34+s19+$0x0] =	vst.idx.msk $0xffff, v36;
	v34 =	vld.idx.msk [tilespmem:v46+s13+$0x0], $0xffff  }
0x3ed: {  	v30 =	vand.u32 $0x3C8, v30;
	v38 =	vor.u32 v10, v18;
	v36 =	vor.u32 v3, v29;
	[tilespmem:v31+s19+$0x0] =	vst.idx.msk $0xffff, v44  }
0x3ee: {  	v30 =	vor.u32 v30, v39;
	v25 =	vmovc v23;
	v23 =	vmov v35;
	v31 =	vand.u32 $0x3C8, v38;
	[tilespmem:v41+s19+$0x0] =	vst.idx.msk $0xffff, v24  }
0x3ef: {  	v38 =	vadd.f32 v42, v37;
	v41 =	vor.u32 v11, v33;
	v31 =	vor.u32 v31, v28;
	v35 =	vld.idx.msk [tilespmem:v43+s13+$0x0], $0xffff  }
0x3f0: {  	v44 =	vor.u32 v11, v40;
	v42 =	vadd.s32 s25, v0;
	v43 =	vor.u32 v4, v20;
	v24 =	vmovc v22;
	v22 =	vmovc v37  }
0x3f1: {  	v37 =	vand.u32 $0x398, v43;
	v43 =	vor.u32 v16, v19;
	[tilespmem:v32+s19+$0x0] =	vst.idx.msk $0xffff, v38;
	v32 =	vadd.f32 v48, v25  }
0x3f2: {  	v46 =	vor.u32 v14, v19;
	v37 =	vor.u32 v37, v26;
	v34 =	vadd.f32 v34, v24;
	v36 =	vld.idx.msk [tilespmem:v36+s13+$0x0], $0xffff  }
0x3f3: {  	v45 =	vshll.u32 v42, $0x7;
	v38 =	vor.u32 v5, v21;
	v48 =	vor.u32 v4, v27;
	[tilespmem:v30+s19+$0x0] =	vst.idx.msk $0xffff, v32  }
0x3f4: {  	v19 =	vor.u32 v12, v19;
	v32 =	vor.u32 $0x10, v42;
	v42 =	vand.u32 $0x398, v48;
	v48 =	vld.idx.msk [tilespmem:v41+s13+$0x0], $0xffff;
	[tilespmem:v31+s19+$0x0] =	vst.idx.msk $0xffff, v34  }
0x3f5: {  	v30 =	vor.u32 v10, v20;
	v31 =	vadd.f32 v35, v23;
	v35 =	vor.u32 v42, v47;
	v42 =	vld.idx.msk [tilespmem:v44+s13+$0x0], $0xffff  }
0x3f6: {  	v19 =	vand.u32 $0x3D8, v19;
	v34 =	vor.u32 v12, v18;
	v41 =	vmovc v28;
	v28 =	vmovc v47;
	v44 =	vor.u32 v5, v29  }
0x3f7: {  	v47 =	vor.u32 v8, v20;
	v53 =	vand.u32 $0x3D8, v34;
	[tilespmem:v37+s19+$0x0] =	vst.idx.msk $0xffff, v31;
	v31 =	vor.u32 v19, v39  }
0x3f8: {  	v49 =	vor.u32 v13, v33;
	v50 =	vor.u32 v53, v41;
	v36 =	vadd.f32 v36, v22;
	v37 =	vld.idx.msk [tilespmem:v38+s13+$0x0], $0xffff  }
0x3f9: {  	v51 =	vor.u32 v6, v20;
	v52 =	vor.u32 v13, v40;
	v34 =	vor.u32 v0, v45;
	v19 =	vmovc v20  }
0x3fa: {  	v51 =	vand.u32 $0x3A8, v51;
	v20 =	vmovc v45;
	v38 =	vshll.u32 v32, $0x7;
	[tilespmem:v35+s19+$0x0] =	vst.idx.msk $0xffff, v36;
	v35 =	vadd.f32 v48, v25  }
0x3fb: {  	v54 =	vor.u32 v51, v26;
	v53 =	vand.u32 $0x1F, v32;
	v36 =	vadd.f32 v42, v24;
	v55 =	vld.idx.msk [tilespmem:v44+s13+$0x0], $0xffff  }
0x3fc: {  	v32 =	vor.u32 v6, v27;
	v42 =	vor.u32 v7, v21;
	[tilespmem:v31+s19+$0x0] =	vst.idx.msk $0xffff, v35;
	v31 =	vand.u32 $0x3F8, v43  }
.Ltmp5:
0x3fd: {  	v44 =	vand.u32 $0x3E8, v46;
	v43 =	vand.u32 $0x3A8, v32;
	v32 =	vor.u32 v15, v33;
	v45 =	vld.idx.msk [tilespmem:v49+s13+$0x0], $0xffff;
	[tilespmem:v50+s19+$0x0] =	vst.idx.msk $0xffff, v36;
	(pc) =	sbr.rel @p0 .LBB2_13-.Ltmp5, $4  }
0x3fe: {  	v35 =	vor.u32 v17, v53;
	v37 =	vadd.f32 v37, v23;
	v51 =	vor.u32 v43, v28;
	v46 =	vld.idx.msk [tilespmem:v52+s13+$0x0], $0xffff  }
0x3ff: {  	v48 =	vor.u32 v9, v21;
	v33 =	vmovc v21;
	v50 =	vor.u32 v7, v29;
	v43 =	vor.u32 v14, v18  }
0x400: {  	s26 =	sadd.s32 $0x1, s25;
	v44 =	vor.u32 v44, v39;
	v36 =	vor.u32 v1, v53;
	v43 =	vand.u32 $0x3E8, v43;
	[tilespmem:v54+s19+$0x0] =	vst.idx.msk $0xffff, v37  }
0x401: {  	s25 =	sadd.s32 $0x2, s25;
	v21 =	vmovc v53;
	v37 =	vadd.s32 s26, v0;
	v52 =	vadd.f32 v55, v22;
	v49 =	vld.idx.msk [tilespmem:v42+s13+$0x0], $0xffff;
	v42 =	vor.u32 v43, v41  }
0x402: {  	v53 =	vor.u32 $0x10, v37  }
0x403: {  	v43 =	vand.u32 $0x1F, v53  }
0x404: {  	v54 =	vor.u32 v17, v43  }
0x405: {  	v55 =	vor.u32 v1, v43;
	_ =	sdelay $0x1  }
0x406: {  	v35 =	vld.idx.msk [tilespmem:v35+s9+$0x0], $0xffff  }
0x407: {  	v56 =	vld.idx.msk [tilespmem:v36+s13+$0x0], $0xffff;
	v57 =	vand.u32 $0x388, v34;
	v59 =	vand.u32 $0xC00, v38  }
0x408: {  	v38 =	vshll.u32 v37, $0x7;
	v36 =	vor.u32 v2, v59;
	v60 =	vshll.u32 v53, $0x7;
	v34 =	vld.idx.msk [tilespmem:v54+s9+$0x0], $0xffff  }
0x409: {  	v63 =	vor.u32 v0, v38;
	v61 =	vor.u32 v57, v36;
	v37 =	vand.u32 $0xC00, v60;
	v62 =	vld.idx.msk [tilespmem:v55+s13+$0x0], $0xffff  }
0x40a: {  	v60 =	vor.u32 v3, v21;
	v37 =	vor.u32 v2, v37;
	v55 =	vand.u32 $0x388, v63  }
0x40b: {  	v55 =	vor.u32 v55, v37  }
0x40c: {  	v58 =	vor.u32 v3, v43;
	v56 =	vadd.f32 v56, v35;
	_ =	sdelay $0x1  }
0x40d: {  	[tilespmem:v61+s19+$0x0] =	vst.idx.msk $0xffff, v56;
	v61 =	vadd.f32 v62, v34  }
0x40e: {  	v63 =	vor.u32 v4, v20;
	v62 =	vld.idx.msk [tilespmem:v60+s13+$0x0], $0xffff  }
0x40f: {  	v56 =	vand.u32 $0x398, v63;
	[tilespmem:v55+s19+$0x0] =	vst.idx.msk $0xffff, v61  }
0x410: {  	v53 =	vor.u32 v56, v36;
	v60 =	vor.u32 v4, v38;
	v55 =	vld.idx.msk [tilespmem:v58+s13+$0x0], $0xffff  }
0x411: {  	v56 =	vand.u32 $0x398, v60;
	v61 =	vor.u32 v5, v21  }
0x412: {  	v56 =	vor.u32 v56, v37  }
0x413: {  	v63 =	vor.u32 v5, v43;
	v62 =	vadd.f32 v62, v35  }
0x414: {  	v47 =	vand.u32 $0x3B8, v47;
	[tilespmem:v51+s19+$0x0] =	vst.idx.msk $0xffff, v52;
	v59 =	vor.u32 v8, v27  }
0x415: {  	v47 =	vor.u32 v47, v26;
	v50 =	vld.idx.msk [tilespmem:v50+s13+$0x0], $0xffff;
	[tilespmem:v53+s19+$0x0] =	vst.idx.msk $0xffff, v62;
	v60 =	vadd.f32 v55, v34  }
0x416: {  	v54 =	vand.u32 $0x3B8, v59;
	v62 =	vor.u32 v6, v20;
	v61 =	vld.idx.msk [tilespmem:v61+s13+$0x0], $0xffff  }
0x417: {  	v57 =	vor.u32 v9, v29;
	v53 =	vor.u32 v54, v28;
	v55 =	vand.u32 $0x3A8, v62;
	[tilespmem:v56+s19+$0x0] =	vst.idx.msk $0xffff, v60  }
0x418: {  	v49 =	vadd.f32 v49, v23;
	v51 =	vor.u32 v55, v36;
	v52 =	vld.idx.msk [tilespmem:v63+s13+$0x0], $0xffff;
	v63 =	vor.u32 v6, v38  }
0x419: {  	v60 =	vor.u32 v7, v21;
	v55 =	vand.u32 $0x3A8, v63  }
0x41a: {  	[tilespmem:v47+s19+$0x0] =	vst.idx.msk $0xffff, v49;
	v50 =	vadd.f32 v50, v22;
	v47 =	vor.u32 v55, v37  }
0x41b: {  	v62 =	vor.u32 v7, v43;
	v61 =	vadd.f32 v61, v35  }
0x41c: {  	v30 =	vand.u32 $0x3C8, v30;
	v48 =	vld.idx.msk [tilespmem:v48+s13+$0x0], $0xffff;
	[tilespmem:v53+s19+$0x0] =	vst.idx.msk $0xffff, v50  }
0x41d: {  	v63 =	vor.u32 v10, v27;
	v53 =	vld.idx.msk [tilespmem:v57+s13+$0x0], $0xffff;
	[tilespmem:v51+s19+$0x0] =	vst.idx.msk $0xffff, v61;
	v57 =	vadd.f32 v52, v34  }
0x41e: {  	v30 =	vor.u32 v30, v26;
	v59 =	vor.u32 v8, v20;
	v58 =	vand.u32 $0x3C8, v63;
	v54 =	vld.idx.msk [tilespmem:v60+s13+$0x0], $0xffff  }
0x41f: {  	v40 =	vor.u32 v15, v40;
	v51 =	vor.u32 v58, v28;
	v52 =	vand.u32 $0x3B8, v59;
	[tilespmem:v47+s19+$0x0] =	vst.idx.msk $0xffff, v57  }
0x420: {  	v60 =	vor.u32 v11, v33;
	v61 =	vor.u32 v52, v36;
	v50 =	vld.idx.msk [tilespmem:v62+s13+$0x0], $0xffff;
	v62 =	vor.u32 v8, v38  }
0x421: {  	v48 =	vadd.f32 v48, v23;
	v47 =	vor.u32 v11, v29;
	v52 =	vand.u32 $0x3B8, v62  }
0x422: {  	v63 =	vor.u32 v9, v21;
	v53 =	vadd.f32 v53, v22;
	v52 =	vor.u32 v52, v37  }
0x423: {  	[tilespmem:v30+s19+$0x0] =	vst.idx.msk $0xffff, v48;
	v59 =	vor.u32 v9, v43;
	v30 =	vadd.f32 v54, v35  }
0x424: {  	v45 =	vadd.f32 v45, v25;
	v57 =	vor.u32 v12, v27;
	[tilespmem:v51+s19+$0x0] =	vst.idx.msk $0xffff, v53  }
0x425: {  	v54 =	vld.idx.msk [tilespmem:v60+s13+$0x0], $0xffff;
	v60 =	vor.u32 v12, v19;
	[tilespmem:v61+s19+$0x0] =	vst.idx.msk $0xffff, v30;
	v30 =	vadd.f32 v50, v34  }
0x426: {  	v18 =	vor.u32 v16, v18;
	v58 =	vand.u32 $0x3D8, v57;
	v62 =	vand.u32 $0x3D8, v60;
	v47 =	vld.idx.msk [tilespmem:v47+s13+$0x0], $0xffff  }
0x427: {  	v61 =	vor.u32 v10, v20;
	v63 =	vld.idx.msk [tilespmem:v63+s13+$0x0], $0xffff;
	v50 =	vor.u32 v62, v26;
	[tilespmem:v52+s19+$0x0] =	vst.idx.msk $0xffff, v30  }
0x428: {  	v49 =	vor.u32 v58, v28;
	v30 =	vand.u32 $0x3C8, v61;
	v48 =	vld.idx.msk [tilespmem:v59+s13+$0x0], $0xffff;
	v59 =	vor.u32 v10, v38  }
0x429: {  	v61 =	vor.u32 v13, v33;
	v30 =	vor.u32 v30, v36;
	v52 =	vand.u32 $0x3C8, v59  }
0x42a: {  	v60 =	vor.u32 v11, v21;
	v54 =	vadd.f32 v54, v23;
	v52 =	vor.u32 v52, v37  }
0x42b: {  	[tilespmem:v44+s19+$0x0] =	vst.idx.msk $0xffff, v45;
	v62 =	vor.u32 v11, v43;
	v47 =	vadd.f32 v47, v22  }
0x42c: {  	v31 =	vor.u32 v31, v39;
	v63 =	vadd.f32 v63, v35;
	[tilespmem:v50+s19+$0x0] =	vst.idx.msk $0xffff, v54  }
0x42d: {  	v46 =	vadd.f32 v46, v24;
	[tilespmem:v49+s19+$0x0] =	vst.idx.msk $0xffff, v47;
	v48 =	vadd.f32 v48, v34  }
0x42e: {  	v56 =	vor.u32 v13, v29;
	v58 =	vld.idx.msk [tilespmem:v61+s13+$0x0], $0xffff;
	[tilespmem:v30+s19+$0x0] =	vst.idx.msk $0xffff, v63;
	v30 =	vor.u32 v14, v19  }
0x42f: {  	v57 =	vor.u32 v12, v20;
	v45 =	vld.idx.msk [tilespmem:v60+s13+$0x0], $0xffff;
	v30 =	vand.u32 $0x3E8, v30;
	[tilespmem:v52+s19+$0x0] =	vst.idx.msk $0xffff, v48  }
0x430: {  	v47 =	vand.u32 $0x3D8, v57;
	v60 =	vor.u32 v12, v38;
	v30 =	vor.u32 v30, v26;
	v44 =	vld.idx.msk [tilespmem:v62+s13+$0x0], $0xffff  }
0x431: {  	v18 =	vand.u32 $0x3F8, v18;
	v32 =	vld.idx.msk [tilespmem:v32+s13+$0x0], $0xffff;
	[tilespmem:v42+s19+$0x0] =	vst.idx.msk $0xffff, v46;
	v47 =	vor.u32 v47, v36;
	v49 =	vand.u32 $0x3D8, v60  }
0x432: {  	v18 =	vor.u32 v18, v41;
	v40 =	vld.idx.msk [tilespmem:v40+s13+$0x0], $0xffff;
	v62 =	vor.u32 v13, v21;
	v49 =	vor.u32 v49, v37  }
0x433: {  	v59 =	vor.u32 v14, v27;
	v61 =	vld.idx.msk [tilespmem:v56+s13+$0x0], $0xffff;
	v56 =	vor.u32 v13, v43;
	v39 =	vadd.f32 v58, v23  }
0x434: {  	v63 =	vor.u32 v15, v33;
	v48 =	vand.u32 $0x3E8, v59;
	v45 =	vadd.f32 v45, v35  }
0x435: {  	v48 =	vor.u32 v48, v28;
	[tilespmem:v30+s19+$0x0] =	vst.idx.msk $0xffff, v39;
	v57 =	vadd.f32 v44, v34  }
0x436: {  	v25 =	vadd.f32 v32, v25;
	v29 =	vor.u32 v15, v29;
	[tilespmem:v47+s19+$0x0] =	vst.idx.msk $0xffff, v45  }
0x437: {  	v40 =	vadd.f32 v40, v24;
	v30 =	vor.u32 v14, v20;
	v59 =	vld.idx.msk [tilespmem:v62+s13+$0x0], $0xffff;
	[tilespmem:v49+s19+$0x0] =	vst.idx.msk $0xffff, v57  }
0x438: {  	v58 =	vadd.f32 v61, v22;
	v30 =	vand.u32 $0x3E8, v30;
	v62 =	vor.u32 v14, v38;
	v61 =	vld.idx.msk [tilespmem:v56+s13+$0x0], $0xffff  }
0x439: {  	v19 =	vor.u32 v16, v19;
	v60 =	vld.idx.msk [tilespmem:v63+s13+$0x0], $0xffff;
	v30 =	vor.u32 v30, v36;
	v41 =	vand.u32 $0x3E8, v62  }
0x43a: {  	v21 =	vor.u32 v15, v21;
	[tilespmem:v48+s19+$0x0] =	vst.idx.msk $0xffff, v58;
	v41 =	vor.u32 v41, v37  }
0x43b: {  	v27 =	vor.u32 v16, v27;
	v19 =	vand.u32 $0x3F8, v19;
	v63 =	vor.u32 v15, v43;
	v29 =	vld.idx.msk [tilespmem:v29+s13+$0x0], $0xffff  }
0x43c: {  	v27 =	vand.u32 $0x3F8, v27;
	v19 =	vor.u32 v19, v26;
	v39 =	vadd.f32 v59, v35  }
0x43d: {  	s25 =	simm.s32 $0x0;
	v26 =	vor.u32 v27, v28;
	v20 =	vor.u32 v16, v20;
	v24 =	vadd.f32 v61, v34  }
0x43e: {  	v20 =	vand.u32 $0x3F8, v20;
	v27 =	vadd.f32 v60, v23;
	v23 =	vadd.s32 s25, v0;
	[tilespmem:v30+s19+$0x0] =	vst.idx.msk $0xffff, v39  }
0x43f: {  	v20 =	vor.u32 v20, v36;
	v28 =	vand.u32 $0xF, v23;
	v21 =	vld.idx.msk [tilespmem:v21+s13+$0x0], $0xffff;
	[tilespmem:v41+s19+$0x0] =	vst.idx.msk $0xffff, v24  }
0x440: {  	v22 =	vadd.f32 v29, v22;
	v28 =	vor.u32 $0x20, v28;
	v24 =	vor.u32 v16, v38;
	v29 =	vld.idx.msk [tilespmem:v63+s13+$0x0], $0xffff  }
0x441: {  	s28 =	simm.s32 $0x1;
	v46 =	vand.u32 $0x7, v23;
	v45 =	vand.u32 $0x28, v28;
	v30 =	vand.u32 $0x3F8, v24  }
0x442: {  	[tilespmem:v31+s19+$0x0] =	vst.idx.msk $0xffff, v25;
	v50 =	vor.u32 v46, v45;
	v24 =	vadd.s32 s28, v0;
	v25 =	vor.u32 v30, v37  }
0x443: {  	[tilespmem:v19+s19+$0x0] =	vst.idx.msk $0xffff, v27;
	v19 =	vor.u32 v1, v50;
	v30 =	vand.u32 $0xF, v24  }
0x444: {  	[tilespmem:v18+s19+$0x0] =	vst.idx.msk $0xffff, v40;
	v30 =	vor.u32 $0x20, v30;
	v18 =	vadd.f32 v21, v35;
	v21 =	vor.u32 v17, v50  }
0x445: {  	[tilespmem:v26+s19+$0x0] =	vst.idx.msk $0xffff, v22;
	v31 =	vand.u32 $0x7, v24;
	v27 =	vand.u32 $0x28, v30;
	v22 =	vadd.f32 v29, v34  }
0x446: {  	v51 =	vor.u32 v31, v27;
	[tilespmem:v20+s19+$0x0] =	vst.idx.msk $0xffff, v18  }
0x447: {  	v18 =	vor.u32 v17, v51;
	[tilespmem:v25+s19+$0x0] =	vst.idx.msk $0xffff, v22  }
0x448: {  	v20 =	vor.u32 v1, v51;
	[tilespmem:$0x1FC20] =	vst v23  }
0x449: {  	v22 =	vshll.u32 v23, $0x7;
	v40 =	vld.idx.msk [tilespmem:v21+s9+$0x0], $0xffff;
	v21 =	vshll.u32 v28, $0x7  }
0x44a: {  	v25 =	vor.u32 v0, v22;
	v19 =	vld.idx.msk [tilespmem:v19+s13+$0x0], $0xffff;
	v21 =	vand.u32 $0x1400, v21  }
0x44b: {  	v25 =	vand.u32 $0x388, v25;
	v39 =	vor.u32 v2, v21  }
0x44c: {  	v41 =	vld.idx.msk [tilespmem:v18+s9+$0x0], $0xffff;
	[tilespmem:$0x1FC30] =	vst v24;
	v18 =	vshll.u32 v24, $0x7;
	v21 =	vor.u32 v25, v39;
	v25 =	vshll.u32 v30, $0x7  }
0x44d: {  	v26 =	vor.u32 v3, v50;
	v20 =	vld.idx.msk [tilespmem:v20+s13+$0x0], $0xffff;
	v27 =	vor.u32 v0, v18;
	v25 =	vand.u32 $0x1400, v25  }
0x44e: {  	v23 =	vand.u32 $0x388, v27;
	v38 =	vor.u32 v2, v25  }
0x44f: {  	v19 =	vadd.f32 v19, v40;
	v25 =	vor.u32 v23, v38  }
0x450: {  	v27 =	vor.u32 v3, v51;
	[tilespmem:$0x1FC40] =	vst v23  }
0x451: {  	[tilespmem:v21+s19+$0x0] =	vst.idx.msk $0xffff, v19;
	v21 =	vor.u32 v4, v22  }
0x452: {  	v20 =	vadd.f32 v20, v41;
	v19 =	vld.idx.msk [tilespmem:v26+s13+$0x0], $0xffff;
	v21 =	vand.u32 $0x398, v21  }
0x453: {  	[tilespmem:$0x1FC50] =	vst v21  }
0x454: {  	v21 =	vor.u32 v21, v39;
	[tilespmem:v25+s19+$0x0] =	vst.idx.msk $0xffff, v20  }
0x455: {  	v26 =	vor.u32 v4, v18;
	v20 =	vor.u32 v5, v50;
	v25 =	vld.idx.msk [tilespmem:v27+s13+$0x0], $0xffff  }
0x456: {  	v23 =	vand.u32 $0x398, v26  }
0x457: {  	v26 =	vor.u32 v23, v38;
	v19 =	vadd.f32 v19, v40  }
0x458: {  	[tilespmem:$0x1FC60] =	vst v23;
	v27 =	vor.u32 v5, v51  }
0x459: {  	[tilespmem:v21+s19+$0x0] =	vst.idx.msk $0xffff, v19  }
0x45a: {  	s29 =	simm.s32 $0x2;
	v19 =	vld.idx.msk [tilespmem:v20+s13+$0x0], $0xffff;
	v20 =	vor.u32 v6, v22;
	v21 =	vadd.f32 v25, v41  }
0x45b: {  	v23 =	vadd.s32 s29, v0;
	v20 =	vand.u32 $0x3A8, v20  }
0x45c: {  	v25 =	vand.u32 $0xF, v23;
	v20 =	vor.u32 v20, v39;
	[tilespmem:v26+s19+$0x0] =	vst.idx.msk $0xffff, v21  }
0x45d: {  	v21 =	vor.u32 $0x20, v25;
	v25 =	vor.u32 v7, v50;
	v26 =	vor.u32 v6, v18;
	v27 =	vld.idx.msk [tilespmem:v27+s13+$0x0], $0xffff  }
0x45e: {  	v28 =	vand.u32 $0x28, v21;
	v24 =	vand.u32 $0x3A8, v26  }
0x45f: {  	v26 =	vand.u32 $0x7, v23;
	[tilespmem:$0x1FC80] =	vst v23;
	v31 =	vor.u32 v24, v38;
	v30 =	vadd.f32 v19, v40  }
0x460: {  	s30 =	simm.s32 $0x3;
	v47 =	vor.u32 v8, v22;
	[tilespmem:$0x1FC70] =	vst v24;
	v44 =	vor.u32 v26, v28  }
0x461: {  	v19 =	vshll.u32 v23, $0x7;
	v48 =	vor.u32 v17, v44;
	v23 =	vadd.s32 s30, v0;
	[tilespmem:v20+s19+$0x0] =	vst.idx.msk $0xffff, v30  }
0x462: {  	v28 =	vor.u32 v7, v51;
	v30 =	vand.u32 $0xF, v23;
	v20 =	vld.idx.msk [tilespmem:v25+s13+$0x0], $0xffff;
	v27 =	vadd.f32 v27, v41  }
0x463: {  	v32 =	vand.u32 $0x3B8, v47;
	v25 =	vor.u32 v1, v44;
	v30 =	vor.u32 $0x20, v30  }
0x464: {  	v32 =	vor.u32 v32, v39;
	[tilespmem:v31+s19+$0x0] =	vst.idx.msk $0xffff, v27;
	v27 =	vand.u32 $0x28, v30;
	v31 =	vand.u32 $0x7, v23  }
0x465: {  	v53 =	vor.u32 v9, v50;
	v59 =	vor.u32 v11, v50;
	v45 =	vor.u32 v31, v27  }
0x466: {  	v49 =	vor.u32 v10, v22;
	v42 =	vld.idx.msk [tilespmem:v48+s9+$0x0], $0xffff;
	v27 =	vor.u32 v8, v18;
	v31 =	vor.u32 v17, v45  }
0x467: {  	v21 =	vshll.u32 v21, $0x7;
	v28 =	vld.idx.msk [tilespmem:v28+s13+$0x0], $0xffff;
	v26 =	vand.u32 $0x3B8, v27;
	v20 =	vadd.f32 v20, v40  }
0x468: {  	v21 =	vand.u32 $0x1400, v21;
	v52 =	vor.u32 v0, v19;
	v27 =	vor.u32 v1, v45;
	v25 =	vld.idx.msk [tilespmem:v25+s13+$0x0], $0xffff;
	[tilespmem:$0x1FC90] =	vst v26  }
0x469: {  	v46 =	vor.u32 v2, v21;
	v35 =	vand.u32 $0x388, v52;
	v54 =	vor.u32 v26, v38;
	[tilespmem:v32+s19+$0x0] =	vst.idx.msk $0xffff, v20  }
0x46a: {  	v55 =	vor.u32 v9, v51;
	v24 =	vand.u32 $0x3C8, v49;
	v20 =	vor.u32 v35, v46;
	v32 =	vld.idx.msk [tilespmem:v53+s13+$0x0], $0xffff  }
0x46b: {  	v62 =	vor.u32 v11, v51;
	v21 =	vor.u32 v3, v44;
	v43 =	vld.idx.msk [tilespmem:v31+s9+$0x0], $0xffff;
	[tilespmem:$0x1FCA0] =	vst v24  }
0x46c: {  	v47 =	vshll.u32 v23, $0x7;
	v30 =	vshll.u32 v30, $0x7;
	v28 =	vadd.f32 v28, v41;
	[tilespmem:$0x1FCB0] =	vst v23  }
0x46d: {  	v57 =	vor.u32 v0, v47;
	v30 =	vand.u32 $0x1400, v30;
	v25 =	vadd.f32 v25, v42;
	v27 =	vld.idx.msk [tilespmem:v27+s13+$0x0], $0xffff  }
0x46e: {  	v56 =	vor.u32 v24, v39;
	v48 =	vor.u32 v2, v30;
	[tilespmem:v54+s19+$0x0] =	vst.idx.msk $0xffff, v28;
	v28 =	vand.u32 $0x388, v57  }
0x46f: {  	v58 =	vor.u32 v10, v18;
	v30 =	vld.idx.msk [tilespmem:v55+s13+$0x0], $0xffff;
	v28 =	vor.u32 v28, v48;
	[tilespmem:v20+s19+$0x0] =	vst.idx.msk $0xffff, v25  }
0x470: {  	v60 =	vor.u32 v3, v45;
	v25 =	vand.u32 $0x3C8, v58;
	v61 =	vld.idx.msk [tilespmem:v21+s13+$0x0], $0xffff;
	v21 =	vor.u32 v4, v19  }
0x471: {  	v25 =	vor.u32 v25, v38;
	v32 =	vadd.f32 v32, v40;
	v26 =	vand.u32 $0x398, v21  }
0x472: {  	v34 =	vor.u32 v14, v22;
	v63 =	vor.u32 v5, v44;
	v21 =	vadd.f32 v27, v43;
	[tilespmem:$0x1FCC0] =	vst v26  }
0x473: {  	v52 =	vor.u32 v12, v22;
	v27 =	vor.u32 v26, v46;
	[tilespmem:v56+s19+$0x0] =	vst.idx.msk $0xffff, v32  }
0x474: {  	s31 =	simm.s32 $0x4;
	v26 =	vand.u32 $0x3D8, v52;
	v30 =	vadd.f32 v30, v41;
	[tilespmem:v28+s19+$0x0] =	vst.idx.msk $0xffff, v21;
	v28 =	vld.idx.msk [tilespmem:v59+s13+$0x0], $0xffff  }
0x475: {  	v53 =	vor.u32 v12, v18;
	v24 =	vadd.s32 s31, v0;
	v36 =	vor.u32 v26, v39  }
0x476: {  	v33 =	vld.idx.msk [tilespmem:v60+s13+$0x0], $0xffff;
	[tilespmem:v25+s19+$0x0] =	vst.idx.msk $0xffff, v30;
	v25 =	vadd.f32 v61, v42;
	v30 =	vor.u32 v4, v47  }
0x477: {  	v23 =	vor.u32 v16, v22;
	v37 =	vand.u32 $0x3D8, v53;
	v35 =	vld.idx.msk [tilespmem:v62+s13+$0x0], $0xffff;
	v30 =	vand.u32 $0x398, v30;
	[tilespmem:$0x1FCD0] =	vst v26  }
0x478: {  	v53 =	vor.u32 v6, v19;
	v49 =	vand.u32 $0xF, v24;
	[tilespmem:v27+s19+$0x0] =	vst.idx.msk $0xffff, v25;
	v25 =	vor.u32 v30, v48  }
0x479: {  	v37 =	vor.u32 v37, v38;
	v30 =	vor.u32 v13, v50;
	v28 =	vadd.f32 v28, v40  }
0x47a: {  	v57 =	vor.u32 v13, v51;
	v53 =	vand.u32 $0x3A8, v53;
	v52 =	vor.u32 v5, v45  }
0x47b: {  	v54 =	vand.u32 $0x7, v24;
	v55 =	vor.u32 v6, v47;
	v33 =	vadd.f32 v33, v43;
	[tilespmem:v36+s19+$0x0] =	vst.idx.msk $0xffff, v28  }
0x47c: {  	v20 =	vshll.u32 v24, $0x7;
	v58 =	vor.u32 v14, v18;
	v56 =	vor.u32 v53, v46;
	v32 =	vld.idx.msk [tilespmem:v63+s13+$0x0], $0xffff;
	[tilespmem:$0x1FCE0] =	vst v24  }
0x47d: {  	v21 =	vor.u32 v10, v19;
	v60 =	vor.u32 v0, v20;
	v62 =	vor.u32 $0x20, v49;
	[tilespmem:v25+s19+$0x0] =	vst.idx.msk $0xffff, v33  }
0x47e: {  	v35 =	vadd.f32 v35, v41;
	v28 =	vand.u32 $0x28, v62;
	v24 =	vand.u32 $0x3E8, v34;
	v25 =	vld.idx.msk [tilespmem:v30+s13+$0x0], $0xffff;
	[tilespmem:$0x1FCF0] =	vst v23  }
0x47f: {  	v63 =	vor.u32 v7, v44;
	v49 =	vor.u32 v54, v28;
	v30 =	vld.idx.msk [tilespmem:v52+s13+$0x0], $0xffff;
	[tilespmem:$0x1FD00] =	vst v24  }
0x480: {  	v61 =	vand.u32 $0x3E8, v58;
	v27 =	vor.u32 v8, v19;
	v59 =	vor.u32 v17, v49;
	[tilespmem:v37+s19+$0x0] =	vst.idx.msk $0xffff, v35  }
0x481: {  	v28 =	vadd.f32 v32, v42;
	v32 =	vand.u32 $0x3A8, v55;
	v55 =	vor.u32 v24, v39;
	v58 =	vld.idx.msk [tilespmem:v57+s13+$0x0], $0xffff  }
0x482: {  	v54 =	vor.u32 v15, v50;
	v34 =	vor.u32 v32, v48;
	v32 =	vor.u32 v9, v44  }
0x483: {  	v53 =	vand.u32 $0x3F8, v23;
	[tilespmem:v56+s19+$0x0] =	vst.idx.msk $0xffff, v28;
	v35 =	vor.u32 v7, v45;
	v56 =	vor.u32 v61, v38  }
0x484: {  	s25 =	simm.s32 $0x5;
	v50 =	vmovc v20;
	v28 =	vand.u32 $0x3C8, v21;
	v57 =	vor.u32 v15, v51;
	v33 =	vld.idx.msk [tilespmem:v63+s13+$0x0], $0xffff;
	v61 =	vadd.f32 v25, v40  }
0x485: {  	s26 =	simm.s32 $0x6;
	v52 =	vmovc v18;
	v37 =	vor.u32 v1, v49;
	v63 =	vadd.s32 s25, v0;
	v51 =	vmovc v19;
	v36 =	vadd.f32 v30, v43  }
.LBB2_15:
0x486: {  	p0 =	slt.u32 s26, $0xE;
	v30 =	vld.idx.msk [tilespmem:v59+s9+$0x0], $0xffff;
	v25 =	vand.u32 $0xF, v63;
	v27 =	vand.u32 $0x3B8, v27;
	[tilespmem:v55+s19+$0x0] =	vst.idx.msk $0xffff, v61;
	v55 =	vadd.f32 v58, v41  }
0x487: {  	v58 =	vshll.u32 v62, $0x7;
	v59 =	vor.u32 $0x20, v25;
	[tilespmem:v34+s19+$0x0] =	vst.idx.msk $0xffff, v36;
	v34 =	vld.idx.msk [tilespmem:v54+s13+$0x0], $0xffff;
	v36 =	vor.u32 v53, v39  }
0x488: {  	v24 =	vand.u32 $0x7, v63;
	v27 =	vor.u32 v27, v46;
	v25 =	vand.u32 $0x28, v59;
	v35 =	vld.idx.msk [tilespmem:v35+s13+$0x0], $0xffff;
	[tilespmem:v56+s19+$0x0] =	vst.idx.msk $0xffff, v55  }
0x489: {  	v23 =	vor.u32 v8, v47;
	v33 =	vadd.f32 v33, v42;
	v25 =	vor.u32 v24, v25;
	v53 =	vld.idx.msk [tilespmem:v57+s13+$0x0], $0xffff  }
0x48a: {  	v39 =	vmovc v46;
	v55 =	vand.u32 $0x3B8, v23;
	v23 =	vor.u32 v16, v52;
	v37 =	vld.idx.msk [tilespmem:v37+s13+$0x0], $0xffff;
	v54 =	vor.u32 v17, v25  }
0x48b: {  	v52 =	vmovc v47;
	v55 =	vor.u32 v55, v48;
	v46 =	vand.u32 $0x3F8, v23;
	v56 =	vor.u32 v1, v25  }
0x48c: {  	v47 =	vand.u32 $0x1400, v58;
	v57 =	vor.u32 v9, v45;
	v58 =	vor.u32 v46, v38;
	v38 =	vmovc v48  }
0x48d: {  	v48 =	vand.u32 $0x388, v60;
	v46 =	vor.u32 v2, v47;
	[tilespmem:v27+s19+$0x0] =	vst.idx.msk $0xffff, v33;
	v27 =	vadd.f32 v34, v40  }
0x48e: {  	v33 =	vor.u32 v48, v46;
	v34 =	vor.u32 v3, v49;
	v35 =	vadd.f32 v35, v43;
	v32 =	vld.idx.msk [tilespmem:v32+s13+$0x0], $0xffff  }
0x48f: {  	v28 =	vor.u32 v28, v39;
	v54 =	vld.idx.msk [tilespmem:v54+s9+$0x0], $0xffff;
	[tilespmem:v36+s19+$0x0] =	vst.idx.msk $0xffff, v27;
	v27 =	vadd.f32 v53, v41  }
0x490: {  	v24 =	vshll.u32 v59, $0x7;
	v47 =	vshll.u32 v63, $0x7;
	v36 =	vadd.f32 v37, v30;
	v37 =	vld.idx.msk [tilespmem:v56+s13+$0x0], $0xffff;
	[tilespmem:v55+s19+$0x0] =	vst.idx.msk $0xffff, v35  }
0x491: {  	v23 =	vand.u32 $0x1400, v24;
	v41 =	vor.u32 v0, v47;
	v35 =	vadd.s32 s26, v0;
	v53 =	vld.idx.msk [tilespmem:v57+s13+$0x0], $0xffff;
	[tilespmem:v58+s19+$0x0] =	vst.idx.msk $0xffff, v27  }
0x492: {  	v48 =	vor.u32 v2, v23;
	v23 =	vor.u32 v10, v52;
	v40 =	vmovc v42;
	v42 =	vmovc v30;
	v27 =	vand.u32 $0x388, v41  }
0x493: {  	v30 =	vor.u32 v11, v44;
	v27 =	vor.u32 v27, v48;
	[tilespmem:v33+s19+$0x0] =	vst.idx.msk $0xffff, v36;
	v33 =	vand.u32 $0x3C8, v23  }
0x494: {  	v55 =	vor.u32 v3, v25;
	v41 =	vmovc v43;
	v36 =	vshll.u32 v35, $0x7;
	v34 =	vld.idx.msk [tilespmem:v34+s13+$0x0], $0xffff;
	v33 =	vor.u32 v33, v38  }
0x495: {  	v56 =	vor.u32 v4, v50;
	v57 =	vor.u32 v11, v45;
	v32 =	vadd.f32 v32, v40;
	v43 =	vmovc v54  }
0x496: {  	v54 =	vand.u32 $0x398, v56;
	v56 =	vor.u32 v16, v51;
	v37 =	vadd.f32 v37, v43  }
0x497: {  	v58 =	vand.u32 $0xF, v35;
	v54 =	vor.u32 v54, v46;
	[tilespmem:v28+s19+$0x0] =	vst.idx.msk $0xffff, v32;
	v28 =	vadd.f32 v53, v41  }
0x498: {  	v32 =	vor.u32 v5, v49;
	[tilespmem:v27+s19+$0x0] =	vst.idx.msk $0xffff, v37;
	v30 =	vld.idx.msk [tilespmem:v30+s13+$0x0], $0xffff;
	v37 =	vor.u32 v14, v51  }
0x499: {  	v61 =	vor.u32 v10, v50;
	v27 =	vor.u32 v12, v51;
	v53 =	vld.idx.msk [tilespmem:v55+s13+$0x0], $0xffff;
	[tilespmem:v33+s19+$0x0] =	vst.idx.msk $0xffff, v28  }
0x49a: {  	v51 =	vmovc v50;
	v28 =	vadd.f32 v34, v42;
	v33 =	vor.u32 v4, v47;
	v27 =	vand.u32 $0x3D8, v27;
	v34 =	vld.idx.msk [tilespmem:v57+s13+$0x0], $0xffff  }
0x49b: {  	v50 =	vmovc v36;
	v33 =	vand.u32 $0x398, v33;
	v55 =	vor.u32 v27, v39;
	v27 =	vor.u32 v12, v52  }
0x49c: {  	v36 =	vand.u32 $0x3D8, v27;
	[tilespmem:v54+s19+$0x0] =	vst.idx.msk $0xffff, v28;
	v28 =	vor.u32 v33, v48;
	v33 =	vor.u32 v13, v44  }
0x49d: {  	v27 =	vor.u32 v8, v51;
	v54 =	vor.u32 v5, v25;
	v36 =	vor.u32 v36, v38;
	v32 =	vld.idx.msk [tilespmem:v32+s13+$0x0], $0xffff  }
0x49e: {  	v63 =	vor.u32 v13, v45;
	v57 =	vor.u32 v6, v51;
	v30 =	vadd.f32 v30, v40  }
0x49f: {  	v60 =	vor.u32 v0, v50;
	v57 =	vand.u32 $0x3A8, v57;
	v53 =	vadd.f32 v53, v43  }
0x4a0: {  	v62 =	vor.u32 $0x20, v58;
	v57 =	vor.u32 v57, v46;
	[tilespmem:v55+s19+$0x0] =	vst.idx.msk $0xffff, v30;
	v30 =	vadd.f32 v34, v41  }
0x4a1: {  	v35 =	vand.u32 $0x7, v35;
	v23 =	vor.u32 v7, v49;
	v34 =	vand.u32 $0x28, v62;
	[tilespmem:v28+s19+$0x0] =	vst.idx.msk $0xffff, v53;
	v24 =	vld.idx.msk [tilespmem:v33+s13+$0x0], $0xffff  }
0x4a2: {  	v29 =	vor.u32 v35, v34;
	v28 =	vand.u32 $0x3E8, v37;
	v53 =	vand.u32 $0x3F8, v56;
	v31 =	vld.idx.msk [tilespmem:v54+s13+$0x0], $0xffff;
	[tilespmem:v36+s19+$0x0] =	vst.idx.msk $0xffff, v30  }
0x4a3: {  	v59 =	vor.u32 v17, v29;
	v30 =	vadd.f32 v32, v42;
	v32 =	vor.u32 v6, v47;
	v58 =	vld.idx.msk [tilespmem:v63+s13+$0x0], $0xffff  }
.Ltmp6:
0x4a4: {  	v55 =	vor.u32 v28, v39;
	v28 =	vor.u32 v14, v52;
	v32 =	vand.u32 $0x3A8, v32;
	(pc) =	sbr.rel @p0 .LBB2_15-.Ltmp6, $4  }
0x4a5: {  	v54 =	vor.u32 v15, v44;
	v34 =	vor.u32 v32, v48;
	[tilespmem:v57+s19+$0x0] =	vst.idx.msk $0xffff, v30;
	v30 =	vand.u32 $0x3E8, v28  }
0x4a6: {  	v35 =	vor.u32 v7, v25;
	v44 =	vmovc v49;
	v28 =	vand.u32 $0x3C8, v61;
	v33 =	vld.idx.msk [tilespmem:v23+s13+$0x0], $0xffff;
	v56 =	vor.u32 v30, v38  }
0x4a7: {  	s28 =	sadd.s32 $0x1, s26;
	v32 =	vor.u32 v9, v44;
	v57 =	vor.u32 v15, v45;
	v45 =	vmovc v25;
	v61 =	vadd.f32 v24, v40  }
0x4a8: {  	s26 =	sadd.s32 $0x2, s26;
	v37 =	vor.u32 v1, v29;
	v49 =	vmovc v29;
	v63 =	vadd.s32 s28, v0;
	v36 =	vadd.f32 v31, v43  }
0x4a9: {  	v23 =	vand.u32 $0xF, v63  }
0x4aa: {  	v23 =	vor.u32 $0x20, v23  }
0x4ab: {  	v25 =	vand.u32 $0x7, v63;
	v24 =	vand.u32 $0x28, v23  }
0x4ac: {  	v30 =	vor.u32 v25, v24  }
0x4ad: {  	v24 =	vor.u32 v17, v30  }
0x4ae: {  	v25 =	vor.u32 v1, v30;
	_ =	sdelay $0x1  }
0x4af: {  	v59 =	vld.idx.msk [tilespmem:v59+s9+$0x0], $0xffff  }
0x4b0: {  	v29 =	vshll.u32 v62, $0x7;
	v31 =	vld.idx.msk [tilespmem:v37+s13+$0x0], $0xffff;
	v37 =	vand.u32 $0x388, v60  }
0x4b1: {  	v62 =	vshll.u32 v63, $0x7;
	v29 =	vand.u32 $0x1400, v29;
	v23 =	vshll.u32 v23, $0x7;
	v60 =	vld.idx.msk [tilespmem:v24+s9+$0x0], $0xffff  }
0x4b2: {  	v63 =	vor.u32 v2, v29;
	v23 =	vand.u32 $0x1400, v23;
	v24 =	vld.idx.msk [tilespmem:v25+s13+$0x0], $0xffff;
	v25 =	vor.u32 v0, v62  }
0x4b3: {  	v29 =	vor.u32 v37, v63;
	v37 =	vand.u32 $0x388, v25;
	v25 =	vor.u32 v2, v23  }
0x4b4: {  	v23 =	vor.u32 v3, v49;
	v37 =	vor.u32 v37, v25  }
0x4b5: {  	v26 =	vor.u32 v3, v30  }
0x4b6: {  	v31 =	vadd.f32 v31, v59  }
0x4b7: {  	v24 =	vadd.f32 v24, v60  }
0x4b8: {  	[tilespmem:v29+s19+$0x0] =	vst.idx.msk $0xffff, v31  }
0x4b9: {  	v29 =	vor.u32 v4, v50;
	v23 =	vld.idx.msk [tilespmem:v23+s13+$0x0], $0xffff;
	[tilespmem:v37+s19+$0x0] =	vst.idx.msk $0xffff, v24  }
0x4ba: {  	v24 =	vand.u32 $0x398, v29;
	v29 =	vor.u32 v4, v62;
	v26 =	vld.idx.msk [tilespmem:v26+s13+$0x0], $0xffff  }
0x4bb: {  	v24 =	vor.u32 v24, v63;
	v29 =	vand.u32 $0x398, v29  }
0x4bc: {  	v31 =	vor.u32 v5, v49;
	v29 =	vor.u32 v29, v25  }
0x4bd: {  	v37 =	vor.u32 v5, v30  }
0x4be: {  	v23 =	vadd.f32 v23, v59  }
0x4bf: {  	v26 =	vadd.f32 v26, v60  }
0x4c0: {  	[tilespmem:v24+s19+$0x0] =	vst.idx.msk $0xffff, v23  }
0x4c1: {  	v24 =	vor.u32 v6, v50;
	v23 =	vld.idx.msk [tilespmem:v31+s13+$0x0], $0xffff;
	[tilespmem:v29+s19+$0x0] =	vst.idx.msk $0xffff, v26  }
0x4c2: {  	v24 =	vand.u32 $0x3A8, v24;
	v29 =	vor.u32 v6, v62;
	v26 =	vld.idx.msk [tilespmem:v37+s13+$0x0], $0xffff  }
0x4c3: {  	v24 =	vor.u32 v24, v63;
	v29 =	vand.u32 $0x3A8, v29  }
0x4c4: {  	v31 =	vor.u32 v7, v49;
	v29 =	vor.u32 v29, v25  }
0x4c5: {  	v37 =	vor.u32 v7, v30  }
0x4c6: {  	v23 =	vadd.f32 v23, v59  }
0x4c7: {  	v27 =	vand.u32 $0x3B8, v27;
	[tilespmem:v34+s19+$0x0] =	vst.idx.msk $0xffff, v36;
	v26 =	vadd.f32 v26, v60  }
0x4c8: {  	v27 =	vor.u32 v27, v46;
	v36 =	vor.u32 v8, v47;
	v34 =	vld.idx.msk [tilespmem:v35+s13+$0x0], $0xffff;
	[tilespmem:v24+s19+$0x0] =	vst.idx.msk $0xffff, v23  }
0x4c9: {  	v23 =	vand.u32 $0x3B8, v36;
	v24 =	vor.u32 v8, v50;
	v31 =	vld.idx.msk [tilespmem:v31+s13+$0x0], $0xffff;
	[tilespmem:v29+s19+$0x0] =	vst.idx.msk $0xffff, v26  }
0x4ca: {  	v23 =	vor.u32 v23, v48;
	v24 =	vand.u32 $0x3B8, v24;
	v29 =	vor.u32 v8, v62;
	v26 =	vld.idx.msk [tilespmem:v37+s13+$0x0], $0xffff  }
0x4cb: {  	v35 =	vor.u32 v9, v45;
	v24 =	vor.u32 v24, v63;
	v29 =	vand.u32 $0x3B8, v29  }
0x4cc: {  	v33 =	vadd.f32 v33, v42;
	v36 =	vor.u32 v9, v49;
	v29 =	vor.u32 v29, v25  }
0x4cd: {  	v34 =	vadd.f32 v34, v43;
	v37 =	vor.u32 v9, v30  }
0x4ce: {  	[tilespmem:v27+s19+$0x0] =	vst.idx.msk $0xffff, v33;
	v27 =	vadd.f32 v31, v59  }
0x4cf: {  	v28 =	vor.u32 v28, v46;
	v31 =	vld.idx.msk [tilespmem:v32+s13+$0x0], $0xffff;
	[tilespmem:v23+s19+$0x0] =	vst.idx.msk $0xffff, v34;
	v23 =	vadd.f32 v26, v60  }
0x4d0: {  	v33 =	vor.u32 v11, v44;
	v32 =	vor.u32 v10, v47;
	v26 =	vld.idx.msk [tilespmem:v35+s13+$0x0], $0xffff;
	[tilespmem:v24+s19+$0x0] =	vst.idx.msk $0xffff, v27  }
0x4d1: {  	v24 =	vand.u32 $0x3C8, v32;
	v27 =	vor.u32 v10, v50;
	v32 =	vld.idx.msk [tilespmem:v36+s13+$0x0], $0xffff;
	[tilespmem:v29+s19+$0x0] =	vst.idx.msk $0xffff, v23  }
0x4d2: {  	v23 =	vor.u32 v24, v48;
	v24 =	vand.u32 $0x3C8, v27;
	v29 =	vor.u32 v10, v62;
	v27 =	vld.idx.msk [tilespmem:v37+s13+$0x0], $0xffff  }
0x4d3: {  	v34 =	vor.u32 v11, v45;
	v24 =	vor.u32 v24, v63;
	v29 =	vand.u32 $0x3C8, v29  }
0x4d4: {  	v35 =	vor.u32 v11, v49;
	v31 =	vadd.f32 v31, v42;
	v29 =	vor.u32 v29, v25  }
0x4d5: {  	v36 =	vor.u32 v12, v51;
	v37 =	vor.u32 v11, v30;
	v26 =	vadd.f32 v26, v43  }
0x4d6: {  	[tilespmem:v28+s19+$0x0] =	vst.idx.msk $0xffff, v31;
	v28 =	vand.u32 $0x3D8, v36;
	v31 =	vadd.f32 v32, v59  }
0x4d7: {  	v36 =	vld.idx.msk [tilespmem:v33+s13+$0x0], $0xffff;
	v33 =	vor.u32 v13, v44;
	[tilespmem:v23+s19+$0x0] =	vst.idx.msk $0xffff, v26;
	v26 =	vadd.f32 v27, v60  }
0x4d8: {  	v23 =	vor.u32 v28, v46;
	v28 =	vor.u32 v12, v47;
	v27 =	vld.idx.msk [tilespmem:v34+s13+$0x0], $0xffff;
	[tilespmem:v24+s19+$0x0] =	vst.idx.msk $0xffff, v31  }
0x4d9: {  	v24 =	vand.u32 $0x3D8, v28;
	v31 =	vor.u32 v12, v50;
	v28 =	vld.idx.msk [tilespmem:v35+s13+$0x0], $0xffff;
	[tilespmem:v29+s19+$0x0] =	vst.idx.msk $0xffff, v26  }
0x4da: {  	v24 =	vor.u32 v24, v48;
	v26 =	vand.u32 $0x3D8, v31;
	v31 =	vor.u32 v12, v62;
	v29 =	vld.idx.msk [tilespmem:v37+s13+$0x0], $0xffff  }
0x4db: {  	v34 =	vor.u32 v13, v45;
	v26 =	vor.u32 v26, v63;
	v31 =	vand.u32 $0x3D8, v31  }
0x4dc: {  	v35 =	vor.u32 v13, v49;
	v32 =	vadd.f32 v36, v42;
	v31 =	vor.u32 v31, v25  }
0x4dd: {  	v36 =	vor.u32 v13, v30;
	v27 =	vadd.f32 v27, v43  }
0x4de: {  	[tilespmem:v23+s19+$0x0] =	vst.idx.msk $0xffff, v32;
	v23 =	vor.u32 v14, v51;
	v28 =	vadd.f32 v28, v59  }
0x4df: {  	v23 =	vand.u32 $0x3E8, v23;
	[tilespmem:v24+s19+$0x0] =	vst.idx.msk $0xffff, v27;
	v24 =	vld.idx.msk [tilespmem:v33+s13+$0x0], $0xffff;
	v27 =	vadd.f32 v29, v60  }
0x4e0: {  	v23 =	vor.u32 v23, v46;
	[tilespmem:v26+s19+$0x0] =	vst.idx.msk $0xffff, v28;
	v26 =	vld.idx.msk [tilespmem:v34+s13+$0x0], $0xffff;
	v28 =	vor.u32 v14, v47  }
0x4e1: {  	v28 =	vand.u32 $0x3E8, v28;
	v29 =	vld.idx.msk [tilespmem:v35+s13+$0x0], $0xffff;
	[tilespmem:v31+s19+$0x0] =	vst.idx.msk $0xffff, v27;
	v27 =	vor.u32 v14, v50  }
0x4e2: {  	v37 =	vor.u32 v14, v62;
	v28 =	vor.u32 v28, v48;
	v27 =	vand.u32 $0x3E8, v27;
	v31 =	vld.idx.msk [tilespmem:v36+s13+$0x0], $0xffff  }
0x4e3: {  	v58 =	vadd.f32 v58, v41;
	v32 =	vand.u32 $0x3E8, v37;
	v27 =	vor.u32 v27, v63  }
0x4e4: {  	[tilespmem:v55+s19+$0x0] =	vst.idx.msk $0xffff, v61;
	v32 =	vor.u32 v32, v25;
	v24 =	vadd.f32 v24, v42  }
0x4e5: {  	[tilespmem:v56+s19+$0x0] =	vst.idx.msk $0xffff, v58;
	v26 =	vadd.f32 v26, v43  }
0x4e6: {  	[tilespmem:v23+s19+$0x0] =	vst.idx.msk $0xffff, v24;
	v29 =	vadd.f32 v29, v59  }
0x4e7: {  	v37 =	vor.u32 v15, v44;
	v36 =	vld.idx.msk [tilespmem:v54+s13+$0x0], $0xffff;
	[tilespmem:v28+s19+$0x0] =	vst.idx.msk $0xffff, v26;
	v28 =	vadd.f32 v31, v60  }
0x4e8: {  	v23 =	vld.idx.msk [tilespmem:v57+s13+$0x0], $0xffff;
	[tilespmem:v27+s19+$0x0] =	vst.idx.msk $0xffff, v29;
	v27 =	vor.u32 v16, v52  }
0x4e9: {  	v24 =	vor.u32 v15, v45;
	[tilespmem:v32+s19+$0x0] =	vst.idx.msk $0xffff, v28;
	v28 =	vor.u32 v53, v39;
	v27 =	vand.u32 $0x3F8, v27  }
0x4ea: {  	v26 =	vor.u32 v15, v49;
	v27 =	vor.u32 v27, v38  }
0x4eb: {  	v45 =	vor.u32 v16, v47  }
0x4ec: {  	v44 =	vld.idx.msk [tilespmem:v37+s13+$0x0], $0xffff;
	v33 =	vand.u32 $0x3F8, v45;
	v29 =	vor.u32 v15, v30;
	v30 =	vadd.f32 v36, v40  }
0x4ed: {  	v33 =	vor.u32 v33, v48;
	v23 =	vadd.f32 v23, v41;
	v48 =	vld [tilespmem:$0x1FC20]  }
0x4ee: {  	v31 =	vor.u32 v16, v51;
	v24 =	vld.idx.msk [tilespmem:v24+s13+$0x0], $0xffff;
	[tilespmem:v28+s19+$0x0] =	vst.idx.msk $0xffff, v30  }
0x4ef: {  	v31 =	vand.u32 $0x3F8, v31;
	v26 =	vld.idx.msk [tilespmem:v26+s13+$0x0], $0xffff;
	[tilespmem:v27+s19+$0x0] =	vst.idx.msk $0xffff, v23  }
0x4f0: {  	v31 =	vor.u32 v31, v46;
	v46 =	vor.u32 v16, v50;
	v27 =	vld [tilespmem:$0x1FC30]  }
0x4f1: {  	v47 =	vor.u32 v16, v62;
	v34 =	vand.u32 $0x3F8, v46;
	v29 =	vld.idx.msk [tilespmem:v29+s13+$0x0], $0xffff  }
0x4f2: {  	v35 =	vand.u32 $0x3F8, v47;
	v34 =	vor.u32 v34, v63;
	v36 =	vor.u32 $0x30, v48  }
0x4f3: {  	v25 =	vor.u32 v35, v25;
	v28 =	vadd.f32 v44, v42;
	v41 =	vand.u32 $0x3F, v36  }
0x4f4: {  	v23 =	vadd.f32 v24, v43;
	v24 =	vor.u32 v17, v41  }
0x4f5: {  	[tilespmem:v31+s19+$0x0] =	vst.idx.msk $0xffff, v28;
	v26 =	vadd.f32 v26, v59;
	v27 =	vor.u32 $0x30, v27  }
0x4f6: {  	v28 =	vor.u32 v1, v41;
	[tilespmem:v33+s19+$0x0] =	vst.idx.msk $0xffff, v23;
	v23 =	vadd.f32 v29, v60;
	v39 =	vand.u32 $0x3F, v27  }
0x4f7: {  	[tilespmem:v34+s19+$0x0] =	vst.idx.msk $0xffff, v26;
	v29 =	vor.u32 v17, v39  }
0x4f8: {  	[tilespmem:v25+s19+$0x0] =	vst.idx.msk $0xffff, v23;
	v27 =	vshll.u32 v27, $0x7;
	v26 =	vor.u32 v1, v39  }
0x4f9: {  	v24 =	vld.idx.msk [tilespmem:v24+s9+$0x0], $0xffff;
	v27 =	vand.u32 $0x1C00, v27  }
0x4fa: {  	v23 =	vshll.u32 v36, $0x7;
	v40 =	vor.u32 v2, v27;
	v27 =	vld [tilespmem:$0x1FC40]  }
0x4fb: {  	v25 =	vor.u32 v0, v22;
	v23 =	vand.u32 $0x1C00, v23;
	v28 =	vld.idx.msk [tilespmem:v28+s13+$0x0], $0xffff  }
0x4fc: {  	v25 =	vand.u32 $0x388, v25;
	v38 =	vor.u32 v2, v23;
	v23 =	vld.idx.msk [tilespmem:v29+s9+$0x0], $0xffff  }
0x4fd: {  	v25 =	vor.u32 v25, v38;
	v26 =	vld.idx.msk [tilespmem:v26+s13+$0x0], $0xffff;
	_ =	sdelay $0x1  }
0x4fe: {  	v27 =	vor.u32 v27, v40  }
0x4ff: {  	v28 =	vadd.f32 v28, v24  }
0x500: {  	v29 =	vor.u32 v3, v41  }
0x501: {  	[tilespmem:v25+s19+$0x0] =	vst.idx.msk $0xffff, v28;
	v25 =	vadd.f32 v26, v23;
	_ =	sdelay $0x1  }
0x502: {  	[tilespmem:v27+s19+$0x0] =	vst.idx.msk $0xffff, v25  }
0x503: {  	v30 =	vor.u32 v3, v39;
	v25 =	vld [tilespmem:$0x1FC50]  }
0x504: {  	v26 =	vld.idx.msk [tilespmem:v29+s13+$0x0], $0xffff  }
0x505: {  	v29 =	vld [tilespmem:$0x1FC60];
	_ =	sdelay $0x2  }
0x506: {  	v27 =	vld.idx.msk [tilespmem:v30+s13+$0x0], $0xffff;
	v25 =	vor.u32 v25, v38;
	_ =	sdelay $0x1  }
0x507: {  	v29 =	vor.u32 v29, v40  }
0x508: {  	v26 =	vadd.f32 v26, v24  }
0x509: {  	v28 =	vor.u32 v5, v41  }
0x50a: {  	[tilespmem:v25+s19+$0x0] =	vst.idx.msk $0xffff, v26;
	v25 =	vadd.f32 v27, v23;
	_ =	sdelay $0x1  }
0x50b: {  	v30 =	vor.u32 v5, v39;
	[tilespmem:v29+s19+$0x0] =	vst.idx.msk $0xffff, v25  }
0x50c: {  	v29 =	vld [tilespmem:$0x1FC80]  }
0x50d: {  	v27 =	vor.u32 v6, v22;
	v26 =	vld.idx.msk [tilespmem:v28+s13+$0x0], $0xffff  }
0x50e: {  	v27 =	vand.u32 $0x3A8, v27  }
0x50f: {  	v25 =	vor.u32 v27, v38  }
0x510: {  	v27 =	vld.idx.msk [tilespmem:v30+s13+$0x0], $0xffff  }
0x511: {  	v30 =	vor.u32 $0x30, v29;
	v29 =	vld [tilespmem:$0x1FC70]  }
0x512: {  	v26 =	vadd.f32 v26, v24;
	_ =	sdelay $0x1  }
0x513: {  	[tilespmem:v25+s19+$0x0] =	vst.idx.msk $0xffff, v26  }
0x514: {  	v52 =	vld [tilespmem:$0x1FCB0]  }
0x515: {  	v28 =	vor.u32 v7, v41;
	v31 =	vor.u32 v29, v40  }
0x516: {  	v33 =	vand.u32 $0x3F, v30  }
0x517: {  	v51 =	vor.u32 v1, v33  }
0x518: {  	v49 =	vor.u32 v7, v39;
	v25 =	vadd.f32 v27, v23  }
0x519: {  	v22 =	vor.u32 v8, v22;
	v50 =	vor.u32 v17, v33;
	v27 =	vor.u32 $0x30, v52  }
0x51a: {  	v26 =	vld.idx.msk [tilespmem:v28+s13+$0x0], $0xffff;
	v28 =	vor.u32 v0, v19;
	v30 =	vshll.u32 v30, $0x7;
	v29 =	vand.u32 $0x3F, v27;
	[tilespmem:v31+s19+$0x0] =	vst.idx.msk $0xffff, v25  }
0x51b: {  	v57 =	vand.u32 $0x388, v28;
	v28 =	vand.u32 $0x1C00, v30;
	v25 =	vor.u32 v17, v29;
	v30 =	vld [tilespmem:$0x1FC90]  }
0x51c: {  	v56 =	vld.idx.msk [tilespmem:v51+s13+$0x0], $0xffff;
	v53 =	vor.u32 v1, v29;
	v31 =	vand.u32 $0x3B8, v22  }
0x51d: {  	v32 =	vld.idx.msk [tilespmem:v49+s13+$0x0], $0xffff;
	v31 =	vor.u32 v31, v38  }
0x51e: {  	v28 =	vor.u32 v2, v28;
	v22 =	vld.idx.msk [tilespmem:v50+s9+$0x0], $0xffff  }
0x51f: {  	v35 =	vor.u32 v57, v28;
	v59 =	vadd.f32 v26, v24  }
0x520: {  	v26 =	vld.idx.msk [tilespmem:v25+s9+$0x0], $0xffff;
	v25 =	vshll.u32 v27, $0x7;
	v58 =	vor.u32 v30, v40;
	v30 =	vshll.u32 v52, $0x7  }
0x521: {  	v27 =	vld.idx.msk [tilespmem:v53+s13+$0x0], $0xffff;
	v25 =	vand.u32 $0x1C00, v25;
	v62 =	vor.u32 v0, v30  }
0x522: {  	v61 =	vadd.f32 v32, v23;
	[tilespmem:v31+s19+$0x0] =	vst.idx.msk $0xffff, v59;
	v32 =	vor.u32 v2, v25;
	v31 =	vand.u32 $0x388, v62  }
0x523: {  	v25 =	vadd.f32 v56, v22;
	v31 =	vor.u32 v31, v32;
	_ =	sdelay $0x1  }
0x524: {  	v54 =	vor.u32 v9, v41;
	[tilespmem:v35+s19+$0x0] =	vst.idx.msk $0xffff, v25  }
0x525: {  	v60 =	vor.u32 v9, v39;
	v27 =	vadd.f32 v27, v26;
	[tilespmem:v58+s19+$0x0] =	vst.idx.msk $0xffff, v61  }
0x526: {  	v55 =	vor.u32 v3, v33;
	v25 =	vld [tilespmem:$0x1FCA0]  }
0x527: {  	[tilespmem:v31+s19+$0x0] =	vst.idx.msk $0xffff, v27  }
0x528: {  	v31 =	vld [tilespmem:$0x1FCC0]  }
0x529: {  	v63 =	vld.idx.msk [tilespmem:v54+s13+$0x0], $0xffff  }
0x52a: {  	v49 =	vor.u32 v10, v18;
	v36 =	vld.idx.msk [tilespmem:v60+s13+$0x0], $0xffff  }
0x52b: {  	v50 =	vand.u32 $0x3C8, v49;
	v42 =	vld.idx.msk [tilespmem:v55+s13+$0x0], $0xffff;
	v25 =	vor.u32 v25, v38  }
0x52c: {  	v35 =	vor.u32 v50, v40  }
0x52d: {  	v31 =	vor.u32 v31, v28  }
0x52e: {  	v27 =	vadd.f32 v63, v24  }
0x52f: {  	v36 =	vadd.f32 v36, v23  }
0x530: {  	v48 =	vor.u32 v3, v29;
	v56 =	vadd.f32 v42, v22;
	[tilespmem:v25+s19+$0x0] =	vst.idx.msk $0xffff, v27  }
0x531: {  	v51 =	vor.u32 v11, v41;
	v25 =	vld [tilespmem:$0x1FCE0];
	[tilespmem:v35+s19+$0x0] =	vst.idx.msk $0xffff, v36  }
0x532: {  	v52 =	vor.u32 v11, v39;
	[tilespmem:v31+s19+$0x0] =	vst.idx.msk $0xffff, v56  }
0x533: {  	v54 =	vor.u32 v5, v33;
	v31 =	vld [tilespmem:$0x1FCD0];
	_ =	sdelay $0x1  }
0x534: {  	v55 =	vor.u32 v4, v30;
	v53 =	vld.idx.msk [tilespmem:v48+s13+$0x0], $0xffff  }
0x535: {  	v27 =	vand.u32 $0x398, v55;
	v43 =	vld.idx.msk [tilespmem:v51+s13+$0x0], $0xffff  }
0x536: {  	v59 =	vor.u32 v12, v18;
	v27 =	vor.u32 v27, v32;
	v57 =	vld.idx.msk [tilespmem:v52+s13+$0x0], $0xffff  }
0x537: {  	v62 =	vor.u32 v6, v19;
	v60 =	vand.u32 $0x3D8, v59;
	v61 =	vld.idx.msk [tilespmem:v54+s13+$0x0], $0xffff;
	v31 =	vor.u32 v31, v38  }
0x538: {  	v47 =	vand.u32 $0x3A8, v62;
	v35 =	vor.u32 v60, v40  }
0x539: {  	v58 =	vor.u32 v5, v29;
	v34 =	vadd.f32 v53, v26;
	v56 =	vor.u32 v47, v28  }
0x53a: {  	v43 =	vadd.f32 v43, v24  }
0x53b: {  	[tilespmem:v27+s19+$0x0] =	vst.idx.msk $0xffff, v34;
	v42 =	vadd.f32 v57, v23  }
0x53c: {  	v25 =	vor.u32 $0x30, v25;
	v61 =	vadd.f32 v61, v22;
	[tilespmem:v31+s19+$0x0] =	vst.idx.msk $0xffff, v43  }
0x53d: {  	v46 =	vor.u32 v13, v41;
	v37 =	vshll.u32 v25, $0x7;
	v27 =	vand.u32 $0x3F, v25;
	v25 =	vld [tilespmem:$0x1FCF0];
	[tilespmem:v35+s19+$0x0] =	vst.idx.msk $0xffff, v42  }
0x53e: {  	v63 =	vor.u32 v13, v39;
	v57 =	vld.idx.msk [tilespmem:v58+s13+$0x0], $0xffff;
	[tilespmem:v56+s19+$0x0] =	vst.idx.msk $0xffff, v61  }
0x53f: {  	v34 =	vld [tilespmem:$0x1FD00]  }
0x540: {  	v45 =	vor.u32 v8, v19;
	v59 =	vor.u32 v6, v30;
	v58 =	vor.u32 v7, v33  }
0x541: {  	v44 =	vor.u32 v9, v33;
	v49 =	vor.u32 v7, v29;
	v60 =	vand.u32 $0x3A8, v59  }
0x542: {  	v50 =	vor.u32 v60, v32;
	v31 =	vor.u32 v15, v41;
	v41 =	vor.u32 v17, v27;
	v47 =	vld.idx.msk [tilespmem:v46+s13+$0x0], $0xffff  }
0x543: {  	v62 =	vor.u32 v14, v18;
	v36 =	vor.u32 v0, v20;
	v52 =	vor.u32 v1, v27;
	v46 =	vld.idx.msk [tilespmem:v63+s13+$0x0], $0xffff  }
0x544: {  	v51 =	vadd.f32 v57, v26;
	v63 =	vand.u32 $0x3E8, v62;
	v42 =	vor.u32 v34, v38  }
0x545: {  	v35 =	vadd.s32 s25, v0;
	s25 =	simm.s32 $0x6;
	v48 =	vld.idx.msk [tilespmem:v58+s13+$0x0], $0xffff;
	v25 =	vand.u32 $0x3F8, v25;
	v34 =	vor.u32 v63, v40  }
.LBB2_17:
0x546: {  	p0 =	slt.u32 s25, $0xE;
	v43 =	vor.u32 v3, v27;
	v53 =	vor.u32 $0x30, v35;
	v54 =	vor.u32 v15, v39;
	v39 =	vmovc v29  }
0x547: {  	v45 =	vand.u32 $0x3B8, v45;
	v47 =	vadd.f32 v47, v24;
	v41 =	vld.idx.msk [tilespmem:v41+s9+$0x0], $0xffff;
	v29 =	vand.u32 $0x3F, v53;
	[tilespmem:v50+s19+$0x0] =	vst.idx.msk $0xffff, v51  }
0x548: {  	v45 =	vor.u32 v45, v28;
	v46 =	vadd.f32 v46, v23;
	v50 =	vor.u32 v17, v29;
	v49 =	vld.idx.msk [tilespmem:v49+s13+$0x0], $0xffff  }
0x549: {  	v55 =	vor.u32 v8, v30;
	v51 =	vld.idx.msk [tilespmem:v52+s13+$0x0], $0xffff;
	v52 =	vor.u32 v1, v29;
	[tilespmem:v42+s19+$0x0] =	vst.idx.msk $0xffff, v47  }
0x54a: {  	v36 =	vand.u32 $0x388, v36;
	v37 =	vand.u32 $0x1C00, v37;
	v42 =	vand.u32 $0x3B8, v55;
	v31 =	vld.idx.msk [tilespmem:v31+s13+$0x0], $0xffff;
	[tilespmem:v34+s19+$0x0] =	vst.idx.msk $0xffff, v46  }
0x54b: {  	v34 =	vor.u32 v2, v37;
	v37 =	vadd.f32 v48, v22;
	v42 =	vor.u32 v42, v32;
	v46 =	vld.idx.msk [tilespmem:v54+s13+$0x0], $0xffff  }
0x54c: {  	v47 =	vor.u32 v9, v39;
	v48 =	vor.u32 v16, v18;
	v18 =	vmovc v30;
	v36 =	vor.u32 v36, v34  }
0x54d: {  	v25 =	vor.u32 v25, v38;
	v30 =	vshll.u32 v35, $0x7;
	v35 =	vld.idx.msk [tilespmem:v50+s9+$0x0], $0xffff;
	[tilespmem:v45+s19+$0x0] =	vst.idx.msk $0xffff, v37;
	v37 =	vand.u32 $0x3F8, v48  }
0x54e: {  	v38 =	vmovc v28;
	v48 =	vshll.u32 v53, $0x7;
	v49 =	vadd.f32 v49, v26;
	v45 =	vld.idx.msk [tilespmem:v52+s13+$0x0], $0xffff;
	v37 =	vor.u32 v37, v40  }
0x54f: {  	v28 =	vmovc v34;
	v50 =	vor.u32 v0, v30;
	v40 =	vadd.f32 v51, v41;
	v48 =	vand.u32 $0x1C00, v48;
	v44 =	vld.idx.msk [tilespmem:v44+s13+$0x0], $0xffff  }
0x550: {  	v34 =	vand.u32 $0x388, v50;
	v48 =	vor.u32 v2, v48;
	[tilespmem:v42+s19+$0x0] =	vst.idx.msk $0xffff, v49;
	v42 =	vadd.f32 v31, v24  }
0x551: {  	v31 =	vor.u32 v34, v48;
	v23 =	vadd.f32 v46, v23;
	[tilespmem:v36+s19+$0x0] =	vst.idx.msk $0xffff, v40;
	v34 =	vld.idx.msk [tilespmem:v47+s13+$0x0], $0xffff  }
0x552: {  	v21 =	vand.u32 $0x3C8, v21;
	v36 =	vor.u32 v3, v29;
	v40 =	vor.u32 v10, v18;
	[tilespmem:v25+s19+$0x0] =	vst.idx.msk $0xffff, v42  }
0x553: {  	v21 =	vor.u32 v21, v38;
	v24 =	vmovc v22;
	v22 =	vmov v41;
	v25 =	vand.u32 $0x3C8, v40;
	[tilespmem:v37+s19+$0x0] =	vst.idx.msk $0xffff, v23  }
0x554: {  	v41 =	vor.u32 v11, v33;
	v40 =	vadd.f32 v45, v35;
	v25 =	vor.u32 v25, v32;
	v37 =	vld.idx.msk [tilespmem:v43+s13+$0x0], $0xffff  }
0x555: {  	v42 =	vadd.s32 s25, v0;
	v45 =	vor.u32 v11, v39;
	v43 =	vor.u32 v4, v20;
	v23 =	vmovc v26;
	v26 =	vmovc v35  }
0x556: {  	v35 =	vand.u32 $0x398, v43;
	v43 =	vor.u32 v16, v19;
	[tilespmem:v31+s19+$0x0] =	vst.idx.msk $0xffff, v40;
	v31 =	vadd.f32 v44, v24  }
0x557: {  	v35 =	vor.u32 v35, v28;
	v44 =	vor.u32 v14, v19;
	v34 =	vadd.f32 v34, v23;
	v36 =	vld.idx.msk [tilespmem:v36+s13+$0x0], $0xffff  }
0x558: {  	v47 =	vor.u32 v5, v27;
	v46 =	vshll.u32 v42, $0x7;
	v40 =	vor.u32 v4, v30;
	[tilespmem:v21+s19+$0x0] =	vst.idx.msk $0xffff, v31  }
0x559: {  	v19 =	vor.u32 v12, v19;
	v50 =	vand.u32 $0x398, v40;
	v31 =	vor.u32 $0x30, v42;
	v41 =	vld.idx.msk [tilespmem:v41+s13+$0x0], $0xffff;
	[tilespmem:v25+s19+$0x0] =	vst.idx.msk $0xffff, v34  }
0x55a: {  	v21 =	vor.u32 v10, v20;
	v25 =	vadd.f32 v37, v22;
	v34 =	vor.u32 v50, v48;
	v42 =	vld.idx.msk [tilespmem:v45+s13+$0x0], $0xffff  }
0x55b: {  	v49 =	vor.u32 v5, v29;
	v19 =	vand.u32 $0x3D8, v19;
	v37 =	vor.u32 v12, v18;
	v40 =	vmovc v32;
	v32 =	vmovc v48  }
0x55c: {  	v45 =	vor.u32 v8, v20;
	v37 =	vand.u32 $0x3D8, v37;
	[tilespmem:v35+s19+$0x0] =	vst.idx.msk $0xffff, v25;
	v25 =	vor.u32 v19, v38  }
0x55d: {  	v48 =	vor.u32 v13, v33;
	v50 =	vor.u32 v37, v40;
	v35 =	vld.idx.msk [tilespmem:v47+s13+$0x0], $0xffff;
	v47 =	vadd.f32 v36, v26  }
0x55e: {  	v51 =	vor.u32 v6, v20;
	v52 =	vor.u32 v13, v39;
	v19 =	vmovc v20;
	v36 =	vor.u32 v0, v46  }
0x55f: {  	v51 =	vand.u32 $0x3A8, v51;
	v37 =	vshll.u32 v31, $0x7;
	v20 =	vmovc v46;
	[tilespmem:v34+s19+$0x0] =	vst.idx.msk $0xffff, v47;
	v34 =	vadd.f32 v41, v24  }
0x560: {  	v51 =	vor.u32 v51, v28;
	v53 =	vand.u32 $0x3F, v31;
	v41 =	vadd.f32 v42, v23;
	v54 =	vld.idx.msk [tilespmem:v49+s13+$0x0], $0xffff  }
0x561: {  	v55 =	vor.u32 v7, v27;
	v31 =	vor.u32 v6, v30;
	[tilespmem:v25+s19+$0x0] =	vst.idx.msk $0xffff, v34;
	v25 =	vand.u32 $0x3F8, v43  }
.Ltmp7:
0x562: {  	v42 =	vand.u32 $0x3E8, v44;
	v34 =	vand.u32 $0x3A8, v31;
	v31 =	vor.u32 v15, v33;
	v47 =	vld.idx.msk [tilespmem:v48+s13+$0x0], $0xffff;
	[tilespmem:v50+s19+$0x0] =	vst.idx.msk $0xffff, v41;
	(pc) =	sbr.rel @p0 .LBB2_17-.Ltmp7, $4  }
0x563: {  	v41 =	vor.u32 v17, v53;
	v35 =	vadd.f32 v35, v22;
	v50 =	vor.u32 v34, v32;
	v46 =	vld.idx.msk [tilespmem:v52+s13+$0x0], $0xffff  }
0x564: {  	v44 =	vor.u32 v9, v27;
	v49 =	vor.u32 v7, v29;
	v33 =	vmovc v27;
	v34 =	vor.u32 v14, v18  }
0x565: {  	s26 =	sadd.s32 $0x1, s25;
	v42 =	vor.u32 v42, v38;
	v52 =	vor.u32 v1, v53;
	v43 =	vand.u32 $0x3E8, v34;
	[tilespmem:v51+s19+$0x0] =	vst.idx.msk $0xffff, v35  }
0x566: {  	s25 =	sadd.s32 $0x2, s25;
	v27 =	vmovc v53;
	v34 =	vor.u32 v43, v40;
	v35 =	vadd.s32 s26, v0;
	v51 =	vadd.f32 v54, v26;
	v48 =	vld.idx.msk [tilespmem:v55+s13+$0x0], $0xffff  }
0x567: {  	v53 =	vor.u32 $0x30, v35  }
0x568: {  	v43 =	vand.u32 $0x3F, v53  }
0x569: {  	v54 =	vor.u32 v17, v43  }
0x56a: {  	v55 =	vor.u32 v1, v43;
	_ =	sdelay $0x1  }
0x56b: {  	v52 =	vld.idx.msk [tilespmem:v52+s13+$0x0], $0xffff  }
0x56c: {  	v61 =	vand.u32 $0x388, v36;
	v17 =	vld.idx.msk [tilespmem:v41+s9+$0x0], $0xffff  }
0x56d: {  	v37 =	vand.u32 $0x1C00, v37;
	v36 =	vshll.u32 v35, $0x7;
	v53 =	vshll.u32 v53, $0x7;
	v35 =	vld.idx.msk [tilespmem:v54+s9+$0x0], $0xffff  }
0x56e: {  	v37 =	vor.u32 v2, v37;
	v63 =	vor.u32 v0, v36;
	v53 =	vand.u32 $0x1C00, v53;
	v62 =	vld.idx.msk [tilespmem:v55+s13+$0x0], $0xffff  }
0x56f: {  	v56 =	vor.u32 v61, v37;
	v41 =	vor.u32 v2, v53;
	v55 =	vand.u32 $0x388, v63  }
0x570: {  	v60 =	vor.u32 v3, v27;
	v55 =	vor.u32 v55, v41  }
0x571: {  	v57 =	vor.u32 v3, v43  }
0x572: {  	v52 =	vadd.f32 v52, v17  }
0x573: {  	v54 =	vadd.f32 v62, v35  }
0x574: {  	[tilespmem:v56+s19+$0x0] =	vst.idx.msk $0xffff, v52  }
0x575: {  	v61 =	vor.u32 v4, v20;
	v52 =	vld.idx.msk [tilespmem:v60+s13+$0x0], $0xffff;
	[tilespmem:v55+s19+$0x0] =	vst.idx.msk $0xffff, v54  }
0x576: {  	v53 =	vand.u32 $0x398, v61;
	v62 =	vor.u32 v4, v36;
	v54 =	vld.idx.msk [tilespmem:v57+s13+$0x0], $0xffff  }
0x577: {  	v53 =	vor.u32 v53, v37;
	v55 =	vand.u32 $0x398, v62  }
0x578: {  	v63 =	vor.u32 v5, v27;
	v55 =	vor.u32 v55, v41  }
0x579: {  	v60 =	vor.u32 v5, v43  }
0x57a: {  	v52 =	vadd.f32 v52, v17  }
0x57b: {  	v54 =	vadd.f32 v54, v35  }
0x57c: {  	[tilespmem:v53+s19+$0x0] =	vst.idx.msk $0xffff, v52  }
0x57d: {  	v45 =	vand.u32 $0x3B8, v45;
	v61 =	vor.u32 v6, v20;
	v52 =	vld.idx.msk [tilespmem:v63+s13+$0x0], $0xffff;
	[tilespmem:v55+s19+$0x0] =	vst.idx.msk $0xffff, v54  }
0x57e: {  	v45 =	vor.u32 v45, v28;
	v62 =	vor.u32 v6, v36;
	v53 =	vand.u32 $0x3A8, v61;
	v54 =	vld.idx.msk [tilespmem:v60+s13+$0x0], $0xffff  }
0x57f: {  	v53 =	vor.u32 v53, v37;
	v55 =	vand.u32 $0x3A8, v62  }
0x580: {  	v63 =	vor.u32 v7, v27;
	v55 =	vor.u32 v55, v41  }
0x581: {  	v59 =	vor.u32 v7, v43;
	v48 =	vadd.f32 v48, v22  }
0x582: {  	[tilespmem:v50+s19+$0x0] =	vst.idx.msk $0xffff, v51;
	v52 =	vadd.f32 v52, v17  }
0x583: {  	v39 =	vor.u32 v15, v39;
	v49 =	vld.idx.msk [tilespmem:v49+s13+$0x0], $0xffff;
	[tilespmem:v45+s19+$0x0] =	vst.idx.msk $0xffff, v48;
	v54 =	vadd.f32 v54, v35  }
0x584: {  	v47 =	vadd.f32 v47, v24;
	v44 =	vld.idx.msk [tilespmem:v44+s13+$0x0], $0xffff;
	v60 =	vor.u32 v8, v30;
	[tilespmem:v53+s19+$0x0] =	vst.idx.msk $0xffff, v52  }
0x585: {  	v61 =	vor.u32 v8, v20;
	v51 =	vand.u32 $0x3B8, v60;
	v62 =	vld.idx.msk [tilespmem:v63+s13+$0x0], $0xffff;
	[tilespmem:v55+s19+$0x0] =	vst.idx.msk $0xffff, v54  }
0x586: {  	v51 =	vor.u32 v51, v32;
	v53 =	vand.u32 $0x3B8, v61;
	v63 =	vor.u32 v8, v36;
	v50 =	vld.idx.msk [tilespmem:v59+s13+$0x0], $0xffff  }
0x587: {  	v52 =	vor.u32 v9, v29;
	v57 =	vor.u32 v53, v37;
	v58 =	vand.u32 $0x3B8, v63  }
0x588: {  	v56 =	vadd.f32 v49, v26;
	v49 =	vor.u32 v58, v41;
	v59 =	vor.u32 v9, v27  }
0x589: {  	v21 =	vand.u32 $0x3C8, v21;
	v18 =	vor.u32 v16, v18;
	v60 =	vor.u32 v9, v43  }
0x58a: {  	v25 =	vor.u32 v25, v38;
	v21 =	vor.u32 v21, v28;
	v54 =	vadd.f32 v62, v17  }
0x58b: {  	v44 =	vadd.f32 v44, v22;
	[tilespmem:v51+s19+$0x0] =	vst.idx.msk $0xffff, v56;
	v50 =	vadd.f32 v50, v35  }
0x58c: {  	v61 =	vor.u32 v10, v30;
	v55 =	vor.u32 v10, v20;
	v51 =	vld.idx.msk [tilespmem:v52+s13+$0x0], $0xffff;
	[tilespmem:v57+s19+$0x0] =	vst.idx.msk $0xffff, v54  }
0x58d: {  	v52 =	vand.u32 $0x3C8, v61;
	v62 =	vor.u32 v11, v33;
	v56 =	vld.idx.msk [tilespmem:v59+s13+$0x0], $0xffff;
	[tilespmem:v49+s19+$0x0] =	vst.idx.msk $0xffff, v50  }
0x58e: {  	v52 =	vor.u32 v52, v32;
	v57 =	vor.u32 v10, v36;
	v49 =	vand.u32 $0x3C8, v55;
	v45 =	vld.idx.msk [tilespmem:v60+s13+$0x0], $0xffff  }
0x58f: {  	v63 =	vor.u32 v11, v29;
	v53 =	vand.u32 $0x3C8, v57;
	v49 =	vor.u32 v49, v37  }
0x590: {  	v46 =	vadd.f32 v46, v23;
	v58 =	vor.u32 v11, v27;
	v59 =	vor.u32 v53, v41  }
0x591: {  	v18 =	vand.u32 $0x3F8, v18;
	[tilespmem:v21+s19+$0x0] =	vst.idx.msk $0xffff, v44;
	v51 =	vadd.f32 v51, v26;
	v60 =	vor.u32 v11, v43  }
0x592: {  	v18 =	vor.u32 v18, v40;
	v61 =	vor.u32 v12, v19;
	v48 =	vld.idx.msk [tilespmem:v62+s13+$0x0], $0xffff;
	v50 =	vadd.f32 v56, v17  }
0x593: {  	v62 =	vor.u32 v12, v30;
	[tilespmem:v52+s19+$0x0] =	vst.idx.msk $0xffff, v51;
	v51 =	vand.u32 $0x3D8, v61;
	v45 =	vadd.f32 v45, v35  }
0x594: {  	v54 =	vand.u32 $0x3D8, v62;
	v52 =	vld.idx.msk [tilespmem:v63+s13+$0x0], $0xffff;
	v51 =	vor.u32 v51, v28;
	[tilespmem:v49+s19+$0x0] =	vst.idx.msk $0xffff, v50  }
0x595: {  	v63 =	vor.u32 v12, v20;
	v49 =	vor.u32 v13, v33;
	v21 =	vld.idx.msk [tilespmem:v58+s13+$0x0], $0xffff;
	[tilespmem:v59+s19+$0x0] =	vst.idx.msk $0xffff, v45  }
0x596: {  	v50 =	vor.u32 v54, v32;
	v58 =	vand.u32 $0x3D8, v63;
	v59 =	vor.u32 v12, v36;
	v45 =	vld.idx.msk [tilespmem:v60+s13+$0x0], $0xffff  }
0x597: {  	[tilespmem:v42+s19+$0x0] =	vst.idx.msk $0xffff, v47;
	v57 =	vor.u32 v13, v29;
	v61 =	vor.u32 v58, v37;
	v62 =	vand.u32 $0x3D8, v59  }
0x598: {  	v63 =	vor.u32 v13, v27;
	v60 =	vadd.f32 v48, v22;
	v48 =	vor.u32 v62, v41  }
0x599: {  	v55 =	vor.u32 v14, v19;
	v52 =	vadd.f32 v52, v26;
	v54 =	vor.u32 v13, v43  }
0x59a: {  	v31 =	vld.idx.msk [tilespmem:v31+s13+$0x0], $0xffff;
	v40 =	vand.u32 $0x3E8, v55;
	[tilespmem:v51+s19+$0x0] =	vst.idx.msk $0xffff, v60;
	v21 =	vadd.f32 v21, v17  }
0x59b: {  	v40 =	vor.u32 v40, v28;
	[tilespmem:v50+s19+$0x0] =	vst.idx.msk $0xffff, v52;
	v49 =	vld.idx.msk [tilespmem:v49+s13+$0x0], $0xffff;
	v45 =	vadd.f32 v45, v35  }
0x59c: {  	v56 =	vor.u32 v15, v33;
	v44 =	vld.idx.msk [tilespmem:v57+s13+$0x0], $0xffff;
	v57 =	vor.u32 v14, v30;
	[tilespmem:v61+s19+$0x0] =	vst.idx.msk $0xffff, v21  }
0x59d: {  	v59 =	vor.u32 v14, v20;
	v58 =	vand.u32 $0x3E8, v57;
	v38 =	vld.idx.msk [tilespmem:v63+s13+$0x0], $0xffff;
	[tilespmem:v48+s19+$0x0] =	vst.idx.msk $0xffff, v45  }
0x59e: {  	v60 =	vand.u32 $0x3E8, v59;
	v21 =	vor.u32 v58, v32;
	v61 =	vor.u32 v14, v36;
	v42 =	vld.idx.msk [tilespmem:v54+s13+$0x0], $0xffff  }
0x59f: {  	[tilespmem:v34+s19+$0x0] =	vst.idx.msk $0xffff, v46;
	v62 =	vor.u32 v15, v29;
	v63 =	vor.u32 v60, v37;
	v48 =	vand.u32 $0x3E8, v61  }
0x5a0: {  	v51 =	vor.u32 v15, v27;
	v50 =	vadd.f32 v49, v22;
	v45 =	vor.u32 v48, v41  }
0x5a1: {  	v19 =	vor.u32 v16, v19;
	v43 =	vor.u32 v15, v43;
	v53 =	vadd.f32 v44, v26  }
0x5a2: {  	v39 =	vld.idx.msk [tilespmem:v39+s13+$0x0], $0xffff;
	v19 =	vand.u32 $0x3F8, v19;
	[tilespmem:v40+s19+$0x0] =	vst.idx.msk $0xffff, v50;
	v38 =	vadd.f32 v38, v17  }
0x5a3: {  	v55 =	vor.u32 v16, v30;
	[tilespmem:v21+s19+$0x0] =	vst.idx.msk $0xffff, v53;
	v33 =	vld.idx.msk [tilespmem:v56+s13+$0x0], $0xffff;
	v54 =	vadd.f32 v42, v35  }
0x5a4: {  	v19 =	vor.u32 v19, v28;
	v52 =	vadd.f32 v31, v24;
	v29 =	vld.idx.msk [tilespmem:v62+s13+$0x0], $0xffff;
	[tilespmem:v63+s19+$0x0] =	vst.idx.msk $0xffff, v38  }
0x5a5: {  	v57 =	vor.u32 v16, v20;
	v56 =	vand.u32 $0x3F8, v55;
	v27 =	vld.idx.msk [tilespmem:v51+s13+$0x0], $0xffff;
	[tilespmem:v45+s19+$0x0] =	vst.idx.msk $0xffff, v54  }
0x5a6: {  	v20 =	vand.u32 $0x3F8, v57;
	v60 =	vor.u32 v16, v36;
	v58 =	vor.u32 v56, v32;
	v59 =	vld.idx.msk [tilespmem:v43+s13+$0x0], $0xffff  }
0x5a7: {  	v20 =	vor.u32 v20, v37;
	v61 =	vadd.f32 v39, v23;
	v30 =	vand.u32 $0x3F8, v60  }
0x5a8: {  	s23 =	sadd.s32 $0x1, s23;
	[tilespmem:v25+s19+$0x0] =	vst.idx.msk $0xffff, v52;
	v63 =	vor.u32 v30, v41;
	v62 =	vadd.f32 v33, v22  }
0x5a9: {  	p0 =	sne.s32 s23, $0x64;
	[tilespmem:v18+s19+$0x0] =	vst.idx.msk $0xffff, v61;
	v18 =	vadd.f32 v29, v26  }
.Ltmp8:
0x5aa: {  	s24 =	sshll.u32 s24, $0x12;
	[tilespmem:v19+s19+$0x0] =	vst.idx.msk $0xffff, v62;
	v17 =	vadd.f32 v27, v17;
	(pc) =	sbr.rel @p0 .LBB2_2-.Ltmp8, $4  }
0x5ab: {  	s24 =	sor.u32 s7, s24;
	[tilespmem:v58+s19+$0x0] =	vst.idx.msk $0xffff, v18;
	v18 =	vadd.f32 v59, v35  }
0x5ac: {  	s24 =	sshrl.u32 s24, $0x3;
	[tilespmem:v20+s19+$0x0] =	vst.idx.msk $0xffff, v17  }
0x5ad: {  	s24 =	sadd.s32 s2, s24;
	[tilespmem:v63+s19+$0x0] =	vst.idx.msk $0xffff, v18  }
0x5ae: {  	[hbm4b:s24+s16] =	stream.strided.scatter [tilespmem:s19], [sflag:$0x4], $0x2000, s17, s16, $0x38;
	[tilespmem:$0x11600] =	vst v63  }
0x5af: {  	s22 =	sadd.s32 $0x1, s22  }
0x5b0: {  	_ =	swait.ge [sflag:s20], $0x2000;
	p0 =	sne.s32 s22, s8  }
.Ltmp9:
0x5b1: {  	[sflag:s20] =	ssyncset.done $0x0;
	(pc) =	sbr.rel @p0 .LBB2_1-.Ltmp9, $4  }
0x5b2: {  	[sflag:s20] =	ssyncadd.s32 $0xFFFFE000  }
0x5b3: {  	_ =	swait.ge [sflag:s21], $0x2000  }
0x5b4: {  	[sflag:s21] =	ssyncset.done $0x0  }
0x5b5: {  	[sflag:s21] =	ssyncadd.s32 $0xFFFFE000  }
0x5b6: {  	_ =	sfence.sel $0x180000  }
0x5b7: {  	[bflag:$0x0] =	sbarrier.arrive $0xFFFF  }
0x5b8: {  	p0 =	sne.s32 s0, $0x0;
	_ =	strace $0x90000047  }
0x5b9: {  	s0 =	sadd.s32 @!p0 $0x100000, s1;
	[bflag:$0x2] =	sbarrier.arrive $0xFFFF  }
0x5ba: {  	[sflag:s0] =	ssyncadd.tile.s32 @!p0 $0x1;
	_ =	shalt  }
.Lfunc_end2:
_tile_overlayer_lowered:
.L_overlay_start_2:
0x5bb: {  	(tag) =	ssettag $0x2  }
0x5bc: {  	s0 =	rddreg [dreg:$0x0];
	s2 =	stileid.u32  }
0x5bd: {  	s1 =	rddreg [dreg:$0x1];
	p0 =	sne.s32 s2, $0x0  }
0x5be: {  	s3 =	rddreg [dreg:$0x2];
	[bflag:$0x3] =	sbarrier.arrive $0xFFFF;
	s2 =	simm.s32 @!p0 $0x1C05  }
0x5bf: {  	[timem:s3], [sflag:s2] =	dma.local @!p0 [hbm:s0], s1  }
0x5c0: {  	s0 =	simm.s32 @!p0 $0x5  }
0x5c1: {  	_ =	swait.ge @!p0 [sflag:s0], s1  }
0x5c2: {  	s1 =	ssub.s32 @!p0 $0x0, s1;
	[sflag:s0] =	ssyncset.done @!p0 $0x0  }
0x5c3: {  	[sflag:s0] =	ssyncadd.s32 @!p0 s1  }
0x5c4: {  	[bflag:$0x3] =	sbarrier.arrive $0xFFFF  }
0x5c5: {  	_ =	shalt  }

</sc_bundles>
